<compile_context>
chip_gen: v7x
topology: tpu7x:2x2x1
jax: 0.10.2.dev20260603
libtpu: 0.0.44.dev20260713+nightly
codegen_flags: <defaults>
</compile_context>

<pallas_src>
import functools

import jax
import jax.numpy as jnp
from jax import lax
from jax.experimental import pallas as pl
from jax.experimental.pallas import tpu as pltpu
from jax.experimental.pallas import tpu_sc as plsc

_N_NODES = 10000
_N_EDGES = 160000
_D_FEAT = 256
_D_EDGE = 16
_D_OUT = 256

_NC = 2
_NS = 16
_L = 16
_NW = _NC * _NS
_EPW = _N_EDGES // _NW
_C = 40
_NCHUNK = _EPW // _C



def _pack_pairs(x):
    u = jax.lax.bitcast_convert_type(x.astype(jnp.bfloat16), jnp.uint16)
    lo = u[:, :_D_OUT // 2].astype(jnp.uint32)
    hi = u[:, _D_OUT // 2:].astype(jnp.uint32)
    return jax.lax.bitcast_convert_type(lo | (hi << 16), jnp.int32)


def _node_proj_body(nodes_ref, w_ref, pr_ref, ps_ref):
    x = nodes_ref[...]
    w_r = w_ref[_D_EDGE:_D_EDGE + _D_FEAT, :]
    w_s = w_ref[_D_EDGE + _D_FEAT:, :]
    pr_ref[...] = _pack_pairs(
        jnp.dot(x, w_r, preferred_element_type=jnp.float32))
    ps_ref[...] = _pack_pairs(
        jnp.dot(x, w_s, preferred_element_type=jnp.float32))


def _edge_proj_body(edges_t_ref, w_ref, b_ref, out_ref):
    w_e = w_ref[:_D_EDGE, :]
    prod = jax.lax.dot_general(
        edges_t_ref[...], w_e, (((0,), (0,)), ((), ())),
        preferred_element_type=jnp.float32)
    out_ref[...] = _pack_pairs(prod + b_ref[...])


def _node_projections(nodes, w):
    blk = 1000
    grid = _N_NODES // blk
    return pl.pallas_call(
        _node_proj_body,
        grid=(grid,),
        in_specs=[
            pl.BlockSpec((blk, _D_FEAT), lambda i: (i, 0)),
            pl.BlockSpec(w.shape, lambda i: (0, 0)),
        ],
        out_specs=[
            pl.BlockSpec((blk, _D_OUT // 2), lambda i: (i, 0)),
            pl.BlockSpec((blk, _D_OUT // 2), lambda i: (i, 0)),
        ],
        out_shape=[
            jax.ShapeDtypeStruct((_N_NODES, _D_OUT // 2), jnp.int32),
            jax.ShapeDtypeStruct((_N_NODES, _D_OUT // 2), jnp.int32),
        ],
    )(nodes, w)


def _edge_projection(edges_t, w, b2d):
    blk = 16000
    grid = _N_EDGES // blk
    return pl.pallas_call(
        _edge_proj_body,
        grid=(grid,),
        in_specs=[
            pl.BlockSpec((_D_EDGE, blk), lambda i: (0, i)),
            pl.BlockSpec(w.shape, lambda i: (0, 0)),
            pl.BlockSpec((1, _D_OUT), lambda i: (0, 0)),
        ],
        out_specs=pl.BlockSpec((blk, _D_OUT // 2), lambda i: (i, 0)),
        out_shape=jax.ShapeDtypeStruct((_N_EDGES, _D_OUT // 2), jnp.int32),
    )(edges_t, w, b2d)



def _sc_body(pr_hbm, ps_hbm, eb_hbm, recv_hbm, send_hbm, out_hbm,
             idx_r, idx_s,
             r0, s0, e0, o0, r1, s1, e1, o1,
             gsem0, ssem0, gsem1, ssem1):
    wid = lax.axis_index("s") * _NC + lax.axis_index("c")
    base = wid * _EPW
    pltpu.sync_copy(recv_hbm.at[pl.ds(base, _EPW)], idx_r)
    pltpu.sync_copy(send_hbm.at[pl.ds(base, _EPW)], idx_s)

    bufs = ((r0, s0, e0, o0, gsem0, ssem0), (r1, s1, e1, o1, gsem1, ssem1))

    def start_gather(ci, b):
        r, s, e, _o, gs, _ss = bufs[b]
        pltpu.async_copy(pr_hbm.at[idx_r.at[pl.ds(ci * _C, _C)]], r, gs)
        pltpu.async_copy(ps_hbm.at[idx_s.at[pl.ds(ci * _C, _C)]], s, gs)
        pltpu.async_copy(eb_hbm.at[pl.ds(base + ci * _C, _C)], e, gs)

    def wait_gather(b):
        r, s, e, _o, gs, _ss = bufs[b]
        pltpu.make_async_copy(pr_hbm.at[pl.ds(0, _C)], r, gs).wait()
        pltpu.make_async_copy(ps_hbm.at[pl.ds(0, _C)], s, gs).wait()
        pltpu.make_async_copy(eb_hbm.at[pl.ds(0, _C)], e, gs).wait()

    def start_store(ci, b):
        _r, _s, _e, o, _gs, ss = bufs[b]
        pltpu.async_copy(o, out_hbm.at[pl.ds(base + ci * _C, _C)], ss)

    def wait_store(b):
        _r, _s, _e, o, _gs, ss = bufs[b]
        pltpu.make_async_copy(o, out_hbm.at[pl.ds(0, _C)], ss).wait()

    def add_chunk(b):
        r, s, e, o, _gs, _ss = bufs[b]

        def halves(w):
            lo = jax.lax.bitcast_convert_type(w << 16, jnp.float32)
            hi = jax.lax.bitcast_convert_type(w, jnp.float32)
            return lo, hi

        @plsc.parallel_loop(0, _C, 1, unroll=8)
        def _row(i):
            for j in range(_D_OUT // (2 * _L)):
                sl = pl.ds(j * _L, _L)
                ra, rb = halves(r[i, sl])
                sa, sb = halves(s[i, sl])
                ea, ebv = halves(e[i, sl])
                o[i, pl.ds(j * _L, _L)] = ea + ra + sa
                o[i, pl.ds(_D_OUT // 2 + j * _L, _L)] = ebv + rb + sb

    start_gather(0, 0)
    start_gather(1, 1)

    def pair(g, carry):
        for b in (0, 1):
            ci = 2 * g + b
            wait_gather(b)

            @pl.when(g > 0)
            def _():
                wait_store(b)

            add_chunk(b)

            @pl.when(ci + 2 < _NCHUNK)
            def _():
                start_gather(ci + 2, b)

            start_store(ci, b)
        return carry

    lax.fori_loop(0, _NCHUNK // 2, pair, 0)

    wait_gather(0)
    wait_store(0)
    add_chunk(0)
    start_store(_NCHUNK - 1, 0)
    wait_store(0)
    wait_store(1)


_sc_gather_add = functools.partial(
    pl.kernel,
    out_type=jax.ShapeDtypeStruct((_N_EDGES, _D_OUT), jnp.float32),
    mesh=plsc.VectorSubcoreMesh(core_axis_name="c", subcore_axis_name="s"),
    scratch_types=[
        pltpu.VMEM((_EPW,), jnp.int32),
        pltpu.VMEM((_EPW,), jnp.int32),
        pltpu.VMEM((_C, _D_OUT // 2), jnp.int32),
        pltpu.VMEM((_C, _D_OUT // 2), jnp.int32),
        pltpu.VMEM((_C, _D_OUT // 2), jnp.int32),
        pltpu.VMEM((_C, _D_OUT), jnp.float32),
        pltpu.VMEM((_C, _D_OUT // 2), jnp.int32),
        pltpu.VMEM((_C, _D_OUT // 2), jnp.int32),
        pltpu.VMEM((_C, _D_OUT // 2), jnp.int32),
        pltpu.VMEM((_C, _D_OUT), jnp.float32),
        pltpu.SemaphoreType.DMA,
        pltpu.SemaphoreType.DMA,
        pltpu.SemaphoreType.DMA,
        pltpu.SemaphoreType.DMA,
    ],
)(_sc_body)


def kernel(edges, nodes, W, b, senders, receivers):
    pr, ps = _node_projections(nodes, W)
    eb = _edge_projection(edges.T, W, b.reshape(1, _D_OUT))
    return _sc_gather_add(pr, ps, eb, receivers, senders)

# --- scband reference (transcript-rebuilt; emitter-appended) ---
"""Pipeline reference for scband-edge-block-65249143161007 (READ-ONLY COPY).

The authoritative reference and input builder live on the scoring server;
editing this copy changes nothing except your own understanding.
"""

import jax, jax.numpy as jnp
import numpy as np

N_NODES = 10000
N_EDGES = 160000
D_FEAT = 256
D_EDGE = 16
D_OUT = 256

def setup_inputs(seed: int = 0) -> dict:
    key = jax.random.key(seed)
    k1, k2, k3, k4, k5 = jax.random.split(key, 5)
    edges = jax.random.normal(k1, (N_EDGES, D_EDGE), dtype=jnp.float32)
    nodes = jax.random.normal(k2, (N_NODES, D_FEAT), dtype=jnp.float32)
    senders = jax.random.randint(k3, (N_EDGES,), 0, N_NODES, dtype=jnp.int32)
    receivers = jax.random.randint(k4, (N_EDGES,), 0, N_NODES, dtype=jnp.int32)
    d_in = D_EDGE + 2 * D_FEAT
    W = jax.random.normal(k5, (d_in, D_OUT), dtype=jnp.float32) * (1.0 / np.sqrt(d_in))
    b = jnp.zeros((D_OUT,), dtype=jnp.float32)
    return {"edges": edges, "nodes": nodes, "W": W, "b": b, "senders": senders, "receivers": receivers}

def reference(edges, nodes, W, b, senders, receivers):
    # EdgeBlock.forward: collect [edges, nodes[receivers], nodes[senders]],
    # concat on last axis, apply edge model (Linear), return updated edges.
    recv_feats = jnp.take(nodes, receivers, axis=0)
    send_feats = jnp.take(nodes, senders, axis=0)
    collected_edges = jnp.concatenate([edges, recv_feats, send_feats], axis=-1)
    updated_edges = collected_edges @ W + b
    return updated_edges

if __name__ == "__main__":
    import jax
    _d = setup_inputs()
    print(jax.jit(kernel)(*tuple(_d.values())))

</pallas_src>

<mosaic_0001>
#map = affine_map<(d0, d1) -> (0, 0)>
#map1 = affine_map<(d0, d1) -> (0)>
module attributes {stable_mosaic.version = 14 : i64} {
  func.func @_sc_body(%arg0: i32, %arg1: i32, %arg2: memref<10000x128xi32, #tpu.memory_space<hbm>>, %arg3: memref<10000x128xi32, #tpu.memory_space<hbm>>, %arg4: memref<160000x128xi32, #tpu.memory_space<hbm>>, %arg5: memref<160000xi32, #tpu.memory_space<hbm>>, %arg6: memref<160000xi32, #tpu.memory_space<hbm>>, %arg7: memref<160000x256xf32, #tpu.memory_space<hbm>>, %arg8: memref<5000xi32, #tpu.memory_space<vmem>>, %arg9: memref<5000xi32, #tpu.memory_space<vmem>>, %arg10: memref<40x128xi32, #tpu.memory_space<vmem>>, %arg11: memref<40x128xi32, #tpu.memory_space<vmem>>, %arg12: memref<40x128xi32, #tpu.memory_space<vmem>>, %arg13: memref<40x256xf32, #tpu.memory_space<vmem>>, %arg14: memref<40x128xi32, #tpu.memory_space<vmem>>, %arg15: memref<40x128xi32, #tpu.memory_space<vmem>>, %arg16: memref<40x128xi32, #tpu.memory_space<vmem>>, %arg17: memref<40x256xf32, #tpu.memory_space<vmem>>, %arg18: memref<!tpu.dma_semaphore, #tpu.memory_space<semaphore_mem>>, %arg19: memref<!tpu.dma_semaphore, #tpu.memory_space<semaphore_mem>>, %arg20: memref<!tpu.dma_semaphore, #tpu.memory_space<semaphore_mem>>, %arg21: memref<!tpu.dma_semaphore, #tpu.memory_space<semaphore_mem>>) attributes {dimension_semantics = [#tpu.dimension_semantics<core_parallel>, #tpu.dimension_semantics<subcore_parallel>], iteration_bounds = array<i64: 2, 16>, scalar_prefetch = 0 : i64, scratch_operands = 14 : i64, tpu.core_type = #tpu.core_type<sc_vector_subcore>, window_params = [{transform_indices = #map}, {transform_indices = #map}, {transform_indices = #map}, {transform_indices = #map1}, {transform_indices = #map1}, {transform_indices = #map}]} {
    %mul3A = arith.constant 2 : i32
    %mul3A_0 = arith.muli %arg1, %mul3A : i32
    %add3A = arith.addi %mul3A_0, %arg0 : i32
    %mul3A_1 = arith.constant 5000 : i32
    %mul3A_2 = arith.muli %add3A, %mul3A_1 : i32
    "tpu.region"() ({
      %run_scoped3A = tpu.sem_alloc : memref<!tpu.dma_semaphore, #tpu.memory_space<semaphore_mem>>
      %dma_start3A_82 = tpu.memref_slice %arg5[%mul3A_2] : memref<160000xi32, #tpu.memory_space<hbm>> -> memref<5000xi32, #tpu.memory_space<hbm>>
      %dma_start3A_83 = tpu.memref_slice %arg5[%mul3A_2] : memref<160000xi32, #tpu.memory_space<hbm>> -> memref<5000xi32, #tpu.memory_space<hbm>>
      tpu.enqueue_dma source(%dma_start3A_83 : memref<5000xi32, #tpu.memory_space<hbm>>) target(%arg8 : memref<5000xi32, #tpu.memory_space<vmem>>) target_semaphore(%run_scoped3A : memref<!tpu.dma_semaphore, #tpu.memory_space<semaphore_mem>>)
      %dma_wait3A_84 = tpu.memref_slice %arg5[%mul3A_2] : memref<160000xi32, #tpu.memory_space<hbm>> -> memref<5000xi32, #tpu.memory_space<hbm>>
      %dma_wait3A_85 = tpu.memref_slice %arg5[%mul3A_2] : memref<160000xi32, #tpu.memory_space<hbm>> -> memref<5000xi32, #tpu.memory_space<hbm>>
      tpu.wait_dma2 semaphore(%run_scoped3A : memref<!tpu.dma_semaphore, #tpu.memory_space<semaphore_mem>>) src(%dma_wait3A_85 : memref<5000xi32, #tpu.memory_space<hbm>>) dst(%arg8 : memref<5000xi32, #tpu.memory_space<vmem>>)
      tpu.yield
    }) : () -> ()
    "tpu.region"() ({
      %run_scoped3A = tpu.sem_alloc : memref<!tpu.dma_semaphore, #tpu.memory_space<semaphore_mem>>
      %dma_start3A_82 = tpu.memref_slice %arg6[%mul3A_2] : memref<160000xi32, #tpu.memory_space<hbm>> -> memref<5000xi32, #tpu.memory_space<hbm>>
      %dma_start3A_83 = tpu.memref_slice %arg6[%mul3A_2] : memref<160000xi32, #tpu.memory_space<hbm>> -> memref<5000xi32, #tpu.memory_space<hbm>>
      tpu.enqueue_dma source(%dma_start3A_83 : memref<5000xi32, #tpu.memory_space<hbm>>) target(%arg9 : memref<5000xi32, #tpu.memory_space<vmem>>) target_semaphore(%run_scoped3A : memref<!tpu.dma_semaphore, #tpu.memory_space<semaphore_mem>>)
      %dma_wait3A_84 = tpu.memref_slice %arg6[%mul3A_2] : memref<160000xi32, #tpu.memory_space<hbm>> -> memref<5000xi32, #tpu.memory_space<hbm>>
      %dma_wait3A_85 = tpu.memref_slice %arg6[%mul3A_2] : memref<160000xi32, #tpu.memory_space<hbm>> -> memref<5000xi32, #tpu.memory_space<hbm>>
      tpu.wait_dma2 semaphore(%run_scoped3A : memref<!tpu.dma_semaphore, #tpu.memory_space<semaphore_mem>>) src(%dma_wait3A_85 : memref<5000xi32, #tpu.memory_space<hbm>>) dst(%arg9 : memref<5000xi32, #tpu.memory_space<vmem>>)
      tpu.yield
    }) : () -> ()
    %dma_start3A = arith.constant 0 : i32
    %dma_start3A_3 = tpu.memref_slice %arg8[%dma_start3A] : memref<5000xi32, #tpu.memory_space<vmem>> -> memref<40xi32, #tpu.memory_space<vmem>>
    %dma_start3A_4 = arith.constant 0 : i32
    %dma_start3A_5 = arith.constant 0 : i32
    %dma_start3A_6 = tpu.memref_slice %arg2[%dma_start3A_4, %dma_start3A_5] : memref<10000x128xi32, #tpu.memory_space<hbm>> -> memref<10000x128xi32, #tpu.memory_space<hbm>>
    tpu.enqueue_indirect_dma source(%dma_start3A_6 : memref<10000x128xi32, #tpu.memory_space<hbm>>) target(%arg10 : memref<40x128xi32, #tpu.memory_space<vmem>>) offsets(%dma_start3A_3 : memref<40xi32, #tpu.memory_space<vmem>>) semaphore(%arg18 : memref<!tpu.dma_semaphore, #tpu.memory_space<semaphore_mem>>)
    %dma_start3A_7 = arith.constant 0 : i32
    %dma_start3A_8 = tpu.memref_slice %arg9[%dma_start3A_7] : memref<5000xi32, #tpu.memory_space<vmem>> -> memref<40xi32, #tpu.memory_space<vmem>>
    %dma_start3A_9 = arith.constant 0 : i32
    %dma_start3A_10 = arith.constant 0 : i32
    %dma_start3A_11 = tpu.memref_slice %arg3[%dma_start3A_9, %dma_start3A_10] : memref<10000x128xi32, #tpu.memory_space<hbm>> -> memref<10000x128xi32, #tpu.memory_space<hbm>>
    tpu.enqueue_indirect_dma source(%dma_start3A_11 : memref<10000x128xi32, #tpu.memory_space<hbm>>) target(%arg11 : memref<40x128xi32, #tpu.memory_space<vmem>>) offsets(%dma_start3A_8 : memref<40xi32, #tpu.memory_space<vmem>>) semaphore(%arg18 : memref<!tpu.dma_semaphore, #tpu.memory_space<semaphore_mem>>)
    %add3A_12 = arith.constant 0 : i32
    %add3A_13 = arith.addi %mul3A_2, %add3A_12 : i32
    %dma_start3A_14 = arith.constant 0 : i32
    %dma_start3A_15 = tpu.memref_slice %arg4[%add3A_13, %dma_start3A_14] : memref<160000x128xi32, #tpu.memory_space<hbm>> -> memref<40x128xi32, #tpu.memory_space<hbm>>
    %dma_start3A_16 = arith.constant 0 : i32
    %dma_start3A_17 = tpu.memref_slice %arg4[%add3A_13, %dma_start3A_16] : memref<160000x128xi32, #tpu.memory_space<hbm>> -> memref<40x128xi32, #tpu.memory_space<hbm>>
    tpu.enqueue_dma source(%dma_start3A_17 : memref<40x128xi32, #tpu.memory_space<hbm>>) target(%arg12 : memref<40x128xi32, #tpu.memory_space<vmem>>) target_semaphore(%arg18 : memref<!tpu.dma_semaphore, #tpu.memory_space<semaphore_mem>>)
    %dma_start3A_18 = arith.constant 40 : i32
    %dma_start3A_19 = tpu.memref_slice %arg8[%dma_start3A_18] : memref<5000xi32, #tpu.memory_space<vmem>> -> memref<40xi32, #tpu.memory_space<vmem>>
    %dma_start3A_20 = arith.constant 0 : i32
    %dma_start3A_21 = arith.constant 0 : i32
    %dma_start3A_22 = tpu.memref_slice %arg2[%dma_start3A_20, %dma_start3A_21] : memref<10000x128xi32, #tpu.memory_space<hbm>> -> memref<10000x128xi32, #tpu.memory_space<hbm>>
    tpu.enqueue_indirect_dma source(%dma_start3A_22 : memref<10000x128xi32, #tpu.memory_space<hbm>>) target(%arg14 : memref<40x128xi32, #tpu.memory_space<vmem>>) offsets(%dma_start3A_19 : memref<40xi32, #tpu.memory_space<vmem>>) semaphore(%arg20 : memref<!tpu.dma_semaphore, #tpu.memory_space<semaphore_mem>>)
    %dma_start3A_23 = arith.constant 40 : i32
    %dma_start3A_24 = tpu.memref_slice %arg9[%dma_start3A_23] : memref<5000xi32, #tpu.memory_space<vmem>> -> memref<40xi32, #tpu.memory_space<vmem>>
    %dma_start3A_25 = arith.constant 0 : i32
    %dma_start3A_26 = arith.constant 0 : i32
    %dma_start3A_27 = tpu.memref_slice %arg3[%dma_start3A_25, %dma_start3A_26] : memref<10000x128xi32, #tpu.memory_space<hbm>> -> memref<10000x128xi32, #tpu.memory_space<hbm>>
    tpu.enqueue_indirect_dma source(%dma_start3A_27 : memref<10000x128xi32, #tpu.memory_space<hbm>>) target(%arg15 : memref<40x128xi32, #tpu.memory_space<vmem>>) offsets(%dma_start3A_24 : memref<40xi32, #tpu.memory_space<vmem>>) semaphore(%arg20 : memref<!tpu.dma_semaphore, #tpu.memory_space<semaphore_mem>>)
    %add3A_28 = arith.constant 40 : i32
    %add3A_29 = arith.addi %mul3A_2, %add3A_28 : i32
    %dma_start3A_30 = arith.constant 0 : i32
    %dma_start3A_31 = tpu.memref_slice %arg4[%add3A_29, %dma_start3A_30] : memref<160000x128xi32, #tpu.memory_space<hbm>> -> memref<40x128xi32, #tpu.memory_space<hbm>>
    %dma_start3A_32 = arith.constant 0 : i32
    %dma_start3A_33 = tpu.memref_slice %arg4[%add3A_29, %dma_start3A_32] : memref<160000x128xi32, #tpu.memory_space<hbm>> -> memref<40x128xi32, #tpu.memory_space<hbm>>
    tpu.enqueue_dma source(%dma_start3A_33 : memref<40x128xi32, #tpu.memory_space<hbm>>) target(%arg16 : memref<40x128xi32, #tpu.memory_space<vmem>>) target_semaphore(%arg20 : memref<!tpu.dma_semaphore, #tpu.memory_space<semaphore_mem>>)
    %scan3A = arith.constant 0 : i32
    %scan3A_34 = arith.constant 0 : i32
    %scan3A_35 = arith.constant 62 : i32
    %scan3A_36 = arith.addi %scan3A_34, %scan3A_35 : i32
    %scan3A_37 = arith.constant 1 : i32
    scf.for %scan3A_82 = %scan3A_34 to %scan3A_36 step %scan3A_37  : i32 {
      %mul3A_83 = arith.constant 2 : i32
      %mul3A_84 = arith.muli %mul3A_83, %scan3A_82 : i32
      %add3A_85 = arith.constant 0 : i32
      %add3A_86 = arith.addi %mul3A_84, %add3A_85 : i32
      %dma_wait3A_87 = arith.constant 0 : i32
      %dma_wait3A_88 = arith.constant 0 : i32
      %dma_wait3A_89 = tpu.memref_slice %arg2[%dma_wait3A_87, %dma_wait3A_88] : memref<10000x128xi32, #tpu.memory_space<hbm>> -> memref<40x128xi32, #tpu.memory_space<hbm>>
      %dma_wait3A_90 = arith.constant 0 : i32
      %dma_wait3A_91 = arith.constant 0 : i32
      %dma_wait3A_92 = tpu.memref_slice %arg2[%dma_wait3A_90, %dma_wait3A_91] : memref<10000x128xi32, #tpu.memory_space<hbm>> -> memref<40x128xi32, #tpu.memory_space<hbm>>
      tpu.wait_dma2 semaphore(%arg18 : memref<!tpu.dma_semaphore, #tpu.memory_space<semaphore_mem>>) src(%dma_wait3A_92 : memref<40x128xi32, #tpu.memory_space<hbm>>) dst(%arg10 : memref<40x128xi32, #tpu.memory_space<vmem>>)
      %dma_wait3A_93 = arith.constant 0 : i32
      %dma_wait3A_94 = arith.constant 0 : i32
      %dma_wait3A_95 = tpu.memref_slice %arg3[%dma_wait3A_93, %dma_wait3A_94] : memref<10000x128xi32, #tpu.memory_space<hbm>> -> memref<40x128xi32, #tpu.memory_space<hbm>>
      %dma_wait3A_96 = arith.constant 0 : i32
      %dma_wait3A_97 = arith.constant 0 : i32
      %dma_wait3A_98 = tpu.memref_slice %arg3[%dma_wait3A_96, %dma_wait3A_97] : memref<10000x128xi32, #tpu.memory_space<hbm>> -> memref<40x128xi32, #tpu.memory_space<hbm>>
      tpu.wait_dma2 semaphore(%arg18 : memref<!tpu.dma_semaphore, #tpu.memory_space<semaphore_mem>>) src(%dma_wait3A_98 : memref<40x128xi32, #tpu.memory_space<hbm>>) dst(%arg11 : memref<40x128xi32, #tpu.memory_space<vmem>>)
      %dma_wait3A_99 = arith.constant 0 : i32
      %dma_wait3A_100 = arith.constant 0 : i32
      %dma_wait3A_101 = tpu.memref_slice %arg4[%dma_wait3A_99, %dma_wait3A_100] : memref<160000x128xi32, #tpu.memory_space<hbm>> -> memref<40x128xi32, #tpu.memory_space<hbm>>
      %dma_wait3A_102 = arith.constant 0 : i32
      %dma_wait3A_103 = arith.constant 0 : i32
      %dma_wait3A_104 = tpu.memref_slice %arg4[%dma_wait3A_102, %dma_wait3A_103] : memref<160000x128xi32, #tpu.memory_space<hbm>> -> memref<40x128xi32, #tpu.memory_space<hbm>>
      tpu.wait_dma2 semaphore(%arg18 : memref<!tpu.dma_semaphore, #tpu.memory_space<semaphore_mem>>) src(%dma_wait3A_104 : memref<40x128xi32, #tpu.memory_space<hbm>>) dst(%arg12 : memref<40x128xi32, #tpu.memory_space<vmem>>)
      %gt3A = arith.constant 0 : i32
      %gt3A_105 = arith.cmpi sgt, %scan3A_82, %gt3A : i32
      %convert_element_type3A = arith.extui %gt3A_105 : i1 to i32
      %cond3A = arith.constant 0 : i32
      %cond3A_106 = arith.cmpi ne, %convert_element_type3A, %cond3A : i32
      scf.if %cond3A_106 {
        %dma_wait3A_167 = arith.constant 0 : i32
        %dma_wait3A_168 = arith.constant 0 : i32
        %dma_wait3A_169 = tpu.memref_slice %arg7[%dma_wait3A_167, %dma_wait3A_168] : memref<160000x256xf32, #tpu.memory_space<hbm>> -> memref<40x256xf32, #tpu.memory_space<hbm>>
        %dma_wait3A_170 = arith.constant 0 : i32
        %dma_wait3A_171 = arith.constant 0 : i32
        %dma_wait3A_172 = tpu.memref_slice %arg7[%dma_wait3A_170, %dma_wait3A_171] : memref<160000x256xf32, #tpu.memory_space<hbm>> -> memref<40x256xf32, #tpu.memory_space<hbm>>
        tpu.wait_dma2 semaphore(%arg19 : memref<!tpu.dma_semaphore, #tpu.memory_space<semaphore_mem>>) src(%arg13 : memref<40x256xf32, #tpu.memory_space<vmem>>) dst(%dma_wait3A_172 : memref<40x256xf32, #tpu.memory_space<hbm>>)
      } else {
      }
      %parallel_loop3A_107 = arith.constant 0 : i32
      %parallel_loop3A_108 = arith.constant 40 : i32
      %parallel_loop3A_109 = arith.constant 1 : i32
      scf.for %parallel_loop3A_167 = %parallel_loop3A_107 to %parallel_loop3A_108 step %parallel_loop3A_109  : i32 {
        %parallel_loop3A_168 = arith.index_cast %parallel_loop3A_167 : i32 to index
        %parallel_loop3A_169 = arith.constant 0 : index
        %parallel_loop3A_170 = tpu.vector_load %arg10[%parallel_loop3A_168, %parallel_loop3A_169] {strides = array<i32>} : memref<40x128xi32, #tpu.memory_space<vmem>>, vector<1x16xi32>,
        %parallel_loop3A_171 = vector.shape_cast %parallel_loop3A_170 : vector<1x16xi32> to vector<16xi32>
        %parallel_loop3A_172 = arith.constant 16 : i32
        %parallel_loop3A_173 = vector.broadcast %parallel_loop3A_172 : i32 to vector<16xi32>
        %parallel_loop3A_174 = arith.shli %parallel_loop3A_171, %parallel_loop3A_173 : vector<16xi32>
        %parallel_loop3A_175 = tpu.bitcast %parallel_loop3A_174 : vector<16xi32> -> vector<16xf32>
        %parallel_loop3A_176 = tpu.bitcast %parallel_loop3A_171 : vector<16xi32> -> vector<16xf32>
        %parallel_loop3A_177 = arith.index_cast %parallel_loop3A_167 : i32 to index
        %parallel_loop3A_178 = arith.constant 0 : index
        %parallel_loop3A_179 = tpu.vector_load %arg11[%parallel_loop3A_177, %parallel_loop3A_178] {strides = array<i32>} : memref<40x128xi32, #tpu.memory_space<vmem>>, vector<1x16xi32>,
        %parallel_loop3A_180 = vector.shape_cast %parallel_loop3A_179 : vector<1x16xi32> to vector<16xi32>
        %parallel_loop3A_181 = arith.constant 16 : i32
        %parallel_loop3A_182 = vector.broadcast %parallel_loop3A_181 : i32 to vector<16xi32>
        %parallel_loop3A_183 = arith.shli %parallel_loop3A_180, %parallel_loop3A_182 : vector<16xi32>
        %parallel_loop3A_184 = tpu.bitcast %parallel_loop3A_183 : vector<16xi32> -> vector<16xf32>
        %parallel_loop3A_185 = tpu.bitcast %parallel_loop3A_180 : vector<16xi32> -> vector<16xf32>
        %parallel_loop3A_186 = arith.index_cast %parallel_loop3A_167 : i32 to index
        %parallel_loop3A_187 = arith.constant 0 : index
        %parallel_loop3A_188 = tpu.vector_load %arg12[%parallel_loop3A_186, %parallel_loop3A_187] {strides = array<i32>} : memref<40x128xi32, #tpu.memory_space<vmem>>, vector<1x16xi32>,
        %parallel_loop3A_189 = vector.shape_cast %parallel_loop3A_188 : vector<1x16xi32> to vector<16xi32>
        %parallel_loop3A_190 = arith.constant 16 : i32
        %parallel_loop3A_191 = vector.broadcast %parallel_loop3A_190 : i32 to vector<16xi32>
        %parallel_loop3A_192 = arith.shli %parallel_loop3A_189, %parallel_loop3A_191 : vector<16xi32>
        %parallel_loop3A_193 = tpu.bitcast %parallel_loop3A_192 : vector<16xi32> -> vector<16xf32>
        %parallel_loop3A_194 = tpu.bitcast %parallel_loop3A_189 : vector<16xi32> -> vector<16xf32>
        %parallel_loop3A_195 = arith.addf %parallel_loop3A_193, %parallel_loop3A_175 : vector<16xf32>
        %parallel_loop3A_196 = arith.addf %parallel_loop3A_195, %parallel_loop3A_184 : vector<16xf32>
        %parallel_loop3A_197 = arith.index_cast %parallel_loop3A_167 : i32 to index
        %parallel_loop3A_198 = arith.constant 0 : index
        %parallel_loop3A_199 = tpu.vector_load %arg13[%parallel_loop3A_197, %parallel_loop3A_198] {strides = array<i32>} : memref<40x256xf32, #tpu.memory_space<vmem>>, vector<1x16xf32>,
        %parallel_loop3A_200 = vector.shape_cast %parallel_loop3A_199 : vector<1x16xf32> to vector<16xf32>
        %parallel_loop3A_201 = vector.shape_cast %parallel_loop3A_196 : vector<16xf32> to vector<1x16xf32>
        tpu.vector_store %arg13[%parallel_loop3A_197, %parallel_loop3A_198], %parallel_loop3A_201 {strides = array<i32>} : memref<40x256xf32, #tpu.memory_space<vmem>>, vector<1x16xf32>,
        %parallel_loop3A_202 = arith.addf %parallel_loop3A_194, %parallel_loop3A_176 : vector<16xf32>
        %parallel_loop3A_203 = arith.addf %parallel_loop3A_202, %parallel_loop3A_185 : vector<16xf32>
        %parallel_loop3A_204 = arith.index_cast %parallel_loop3A_167 : i32 to index
        %parallel_loop3A_205 = arith.constant 128 : index
        %parallel_loop3A_206 = tpu.vector_load %arg13[%parallel_loop3A_204, %parallel_loop3A_205] {strides = array<i32>} : memref<40x256xf32, #tpu.memory_space<vmem>>, vector<1x16xf32>,
        %parallel_loop3A_207 = vector.shape_cast %parallel_loop3A_206 : vector<1x16xf32> to vector<16xf32>
        %parallel_loop3A_208 = vector.shape_cast %parallel_loop3A_203 : vector<16xf32> to vector<1x16xf32>
        tpu.vector_store %arg13[%parallel_loop3A_204, %parallel_loop3A_205], %parallel_loop3A_208 {strides = array<i32>} : memref<40x256xf32, #tpu.memory_space<vmem>>, vector<1x16xf32>,
        %parallel_loop3A_209 = arith.index_cast %parallel_loop3A_167 : i32 to index
        %parallel_loop3A_210 = arith.constant 16 : index
        %parallel_loop3A_211 = tpu.vector_load %arg10[%parallel_loop3A_209, %parallel_loop3A_210] {strides = array<i32>} : memref<40x128xi32, #tpu.memory_space<vmem>>, vector<1x16xi32>,
        %parallel_loop3A_212 = vector.shape_cast %parallel_loop3A_211 : vector<1x16xi32> to vector<16xi32>
        %parallel_loop3A_213 = arith.constant 16 : i32
        %parallel_loop3A_214 = vector.broadcast %parallel_loop3A_213 : i32 to vector<16xi32>
        %parallel_loop3A_215 = arith.shli %parallel_loop3A_212, %parallel_loop3A_214 : vector<16xi32>
        %parallel_loop3A_216 = tpu.bitcast %parallel_loop3A_215 : vector<16xi32> -> vector<16xf32>
        %parallel_loop3A_217 = tpu.bitcast %parallel_loop3A_212 : vector<16xi32> -> vector<16xf32>
        %parallel_loop3A_218 = arith.index_cast %parallel_loop3A_167 : i32 to index
        %parallel_loop3A_219 = arith.constant 16 : index
        %parallel_loop3A_220 = tpu.vector_load %arg11[%parallel_loop3A_218, %parallel_loop3A_219] {strides = array<i32>} : memref<40x128xi32, #tpu.memory_space<vmem>>, vector<1x16xi32>,
        %parallel_loop3A_221 = vector.shape_cast %parallel_loop3A_220 : vector<1x16xi32> to vector<16xi32>
        %parallel_loop3A_222 = arith.constant 16 : i32
        %parallel_loop3A_223 = vector.broadcast %parallel_loop3A_222 : i32 to vector<16xi32>
        %parallel_loop3A_224 = arith.shli %parallel_loop3A_221, %parallel_loop3A_223 : vector<16xi32>
        %parallel_loop3A_225 = tpu.bitcast %parallel_loop3A_224 : vector<16xi32> -> vector<16xf32>
        %parallel_loop3A_226 = tpu.bitcast %parallel_loop3A_221 : vector<16xi32> -> vector<16xf32>
        %parallel_loop3A_227 = arith.index_cast %parallel_loop3A_167 : i32 to index
        %parallel_loop3A_228 = arith.constant 16 : index
        %parallel_loop3A_229 = tpu.vector_load %arg12[%parallel_loop3A_227, %parallel_loop3A_228] {strides = array<i32>} : memref<40x128xi32, #tpu.memory_space<vmem>>, vector<1x16xi32>,
        %parallel_loop3A_230 = vector.shape_cast %parallel_loop3A_229 : vector<1x16xi32> to vector<16xi32>
        %parallel_loop3A_231 = arith.constant 16 : i32
        %parallel_loop3A_232 = vector.broadcast %parallel_loop3A_231 : i32 to vector<16xi32>
        %parallel_loop3A_233 = arith.shli %parallel_loop3A_230, %parallel_loop3A_232 : vector<16xi32>
        %parallel_loop3A_234 = tpu.bitcast %parallel_loop3A_233 : vector<16xi32> -> vector<16xf32>
        %parallel_loop3A_235 = tpu.bitcast %parallel_loop3A_230 : vector<16xi32> -> vector<16xf32>
        %parallel_loop3A_236 = arith.addf %parallel_loop3A_234, %parallel_loop3A_216 : vector<16xf32>
        %parallel_loop3A_237 = arith.addf %parallel_loop3A_236, %parallel_loop3A_225 : vector<16xf32>
        %parallel_loop3A_238 = arith.index_cast %parallel_loop3A_167 : i32 to index
        %parallel_loop3A_239 = arith.constant 16 : index
        %parallel_loop3A_240 = tpu.vector_load %arg13[%parallel_loop3A_238, %parallel_loop3A_239] {strides = array<i32>} : memref<40x256xf32, #tpu.memory_space<vmem>>, vector<1x16xf32>,
        %parallel_loop3A_241 = vector.shape_cast %parallel_loop3A_240 : vector<1x16xf32> to vector<16xf32>
        %parallel_loop3A_242 = vector.shape_cast %parallel_loop3A_237 : vector<16xf32> to vector<1x16xf32>
        tpu.vector_store %arg13[%parallel_loop3A_238, %parallel_loop3A_239], %parallel_loop3A_242 {strides = array<i32>} : memref<40x256xf32, #tpu.memory_space<vmem>>, vector<1x16xf32>,
        %parallel_loop3A_243 = arith.addf %parallel_loop3A_235, %parallel_loop3A_217 : vector<16xf32>
        %parallel_loop3A_244 = arith.addf %parallel_loop3A_243, %parallel_loop3A_226 : vector<16xf32>
        %parallel_loop3A_245 = arith.index_cast %parallel_loop3A_167 : i32 to index
        %parallel_loop3A_246 = arith.constant 144 : index
        %parallel_loop3A_247 = tpu.vector_load %arg13[%parallel_loop3A_245, %parallel_loop3A_246] {strides = array<i32>} : memref<40x256xf32, #tpu.memory_space<vmem>>, vector<1x16xf32>,
        %parallel_loop3A_248 = vector.shape_cast %parallel_loop3A_247 : vector<1x16xf32> to vector<16xf32>
        %parallel_loop3A_249 = vector.shape_cast %parallel_loop3A_244 : vector<16xf32> to vector<1x16xf32>
        tpu.vector_store %arg13[%parallel_loop3A_245, %parallel_loop3A_246], %parallel_loop3A_249 {strides = array<i32>} : memref<40x256xf32, #tpu.memory_space<vmem>>, vector<1x16xf32>,
        %parallel_loop3A_250 = arith.index_cast %parallel_loop3A_167 : i32 to index
        %parallel_loop3A_251 = arith.constant 32 : index
        %parallel_loop3A_252 = tpu.vector_load %arg10[%parallel_loop3A_250, %parallel_loop3A_251] {strides = array<i32>} : memref<40x128xi32, #tpu.memory_space<vmem>>, vector<1x16xi32>,
        %parallel_loop3A_253 = vector.shape_cast %parallel_loop3A_252 : vector<1x16xi32> to vector<16xi32>
        %parallel_loop3A_254 = arith.constant 16 : i32
        %parallel_loop3A_255 = vector.broadcast %parallel_loop3A_254 : i32 to vector<16xi32>
        %parallel_loop3A_256 = arith.shli %parallel_loop3A_253, %parallel_loop3A_255 : vector<16xi32>
        %parallel_loop3A_257 = tpu.bitcast %parallel_loop3A_256 : vector<16xi32> -> vector<16xf32>
        %parallel_loop3A_258 = tpu.bitcast %parallel_loop3A_253 : vector<16xi32> -> vector<16xf32>
        %parallel_loop3A_259 = arith.index_cast %parallel_loop3A_167 : i32 to index
        %parallel_loop3A_260 = arith.constant 32 : index
        %parallel_loop3A_261 = tpu.vector_load %arg11[%parallel_loop3A_259, %parallel_loop3A_260] {strides = array<i32>} : memref<40x128xi32, #tpu.memory_space<vmem>>, vector<1x16xi32>,
        %parallel_loop3A_262 = vector.shape_cast %parallel_loop3A_261 : vector<1x16xi32> to vector<16xi32>
        %parallel_loop3A_263 = arith.constant 16 : i32
        %parallel_loop3A_264 = vector.broadcast %parallel_loop3A_263 : i32 to vector<16xi32>
        %parallel_loop3A_265 = arith.shli %parallel_loop3A_262, %parallel_loop3A_264 : vector<16xi32>
        %parallel_loop3A_266 = tpu.bitcast %parallel_loop3A_265 : vector<16xi32> -> vector<16xf32>
        %parallel_loop3A_267 = tpu.bitcast %parallel_loop3A_262 : vector<16xi32> -> vector<16xf32>
        %parallel_loop3A_268 = arith.index_cast %parallel_loop3A_167 : i32 to index
        %parallel_loop3A_269 = arith.constant 32 : index
        %parallel_loop3A_270 = tpu.vector_load %arg12[%parallel_loop3A_268, %parallel_loop3A_269] {strides = array<i32>} : memref<40x128xi32, #tpu.memory_space<vmem>>, vector<1x16xi32>,
        %parallel_loop3A_271 = vector.shape_cast %parallel_loop3A_270 : vector<1x16xi32> to vector<16xi32>
        %parallel_loop3A_272 = arith.constant 16 : i32
        %parallel_loop3A_273 = vector.broadcast %parallel_loop3A_272 : i32 to vector<16xi32>
        %parallel_loop3A_274 = arith.shli %parallel_loop3A_271, %parallel_loop3A_273 : vector<16xi32>
        %parallel_loop3A_275 = tpu.bitcast %parallel_loop3A_274 : vector<16xi32> -> vector<16xf32>
        %parallel_loop3A_276 = tpu.bitcast %parallel_loop3A_271 : vector<16xi32> -> vector<16xf32>
        %parallel_loop3A_277 = arith.addf %parallel_loop3A_275, %parallel_loop3A_257 : vector<16xf32>
        %parallel_loop3A_278 = arith.addf %parallel_loop3A_277, %parallel_loop3A_266 : vector<16xf32>
        %parallel_loop3A_279 = arith.index_cast %parallel_loop3A_167 : i32 to index
        %parallel_loop3A_280 = arith.constant 32 : index
        %parallel_loop3A_281 = tpu.vector_load %arg13[%parallel_loop3A_279, %parallel_loop3A_280] {strides = array<i32>} : memref<40x256xf32, #tpu.memory_space<vmem>>, vector<1x16xf32>,
        %parallel_loop3A_282 = vector.shape_cast %parallel_loop3A_281 : vector<1x16xf32> to vector<16xf32>
        %parallel_loop3A_283 = vector.shape_cast %parallel_loop3A_278 : vector<16xf32> to vector<1x16xf32>
        tpu.vector_store %arg13[%parallel_loop3A_279, %parallel_loop3A_280], %parallel_loop3A_283 {strides = array<i32>} : memref<40x256xf32, #tpu.memory_space<vmem>>, vector<1x16xf32>,
        %parallel_loop3A_284 = arith.addf %parallel_loop3A_276, %parallel_loop3A_258 : vector<16xf32>
        %parallel_loop3A_285 = arith.addf %parallel_loop3A_284, %parallel_loop3A_267 : vector<16xf32>
        %parallel_loop3A_286 = arith.index_cast %parallel_loop3A_167 : i32 to index
        %parallel_loop3A_287 = arith.constant 160 : index
        %parallel_loop3A_288 = tpu.vector_load %arg13[%parallel_loop3A_286, %parallel_loop3A_287] {strides = array<i32>} : memref<40x256xf32, #tpu.memory_space<vmem>>, vector<1x16xf32>,
        %parallel_loop3A_289 = vector.shape_cast %parallel_loop3A_288 : vector<1x16xf32> to vector<16xf32>
        %parallel_loop3A_290 = vector.shape_cast %parallel_loop3A_285 : vector<16xf32> to vector<1x16xf32>
        tpu.vector_store %arg13[%parallel_loop3A_286, %parallel_loop3A_287], %parallel_loop3A_290 {strides = array<i32>} : memref<40x256xf32, #tpu.memory_space<vmem>>, vector<1x16xf32>,
        %parallel_loop3A_291 = arith.index_cast %parallel_loop3A_167 : i32 to index
        %parallel_loop3A_292 = arith.constant 48 : index
        %parallel_loop3A_293 = tpu.vector_load %arg10[%parallel_loop3A_291, %parallel_loop3A_292] {strides = array<i32>} : memref<40x128xi32, #tpu.memory_space<vmem>>, vector<1x16xi32>,
        %parallel_loop3A_294 = vector.shape_cast %parallel_loop3A_293 : vector<1x16xi32> to vector<16xi32>
        %parallel_loop3A_295 = arith.constant 16 : i32
        %parallel_loop3A_296 = vector.broadcast %parallel_loop3A_295 : i32 to vector<16xi32>
        %parallel_loop3A_297 = arith.shli %parallel_loop3A_294, %parallel_loop3A_296 : vector<16xi32>
        %parallel_loop3A_298 = tpu.bitcast %parallel_loop3A_297 : vector<16xi32> -> vector<16xf32>
        %parallel_loop3A_299 = tpu.bitcast %parallel_loop3A_294 : vector<16xi32> -> vector<16xf32>
        %parallel_loop3A_300 = arith.index_cast %parallel_loop3A_167 : i32 to index
        %parallel_loop3A_301 = arith.constant 48 : index
        %parallel_loop3A_302 = tpu.vector_load %arg11[%parallel_loop3A_300, %parallel_loop3A_301] {strides = array<i32>} : memref<40x128xi32, #tpu.memory_space<vmem>>, vector<1x16xi32>,
        %parallel_loop3A_303 = vector.shape_cast %parallel_loop3A_302 : vector<1x16xi32> to vector<16xi32>
        %parallel_loop3A_304 = arith.constant 16 : i32
        %parallel_loop3A_305 = vector.broadcast %parallel_loop3A_304 : i32 to vector<16xi32>
        %parallel_loop3A_306 = arith.shli %parallel_loop3A_303, %parallel_loop3A_305 : vector<16xi32>
        %parallel_loop3A_307 = tpu.bitcast %parallel_loop3A_306 : vector<16xi32> -> vector<16xf32>
        %parallel_loop3A_308 = tpu.bitcast %parallel_loop3A_303 : vector<16xi32> -> vector<16xf32>
        %parallel_loop3A_309 = arith.index_cast %parallel_loop3A_167 : i32 to index
        %parallel_loop3A_310 = arith.constant 48 : index
        %parallel_loop3A_311 = tpu.vector_load %arg12[%parallel_loop3A_309, %parallel_loop3A_310] {strides = array<i32>} : memref<40x128xi32, #tpu.memory_space<vmem>>, vector<1x16xi32>,
        %parallel_loop3A_312 = vector.shape_cast %parallel_loop3A_311 : vector<1x16xi32> to vector<16xi32>
        %parallel_loop3A_313 = arith.constant 16 : i32
        %parallel_loop3A_314 = vector.broadcast %parallel_loop3A_313 : i32 to vector<16xi32>
        %parallel_loop3A_315 = arith.shli %parallel_loop3A_312, %parallel_loop3A_314 : vector<16xi32>
        %parallel_loop3A_316 = tpu.bitcast %parallel_loop3A_315 : vector<16xi32> -> vector<16xf32>
        %parallel_loop3A_317 = tpu.bitcast %parallel_loop3A_312 : vector<16xi32> -> vector<16xf32>
        %parallel_loop3A_318 = arith.addf %parallel_loop3A_316, %parallel_loop3A_298 : vector<16xf32>
        %parallel_loop3A_319 = arith.addf %parallel_loop3A_318, %parallel_loop3A_307 : vector<16xf32>
        %parallel_loop3A_320 = arith.index_cast %parallel_loop3A_167 : i32 to index
        %parallel_loop3A_321 = arith.constant 48 : index
        %parallel_loop3A_322 = tpu.vector_load %arg13[%parallel_loop3A_320, %parallel_loop3A_321] {strides = array<i32>} : memref<40x256xf32, #tpu.memory_space<vmem>>, vector<1x16xf32>,
        %parallel_loop3A_323 = vector.shape_cast %parallel_loop3A_322 : vector<1x16xf32> to vector<16xf32>
        %parallel_loop3A_324 = vector.shape_cast %parallel_loop3A_319 : vector<16xf32> to vector<1x16xf32>
        tpu.vector_store %arg13[%parallel_loop3A_320, %parallel_loop3A_321], %parallel_loop3A_324 {strides = array<i32>} : memref<40x256xf32, #tpu.memory_space<vmem>>, vector<1x16xf32>,
        %parallel_loop3A_325 = arith.addf %parallel_loop3A_317, %parallel_loop3A_299 : vector<16xf32>
        %parallel_loop3A_326 = arith.addf %parallel_loop3A_325, %parallel_loop3A_308 : vector<16xf32>
        %parallel_loop3A_327 = arith.index_cast %parallel_loop3A_167 : i32 to index
        %parallel_loop3A_328 = arith.constant 176 : index
        %parallel_loop3A_329 = tpu.vector_load %arg13[%parallel_loop3A_327, %parallel_loop3A_328] {strides = array<i32>} : memref<40x256xf32, #tpu.memory_space<vmem>>, vector<1x16xf32>,
        %parallel_loop3A_330 = vector.shape_cast %parallel_loop3A_329 : vector<1x16xf32> to vector<16xf32>
        %parallel_loop3A_331 = vector.shape_cast %parallel_loop3A_326 : vector<16xf32> to vector<1x16xf32>
        tpu.vector_store %arg13[%parallel_loop3A_327, %parallel_loop3A_328], %parallel_loop3A_331 {strides = array<i32>} : memref<40x256xf32, #tpu.memory_space<vmem>>, vector<1x16xf32>,
        %parallel_loop3A_332 = arith.index_cast %parallel_loop3A_167 : i32 to index
        %parallel_loop3A_333 = arith.constant 64 : index
        %parallel_loop3A_334 = tpu.vector_load %arg10[%parallel_loop3A_332, %parallel_loop3A_333] {strides = array<i32>} : memref<40x128xi32, #tpu.memory_space<vmem>>, vector<1x16xi32>,
        %parallel_loop3A_335 = vector.shape_cast %parallel_loop3A_334 : vector<1x16xi32> to vector<16xi32>
        %parallel_loop3A_336 = arith.constant 16 : i32
        %parallel_loop3A_337 = vector.broadcast %parallel_loop3A_336 : i32 to vector<16xi32>
        %parallel_loop3A_338 = arith.shli %parallel_loop3A_335, %parallel_loop3A_337 : vector<16xi32>
        %parallel_loop3A_339 = tpu.bitcast %parallel_loop3A_338 : vector<16xi32> -> vector<16xf32>
        %parallel_loop3A_340 = tpu.bitcast %parallel_loop3A_335 : vector<16xi32> -> vector<16xf32>
        %parallel_loop3A_341 = arith.index_cast %parallel_loop3A_167 : i32 to index
        %parallel_loop3A_342 = arith.constant 64 : index
        %parallel_loop3A_343 = tpu.vector_load %arg11[%parallel_loop3A_341, %parallel_loop3A_342] {strides = array<i32>} : memref<40x128xi32, #tpu.memory_space<vmem>>, vector<1x16xi32>,
        %parallel_loop3A_344 = vector.shape_cast %parallel_loop3A_343 : vector<1x16xi32> to vector<16xi32>
        %parallel_loop3A_345 = arith.constant 16 : i32
        %parallel_loop3A_346 = vector.broadcast %parallel_loop3A_345 : i32 to vector<16xi32>
        %parallel_loop3A_347 = arith.shli %parallel_loop3A_344, %parallel_loop3A_346 : vector<16xi32>
        %parallel_loop3A_348 = tpu.bitcast %parallel_loop3A_347 : vector<16xi32> -> vector<16xf32>
        %parallel_loop3A_349 = tpu.bitcast %parallel_loop3A_344 : vector<16xi32> -> vector<16xf32>
        %parallel_loop3A_350 = arith.index_cast %parallel_loop3A_167 : i32 to index
        %parallel_loop3A_351 = arith.constant 64 : index
        %parallel_loop3A_352 = tpu.vector_load %arg12[%parallel_loop3A_350, %parallel_loop3A_351] {strides = array<i32>} : memref<40x128xi32, #tpu.memory_space<vmem>>, vector<1x16xi32>,
        %parallel_loop3A_353 = vector.shape_cast %parallel_loop3A_352 : vector<1x16xi32> to vector<16xi32>
        %parallel_loop3A_354 = arith.constant 16 : i32
        %parallel_loop3A_355 = vector.broadcast %parallel_loop3A_354 : i32 to vector<16xi32>
        %parallel_loop3A_356 = arith.shli %parallel_loop3A_353, %parallel_loop3A_355 : vector<16xi32>
        %parallel_loop3A_357 = tpu.bitcast %parallel_loop3A_356 : vector<16xi32> -> vector<16xf32>
        %parallel_loop3A_358 = tpu.bitcast %parallel_loop3A_353 : vector<16xi32> -> vector<16xf32>
        %parallel_loop3A_359 = arith.addf %parallel_loop3A_357, %parallel_loop3A_339 : vector<16xf32>
        %parallel_loop3A_360 = arith.addf %parallel_loop3A_359, %parallel_loop3A_348 : vector<16xf32>
        %parallel_loop3A_361 = arith.index_cast %parallel_loop3A_167 : i32 to index
        %parallel_loop3A_362 = arith.constant 64 : index
        %parallel_loop3A_363 = tpu.vector_load %arg13[%parallel_loop3A_361, %parallel_loop3A_362] {strides = array<i32>} : memref<40x256xf32, #tpu.memory_space<vmem>>, vector<1x16xf32>,
        %parallel_loop3A_364 = vector.shape_cast %parallel_loop3A_363 : vector<1x16xf32> to vector<16xf32>
        %parallel_loop3A_365 = vector.shape_cast %parallel_loop3A_360 : vector<16xf32> to vector<1x16xf32>
        tpu.vector_store %arg13[%parallel_loop3A_361, %parallel_loop3A_362], %parallel_loop3A_365 {strides = array<i32>} : memref<40x256xf32, #tpu.memory_space<vmem>>, vector<1x16xf32>,
        %parallel_loop3A_366 = arith.addf %parallel_loop3A_358, %parallel_loop3A_340 : vector<16xf32>
        %parallel_loop3A_367 = arith.addf %parallel_loop3A_366, %parallel_loop3A_349 : vector<16xf32>
        %parallel_loop3A_368 = arith.index_cast %parallel_loop3A_167 : i32 to index
        %parallel_loop3A_369 = arith.constant 192 : index
        %parallel_loop3A_370 = tpu.vector_load %arg13[%parallel_loop3A_368, %parallel_loop3A_369] {strides = array<i32>} : memref<40x256xf32, #tpu.memory_space<vmem>>, vector<1x16xf32>,
        %parallel_loop3A_371 = vector.shape_cast %parallel_loop3A_370 : vector<1x16xf32> to vector<16xf32>
        %parallel_loop3A_372 = vector.shape_cast %parallel_loop3A_367 : vector<16xf32> to vector<1x16xf32>
        tpu.vector_store %arg13[%parallel_loop3A_368, %parallel_loop3A_369], %parallel_loop3A_372 {strides = array<i32>} : memref<40x256xf32, #tpu.memory_space<vmem>>, vector<1x16xf32>,
        %parallel_loop3A_373 = arith.index_cast %parallel_loop3A_167 : i32 to index
        %parallel_loop3A_374 = arith.constant 80 : index
        %parallel_loop3A_375 = tpu.vector_load %arg10[%parallel_loop3A_373, %parallel_loop3A_374] {strides = array<i32>} : memref<40x128xi32, #tpu.memory_space<vmem>>, vector<1x16xi32>,
        %parallel_loop3A_376 = vector.shape_cast %parallel_loop3A_375 : vector<1x16xi32> to vector<16xi32>
        %parallel_loop3A_377 = arith.constant 16 : i32
        %parallel_loop3A_378 = vector.broadcast %parallel_loop3A_377 : i32 to vector<16xi32>
        %parallel_loop3A_379 = arith.shli %parallel_loop3A_376, %parallel_loop3A_378 : vector<16xi32>
        %parallel_loop3A_380 = tpu.bitcast %parallel_loop3A_379 : vector<16xi32> -> vector<16xf32>
        %parallel_loop3A_381 = tpu.bitcast %parallel_loop3A_376 : vector<16xi32> -> vector<16xf32>
        %parallel_loop3A_382 = arith.index_cast %parallel_loop3A_167 : i32 to index
        %parallel_loop3A_383 = arith.constant 80 : index
        %parallel_loop3A_384 = tpu.vector_load %arg11[%parallel_loop3A_382, %parallel_loop3A_383] {strides = array<i32>} : memref<40x128xi32, #tpu.memory_space<vmem>>, vector<1x16xi32>,
        %parallel_loop3A_385 = vector.shape_cast %parallel_loop3A_384 : vector<1x16xi32> to vector<16xi32>
        %parallel_loop3A_386 = arith.constant 16 : i32
        %parallel_loop3A_387 = vector.broadcast %parallel_loop3A_386 : i32 to vector<16xi32>
        %parallel_loop3A_388 = arith.shli %parallel_loop3A_385, %parallel_loop3A_387 : vector<16xi32>
        %parallel_loop3A_389 = tpu.bitcast %parallel_loop3A_388 : vector<16xi32> -> vector<16xf32>
        %parallel_loop3A_390 = tpu.bitcast %parallel_loop3A_385 : vector<16xi32> -> vector<16xf32>
        %parallel_loop3A_391 = arith.index_cast %parallel_loop3A_167 : i32 to index
        %parallel_loop3A_392 = arith.constant 80 : index
        %parallel_loop3A_393 = tpu.vector_load %arg12[%parallel_loop3A_391, %parallel_loop3A_392] {strides = array<i32>} : memref<40x128xi32, #tpu.memory_space<vmem>>, vector<1x16xi32>,
        %parallel_loop3A_394 = vector.shape_cast %parallel_loop3A_393 : vector<1x16xi32> to vector<16xi32>
        %parallel_loop3A_395 = arith.constant 16 : i32
        %parallel_loop3A_396 = vector.broadcast %parallel_loop3A_395 : i32 to vector<16xi32>
        %parallel_loop3A_397 = arith.shli %parallel_loop3A_394, %parallel_loop3A_396 : vector<16xi32>
        %parallel_loop3A_398 = tpu.bitcast %parallel_loop3A_397 : vector<16xi32> -> vector<16xf32>
        %parallel_loop3A_399 = tpu.bitcast %parallel_loop3A_394 : vector<16xi32> -> vector<16xf32>
        %parallel_loop3A_400 = arith.addf %parallel_loop3A_398, %parallel_loop3A_380 : vector<16xf32>
        %parallel_loop3A_401 = arith.addf %parallel_loop3A_400, %parallel_loop3A_389 : vector<16xf32>
        %parallel_loop3A_402 = arith.index_cast %parallel_loop3A_167 : i32 to index
        %parallel_loop3A_403 = arith.constant 80 : index
        %parallel_loop3A_404 = tpu.vector_load %arg13[%parallel_loop3A_402, %parallel_loop3A_403] {strides = array<i32>} : memref<40x256xf32, #tpu.memory_space<vmem>>, vector<1x16xf32>,
        %parallel_loop3A_405 = vector.shape_cast %parallel_loop3A_404 : vector<1x16xf32> to vector<16xf32>
        %parallel_loop3A_406 = vector.shape_cast %parallel_loop3A_401 : vector<16xf32> to vector<1x16xf32>
        tpu.vector_store %arg13[%parallel_loop3A_402, %parallel_loop3A_403], %parallel_loop3A_406 {strides = array<i32>} : memref<40x256xf32, #tpu.memory_space<vmem>>, vector<1x16xf32>,
        %parallel_loop3A_407 = arith.addf %parallel_loop3A_399, %parallel_loop3A_381 : vector<16xf32>
        %parallel_loop3A_408 = arith.addf %parallel_loop3A_407, %parallel_loop3A_390 : vector<16xf32>
        %parallel_loop3A_409 = arith.index_cast %parallel_loop3A_167 : i32 to index
        %parallel_loop3A_410 = arith.constant 208 : index
        %parallel_loop3A_411 = tpu.vector_load %arg13[%parallel_loop3A_409, %parallel_loop3A_410] {strides = array<i32>} : memref<40x256xf32, #tpu.memory_space<vmem>>, vector<1x16xf32>,
        %parallel_loop3A_412 = vector.shape_cast %parallel_loop3A_411 : vector<1x16xf32> to vector<16xf32>
        %parallel_loop3A_413 = vector.shape_cast %parallel_loop3A_408 : vector<16xf32> to vector<1x16xf32>
        tpu.vector_store %arg13[%parallel_loop3A_409, %parallel_loop3A_410], %parallel_loop3A_413 {strides = array<i32>} : memref<40x256xf32, #tpu.memory_space<vmem>>, vector<1x16xf32>,
        %parallel_loop3A_414 = arith.index_cast %parallel_loop3A_167 : i32 to index
        %parallel_loop3A_415 = arith.constant 96 : index
        %parallel_loop3A_416 = tpu.vector_load %arg10[%parallel_loop3A_414, %parallel_loop3A_415] {strides = array<i32>} : memref<40x128xi32, #tpu.memory_space<vmem>>, vector<1x16xi32>,
        %parallel_loop3A_417 = vector.shape_cast %parallel_loop3A_416 : vector<1x16xi32> to vector<16xi32>
        %parallel_loop3A_418 = arith.constant 16 : i32
        %parallel_loop3A_419 = vector.broadcast %parallel_loop3A_418 : i32 to vector<16xi32>
        %parallel_loop3A_420 = arith.shli %parallel_loop3A_417, %parallel_loop3A_419 : vector<16xi32>
        %parallel_loop3A_421 = tpu.bitcast %parallel_loop3A_420 : vector<16xi32> -> vector<16xf32>
        %parallel_loop3A_422 = tpu.bitcast %parallel_loop3A_417 : vector<16xi32> -> vector<16xf32>
        %parallel_loop3A_423 = arith.index_cast %parallel_loop3A_167 : i32 to index
        %parallel_loop3A_424 = arith.constant 96 : index
        %parallel_loop3A_425 = tpu.vector_load %arg11[%parallel_loop3A_423, %parallel_loop3A_424] {strides = array<i32>} : memref<40x128xi32, #tpu.memory_space<vmem>>, vector<1x16xi32>,
        %parallel_loop3A_426 = vector.shape_cast %parallel_loop3A_425 : vector<1x16xi32> to vector<16xi32>
        %parallel_loop3A_427 = arith.constant 16 : i32
        %parallel_loop3A_428 = vector.broadcast %parallel_loop3A_427 : i32 to vector<16xi32>
        %parallel_loop3A_429 = arith.shli %parallel_loop3A_426, %parallel_loop3A_428 : vector<16xi32>
        %parallel_loop3A_430 = tpu.bitcast %parallel_loop3A_429 : vector<16xi32> -> vector<16xf32>
        %parallel_loop3A_431 = tpu.bitcast %parallel_loop3A_426 : vector<16xi32> -> vector<16xf32>
        %parallel_loop3A_432 = arith.index_cast %parallel_loop3A_167 : i32 to index
        %parallel_loop3A_433 = arith.constant 96 : index
        %parallel_loop3A_434 = tpu.vector_load %arg12[%parallel_loop3A_432, %parallel_loop3A_433] {strides = array<i32>} : memref<40x128xi32, #tpu.memory_space<vmem>>, vector<1x16xi32>,
        %parallel_loop3A_435 = vector.shape_cast %parallel_loop3A_434 : vector<1x16xi32> to vector<16xi32>
        %parallel_loop3A_436 = arith.constant 16 : i32
        %parallel_loop3A_437 = vector.broadcast %parallel_loop3A_436 : i32 to vector<16xi32>
        %parallel_loop3A_438 = arith.shli %parallel_loop3A_435, %parallel_loop3A_437 : vector<16xi32>
        %parallel_loop3A_439 = tpu.bitcast %parallel_loop3A_438 : vector<16xi32> -> vector<16xf32>
        %parallel_loop3A_440 = tpu.bitcast %parallel_loop3A_435 : vector<16xi32> -> vector<16xf32>
        %parallel_loop3A_441 = arith.addf %parallel_loop3A_439, %parallel_loop3A_421 : vector<16xf32>
        %parallel_loop3A_442 = arith.addf %parallel_loop3A_441, %parallel_loop3A_430 : vector<16xf32>
        %parallel_loop3A_443 = arith.index_cast %parallel_loop3A_167 : i32 to index
        %parallel_loop3A_444 = arith.constant 96 : index
        %parallel_loop3A_445 = tpu.vector_load %arg13[%parallel_loop3A_443, %parallel_loop3A_444] {strides = array<i32>} : memref<40x256xf32, #tpu.memory_space<vmem>>, vector<1x16xf32>,
        %parallel_loop3A_446 = vector.shape_cast %parallel_loop3A_445 : vector<1x16xf32> to vector<16xf32>
        %parallel_loop3A_447 = vector.shape_cast %parallel_loop3A_442 : vector<16xf32> to vector<1x16xf32>
        tpu.vector_store %arg13[%parallel_loop3A_443, %parallel_loop3A_444], %parallel_loop3A_447 {strides = array<i32>} : memref<40x256xf32, #tpu.memory_space<vmem>>, vector<1x16xf32>,
        %parallel_loop3A_448 = arith.addf %parallel_loop3A_440, %parallel_loop3A_422 : vector<16xf32>
        %parallel_loop3A_449 = arith.addf %parallel_loop3A_448, %parallel_loop3A_431 : vector<16xf32>
        %parallel_loop3A_450 = arith.index_cast %parallel_loop3A_167 : i32 to index
        %parallel_loop3A_451 = arith.constant 224 : index
        %parallel_loop3A_452 = tpu.vector_load %arg13[%parallel_loop3A_450, %parallel_loop3A_451] {strides = array<i32>} : memref<40x256xf32, #tpu.memory_space<vmem>>, vector<1x16xf32>,
        %parallel_loop3A_453 = vector.shape_cast %parallel_loop3A_452 : vector<1x16xf32> to vector<16xf32>
        %parallel_loop3A_454 = vector.shape_cast %parallel_loop3A_449 : vector<16xf32> to vector<1x16xf32>
        tpu.vector_store %arg13[%parallel_loop3A_450, %parallel_loop3A_451], %parallel_loop3A_454 {strides = array<i32>} : memref<40x256xf32, #tpu.memory_space<vmem>>, vector<1x16xf32>,
        %parallel_loop3A_455 = arith.index_cast %parallel_loop3A_167 : i32 to index
        %parallel_loop3A_456 = arith.constant 112 : index
        %parallel_loop3A_457 = tpu.vector_load %arg10[%parallel_loop3A_455, %parallel_loop3A_456] {strides = array<i32>} : memref<40x128xi32, #tpu.memory_space<vmem>>, vector<1x16xi32>,
        %parallel_loop3A_458 = vector.shape_cast %parallel_loop3A_457 : vector<1x16xi32> to vector<16xi32>
        %parallel_loop3A_459 = arith.constant 16 : i32
        %parallel_loop3A_460 = vector.broadcast %parallel_loop3A_459 : i32 to vector<16xi32>
        %parallel_loop3A_461 = arith.shli %parallel_loop3A_458, %parallel_loop3A_460 : vector<16xi32>
        %parallel_loop3A_462 = tpu.bitcast %parallel_loop3A_461 : vector<16xi32> -> vector<16xf32>
        %parallel_loop3A_463 = tpu.bitcast %parallel_loop3A_458 : vector<16xi32> -> vector<16xf32>
        %parallel_loop3A_464 = arith.index_cast %parallel_loop3A_167 : i32 to index
        %parallel_loop3A_465 = arith.constant 112 : index
        %parallel_loop3A_466 = tpu.vector_load %arg11[%parallel_loop3A_464, %parallel_loop3A_465] {strides = array<i32>} : memref<40x128xi32, #tpu.memory_space<vmem>>, vector<1x16xi32>,
        %parallel_loop3A_467 = vector.shape_cast %parallel_loop3A_466 : vector<1x16xi32> to vector<16xi32>
        %parallel_loop3A_468 = arith.constant 16 : i32
        %parallel_loop3A_469 = vector.broadcast %parallel_loop3A_468 : i32 to vector<16xi32>
        %parallel_loop3A_470 = arith.shli %parallel_loop3A_467, %parallel_loop3A_469 : vector<16xi32>
        %parallel_loop3A_471 = tpu.bitcast %parallel_loop3A_470 : vector<16xi32> -> vector<16xf32>
        %parallel_loop3A_472 = tpu.bitcast %parallel_loop3A_467 : vector<16xi32> -> vector<16xf32>
        %parallel_loop3A_473 = arith.index_cast %parallel_loop3A_167 : i32 to index
        %parallel_loop3A_474 = arith.constant 112 : index
        %parallel_loop3A_475 = tpu.vector_load %arg12[%parallel_loop3A_473, %parallel_loop3A_474] {strides = array<i32>} : memref<40x128xi32, #tpu.memory_space<vmem>>, vector<1x16xi32>,
        %parallel_loop3A_476 = vector.shape_cast %parallel_loop3A_475 : vector<1x16xi32> to vector<16xi32>
        %parallel_loop3A_477 = arith.constant 16 : i32
        %parallel_loop3A_478 = vector.broadcast %parallel_loop3A_477 : i32 to vector<16xi32>
        %parallel_loop3A_479 = arith.shli %parallel_loop3A_476, %parallel_loop3A_478 : vector<16xi32>
        %parallel_loop3A_480 = tpu.bitcast %parallel_loop3A_479 : vector<16xi32> -> vector<16xf32>
        %parallel_loop3A_481 = tpu.bitcast %parallel_loop3A_476 : vector<16xi32> -> vector<16xf32>
        %parallel_loop3A_482 = arith.addf %parallel_loop3A_480, %parallel_loop3A_462 : vector<16xf32>
        %parallel_loop3A_483 = arith.addf %parallel_loop3A_482, %parallel_loop3A_471 : vector<16xf32>
        %parallel_loop3A_484 = arith.index_cast %parallel_loop3A_167 : i32 to index
        %parallel_loop3A_485 = arith.constant 112 : index
        %parallel_loop3A_486 = tpu.vector_load %arg13[%parallel_loop3A_484, %parallel_loop3A_485] {strides = array<i32>} : memref<40x256xf32, #tpu.memory_space<vmem>>, vector<1x16xf32>,
        %parallel_loop3A_487 = vector.shape_cast %parallel_loop3A_486 : vector<1x16xf32> to vector<16xf32>
        %parallel_loop3A_488 = vector.shape_cast %parallel_loop3A_483 : vector<16xf32> to vector<1x16xf32>
        tpu.vector_store %arg13[%parallel_loop3A_484, %parallel_loop3A_485], %parallel_loop3A_488 {strides = array<i32>} : memref<40x256xf32, #tpu.memory_space<vmem>>, vector<1x16xf32>,
        %parallel_loop3A_489 = arith.addf %parallel_loop3A_481, %parallel_loop3A_463 : vector<16xf32>
        %parallel_loop3A_490 = arith.addf %parallel_loop3A_489, %parallel_loop3A_472 : vector<16xf32>
        %parallel_loop3A_491 = arith.index_cast %parallel_loop3A_167 : i32 to index
        %parallel_loop3A_492 = arith.constant 240 : index
        %parallel_loop3A_493 = tpu.vector_load %arg13[%parallel_loop3A_491, %parallel_loop3A_492] {strides = array<i32>} : memref<40x256xf32, #tpu.memory_space<vmem>>, vector<1x16xf32>,
        %parallel_loop3A_494 = vector.shape_cast %parallel_loop3A_493 : vector<1x16xf32> to vector<16xf32>
        %parallel_loop3A_495 = vector.shape_cast %parallel_loop3A_490 : vector<16xf32> to vector<1x16xf32>
        tpu.vector_store %arg13[%parallel_loop3A_491, %parallel_loop3A_492], %parallel_loop3A_495 {strides = array<i32>} : memref<40x256xf32, #tpu.memory_space<vmem>>, vector<1x16xf32>,
      } {sc.loop_unroll_factor = 8 : i64, sc.parallel_access}
      %add3A_110 = arith.constant 2 : i32
      %add3A_111 = arith.addi %add3A_86, %add3A_110 : i32
      %lt3A = arith.constant 125 : i32
      %lt3A_112 = arith.cmpi slt, %add3A_111, %lt3A : i32
      %convert_element_type3A_113 = arith.extui %lt3A_112 : i1 to i32
      %cond3A_114 = arith.constant 0 : i32
      %cond3A_115 = arith.cmpi ne, %convert_element_type3A_113, %cond3A_114 : i32
      scf.if %cond3A_115 {
        %add3A_167 = arith.constant 2 : i32
        %add3A_168 = arith.addi %add3A_86, %add3A_167 : i32
        %mul3A_169 = arith.constant 40 : i32
        %mul3A_170 = arith.muli %add3A_168, %mul3A_169 : i32
        %dma_start3A_171 = tpu.memref_slice %arg8[%mul3A_170] : memref<5000xi32, #tpu.memory_space<vmem>> -> memref<40xi32, #tpu.memory_space<vmem>>
        %dma_start3A_172 = arith.constant 0 : i32
        %dma_start3A_173 = arith.constant 0 : i32
        %dma_start3A_174 = tpu.memref_slice %arg2[%dma_start3A_172, %dma_start3A_173] : memref<10000x128xi32, #tpu.memory_space<hbm>> -> memref<10000x128xi32, #tpu.memory_space<hbm>>
        tpu.enqueue_indirect_dma source(%dma_start3A_174 : memref<10000x128xi32, #tpu.memory_space<hbm>>) target(%arg10 : memref<40x128xi32, #tpu.memory_space<vmem>>) offsets(%dma_start3A_171 : memref<40xi32, #tpu.memory_space<vmem>>) semaphore(%arg18 : memref<!tpu.dma_semaphore, #tpu.memory_space<semaphore_mem>>)
        %mul3A_175 = arith.constant 40 : i32
        %mul3A_176 = arith.muli %add3A_168, %mul3A_175 : i32
        %dma_start3A_177 = tpu.memref_slice %arg9[%mul3A_176] : memref<5000xi32, #tpu.memory_space<vmem>> -> memref<40xi32, #tpu.memory_space<vmem>>
        %dma_start3A_178 = arith.constant 0 : i32
        %dma_start3A_179 = arith.constant 0 : i32
        %dma_start3A_180 = tpu.memref_slice %arg3[%dma_start3A_178, %dma_start3A_179] : memref<10000x128xi32, #tpu.memory_space<hbm>> -> memref<10000x128xi32, #tpu.memory_space<hbm>>
        tpu.enqueue_indirect_dma source(%dma_start3A_180 : memref<10000x128xi32, #tpu.memory_space<hbm>>) target(%arg11 : memref<40x128xi32, #tpu.memory_space<vmem>>) offsets(%dma_start3A_177 : memref<40xi32, #tpu.memory_space<vmem>>) semaphore(%arg18 : memref<!tpu.dma_semaphore, #tpu.memory_space<semaphore_mem>>)
        %mul3A_181 = arith.constant 40 : i32
        %mul3A_182 = arith.muli %add3A_168, %mul3A_181 : i32
        %add3A_183 = arith.addi %mul3A_2, %mul3A_182 : i32
        %dma_start3A_184 = arith.constant 0 : i32
        %dma_start3A_185 = tpu.memref_slice %arg4[%add3A_183, %dma_start3A_184] : memref<160000x128xi32, #tpu.memory_space<hbm>> -> memref<40x128xi32, #tpu.memory_space<hbm>>
        %dma_start3A_186 = arith.constant 0 : i32
        %dma_start3A_187 = tpu.memref_slice %arg4[%add3A_183, %dma_start3A_186] : memref<160000x128xi32, #tpu.memory_space<hbm>> -> memref<40x128xi32, #tpu.memory_space<hbm>>
        tpu.enqueue_dma source(%dma_start3A_187 : memref<40x128xi32, #tpu.memory_space<hbm>>) target(%arg12 : memref<40x128xi32, #tpu.memory_space<vmem>>) target_semaphore(%arg18 : memref<!tpu.dma_semaphore, #tpu.memory_space<semaphore_mem>>)
      } else {
      }
      %mul3A_116 = arith.constant 40 : i32
      %mul3A_117 = arith.muli %add3A_86, %mul3A_116 : i32
      %add3A_118 = arith.addi %mul3A_2, %mul3A_117 : i32
      %dma_start3A_119 = arith.constant 0 : i32
      %dma_start3A_120 = tpu.memref_slice %arg7[%add3A_118, %dma_start3A_119] : memref<160000x256xf32, #tpu.memory_space<hbm>> -> memref<40x256xf32, #tpu.memory_space<hbm>>
      %dma_start3A_121 = arith.constant 0 : i32
      %dma_start3A_122 = tpu.memref_slice %arg7[%add3A_118, %dma_start3A_121] : memref<160000x256xf32, #tpu.memory_space<hbm>> -> memref<40x256xf32, #tpu.memory_space<hbm>>
      tpu.enqueue_dma source(%arg13 : memref<40x256xf32, #tpu.memory_space<vmem>>) target(%dma_start3A_122 : memref<40x256xf32, #tpu.memory_space<hbm>>) target_semaphore(%arg19 : memref<!tpu.dma_semaphore, #tpu.memory_space<semaphore_mem>>)
      %mul3A_123 = arith.constant 2 : i32
      %mul3A_124 = arith.muli %mul3A_123, %scan3A_82 : i32
      %add3A_125 = arith.constant 1 : i32
      %add3A_126 = arith.addi %mul3A_124, %add3A_125 : i32
      %dma_wait3A_127 = arith.constant 0 : i32
      %dma_wait3A_128 = arith.constant 0 : i32
      %dma_wait3A_129 = tpu.memref_slice %arg2[%dma_wait3A_127, %dma_wait3A_128] : memref<10000x128xi32, #tpu.memory_space<hbm>> -> memref<40x128xi32, #tpu.memory_space<hbm>>
      %dma_wait3A_130 = arith.constant 0 : i32
      %dma_wait3A_131 = arith.constant 0 : i32
      %dma_wait3A_132 = tpu.memref_slice %arg2[%dma_wait3A_130, %dma_wait3A_131] : memref<10000x128xi32, #tpu.memory_space<hbm>> -> memref<40x128xi32, #tpu.memory_space<hbm>>
      tpu.wait_dma2 semaphore(%arg20 : memref<!tpu.dma_semaphore, #tpu.memory_space<semaphore_mem>>) src(%dma_wait3A_132 : memref<40x128xi32, #tpu.memory_space<hbm>>) dst(%arg14 : memref<40x128xi32, #tpu.memory_space<vmem>>)
      %dma_wait3A_133 = arith.constant 0 : i32
      %dma_wait3A_134 = arith.constant 0 : i32
      %dma_wait3A_135 = tpu.memref_slice %arg3[%dma_wait3A_133, %dma_wait3A_134] : memref<10000x128xi32, #tpu.memory_space<hbm>> -> memref<40x128xi32, #tpu.memory_space<hbm>>
      %dma_wait3A_136 = arith.constant 0 : i32
      %dma_wait3A_137 = arith.constant 0 : i32
      %dma_wait3A_138 = tpu.memref_slice %arg3[%dma_wait3A_136, %dma_wait3A_137] : memref<10000x128xi32, #tpu.memory_space<hbm>> -> memref<40x128xi32, #tpu.memory_space<hbm>>
      tpu.wait_dma2 semaphore(%arg20 : memref<!tpu.dma_semaphore, #tpu.memory_space<semaphore_mem>>) src(%dma_wait3A_138 : memref<40x128xi32, #tpu.memory_space<hbm>>) dst(%arg15 : memref<40x128xi32, #tpu.memory_space<vmem>>)
      %dma_wait3A_139 = arith.constant 0 : i32
      %dma_wait3A_140 = arith.constant 0 : i32
      %dma_wait3A_141 = tpu.memref_slice %arg4[%dma_wait3A_139, %dma_wait3A_140] : memref<160000x128xi32, #tpu.memory_space<hbm>> -> memref<40x128xi32, #tpu.memory_space<hbm>>
      %dma_wait3A_142 = arith.constant 0 : i32
      %dma_wait3A_143 = arith.constant 0 : i32
      %dma_wait3A_144 = tpu.memref_slice %arg4[%dma_wait3A_142, %dma_wait3A_143] : memref<160000x128xi32, #tpu.memory_space<hbm>> -> memref<40x128xi32, #tpu.memory_space<hbm>>
      tpu.wait_dma2 semaphore(%arg20 : memref<!tpu.dma_semaphore, #tpu.memory_space<semaphore_mem>>) src(%dma_wait3A_144 : memref<40x128xi32, #tpu.memory_space<hbm>>) dst(%arg16 : memref<40x128xi32, #tpu.memory_space<vmem>>)
      %gt3A_145 = arith.constant 0 : i32
      %gt3A_146 = arith.cmpi sgt, %scan3A_82, %gt3A_145 : i32
      %convert_element_type3A_147 = arith.extui %gt3A_146 : i1 to i32
      %cond3A_148 = arith.constant 0 : i32
      %cond3A_149 = arith.cmpi ne, %convert_element_type3A_147, %cond3A_148 : i32
      scf.if %cond3A_149 {
        %dma_wait3A_167 = arith.constant 0 : i32
        %dma_wait3A_168 = arith.constant 0 : i32
        %dma_wait3A_169 = tpu.memref_slice %arg7[%dma_wait3A_167, %dma_wait3A_168] : memref<160000x256xf32, #tpu.memory_space<hbm>> -> memref<40x256xf32, #tpu.memory_space<hbm>>
        %dma_wait3A_170 = arith.constant 0 : i32
        %dma_wait3A_171 = arith.constant 0 : i32
        %dma_wait3A_172 = tpu.memref_slice %arg7[%dma_wait3A_170, %dma_wait3A_171] : memref<160000x256xf32, #tpu.memory_space<hbm>> -> memref<40x256xf32, #tpu.memory_space<hbm>>
        tpu.wait_dma2 semaphore(%arg21 : memref<!tpu.dma_semaphore, #tpu.memory_space<semaphore_mem>>) src(%arg17 : memref<40x256xf32, #tpu.memory_space<vmem>>) dst(%dma_wait3A_172 : memref<40x256xf32, #tpu.memory_space<hbm>>)
      } else {
      }
      %parallel_loop3A_150 = arith.constant 0 : i32
      %parallel_loop3A_151 = arith.constant 40 : i32
      %parallel_loop3A_152 = arith.constant 1 : i32
      scf.for %parallel_loop3A_167 = %parallel_loop3A_150 to %parallel_loop3A_151 step %parallel_loop3A_152  : i32 {
        %parallel_loop3A_168 = arith.index_cast %parallel_loop3A_167 : i32 to index
        %parallel_loop3A_169 = arith.constant 0 : index
        %parallel_loop3A_170 = tpu.vector_load %arg14[%parallel_loop3A_168, %parallel_loop3A_169] {strides = array<i32>} : memref<40x128xi32, #tpu.memory_space<vmem>>, vector<1x16xi32>,
        %parallel_loop3A_171 = vector.shape_cast %parallel_loop3A_170 : vector<1x16xi32> to vector<16xi32>
        %parallel_loop3A_172 = arith.constant 16 : i32
        %parallel_loop3A_173 = vector.broadcast %parallel_loop3A_172 : i32 to vector<16xi32>
        %parallel_loop3A_174 = arith.shli %parallel_loop3A_171, %parallel_loop3A_173 : vector<16xi32>
        %parallel_loop3A_175 = tpu.bitcast %parallel_loop3A_174 : vector<16xi32> -> vector<16xf32>
        %parallel_loop3A_176 = tpu.bitcast %parallel_loop3A_171 : vector<16xi32> -> vector<16xf32>
        %parallel_loop3A_177 = arith.index_cast %parallel_loop3A_167 : i32 to index
        %parallel_loop3A_178 = arith.constant 0 : index
        %parallel_loop3A_179 = tpu.vector_load %arg15[%parallel_loop3A_177, %parallel_loop3A_178] {strides = array<i32>} : memref<40x128xi32, #tpu.memory_space<vmem>>, vector<1x16xi32>,
        %parallel_loop3A_180 = vector.shape_cast %parallel_loop3A_179 : vector<1x16xi32> to vector<16xi32>
        %parallel_loop3A_181 = arith.constant 16 : i32
        %parallel_loop3A_182 = vector.broadcast %parallel_loop3A_181 : i32 to vector<16xi32>
        %parallel_loop3A_183 = arith.shli %parallel_loop3A_180, %parallel_loop3A_182 : vector<16xi32>
        %parallel_loop3A_184 = tpu.bitcast %parallel_loop3A_183 : vector<16xi32> -> vector<16xf32>
        %parallel_loop3A_185 = tpu.bitcast %parallel_loop3A_180 : vector<16xi32> -> vector<16xf32>
        %parallel_loop3A_186 = arith.index_cast %parallel_loop3A_167 : i32 to index
        %parallel_loop3A_187 = arith.constant 0 : index
        %parallel_loop3A_188 = tpu.vector_load %arg16[%parallel_loop3A_186, %parallel_loop3A_187] {strides = array<i32>} : memref<40x128xi32, #tpu.memory_space<vmem>>, vector<1x16xi32>,
        %parallel_loop3A_189 = vector.shape_cast %parallel_loop3A_188 : vector<1x16xi32> to vector<16xi32>
        %parallel_loop3A_190 = arith.constant 16 : i32
        %parallel_loop3A_191 = vector.broadcast %parallel_loop3A_190 : i32 to vector<16xi32>
        %parallel_loop3A_192 = arith.shli %parallel_loop3A_189, %parallel_loop3A_191 : vector<16xi32>
        %parallel_loop3A_193 = tpu.bitcast %parallel_loop3A_192 : vector<16xi32> -> vector<16xf32>
        %parallel_loop3A_194 = tpu.bitcast %parallel_loop3A_189 : vector<16xi32> -> vector<16xf32>
        %parallel_loop3A_195 = arith.addf %parallel_loop3A_193, %parallel_loop3A_175 : vector<16xf32>
        %parallel_loop3A_196 = arith.addf %parallel_loop3A_195, %parallel_loop3A_184 : vector<16xf32>
        %parallel_loop3A_197 = arith.index_cast %parallel_loop3A_167 : i32 to index
        %parallel_loop3A_198 = arith.constant 0 : index
        %parallel_loop3A_199 = tpu.vector_load %arg17[%parallel_loop3A_197, %parallel_loop3A_198] {strides = array<i32>} : memref<40x256xf32, #tpu.memory_space<vmem>>, vector<1x16xf32>,
        %parallel_loop3A_200 = vector.shape_cast %parallel_loop3A_199 : vector<1x16xf32> to vector<16xf32>
        %parallel_loop3A_201 = vector.shape_cast %parallel_loop3A_196 : vector<16xf32> to vector<1x16xf32>
        tpu.vector_store %arg17[%parallel_loop3A_197, %parallel_loop3A_198], %parallel_loop3A_201 {strides = array<i32>} : memref<40x256xf32, #tpu.memory_space<vmem>>, vector<1x16xf32>,
        %parallel_loop3A_202 = arith.addf %parallel_loop3A_194, %parallel_loop3A_176 : vector<16xf32>
        %parallel_loop3A_203 = arith.addf %parallel_loop3A_202, %parallel_loop3A_185 : vector<16xf32>
        %parallel_loop3A_204 = arith.index_cast %parallel_loop3A_167 : i32 to index
        %parallel_loop3A_205 = arith.constant 128 : index
        %parallel_loop3A_206 = tpu.vector_load %arg17[%parallel_loop3A_204, %parallel_loop3A_205] {strides = array<i32>} : memref<40x256xf32, #tpu.memory_space<vmem>>, vector<1x16xf32>,
        %parallel_loop3A_207 = vector.shape_cast %parallel_loop3A_206 : vector<1x16xf32> to vector<16xf32>
        %parallel_loop3A_208 = vector.shape_cast %parallel_loop3A_203 : vector<16xf32> to vector<1x16xf32>
        tpu.vector_store %arg17[%parallel_loop3A_204, %parallel_loop3A_205], %parallel_loop3A_208 {strides = array<i32>} : memref<40x256xf32, #tpu.memory_space<vmem>>, vector<1x16xf32>,
        %parallel_loop3A_209 = arith.index_cast %parallel_loop3A_167 : i32 to index
        %parallel_loop3A_210 = arith.constant 16 : index
        %parallel_loop3A_211 = tpu.vector_load %arg14[%parallel_loop3A_209, %parallel_loop3A_210] {strides = array<i32>} : memref<40x128xi32, #tpu.memory_space<vmem>>, vector<1x16xi32>,
        %parallel_loop3A_212 = vector.shape_cast %parallel_loop3A_211 : vector<1x16xi32> to vector<16xi32>
        %parallel_loop3A_213 = arith.constant 16 : i32
        %parallel_loop3A_214 = vector.broadcast %parallel_loop3A_213 : i32 to vector<16xi32>
        %parallel_loop3A_215 = arith.shli %parallel_loop3A_212, %parallel_loop3A_214 : vector<16xi32>
        %parallel_loop3A_216 = tpu.bitcast %parallel_loop3A_215 : vector<16xi32> -> vector<16xf32>
        %parallel_loop3A_217 = tpu.bitcast %parallel_loop3A_212 : vector<16xi32> -> vector<16xf32>
        %parallel_loop3A_218 = arith.index_cast %parallel_loop3A_167 : i32 to index
        %parallel_loop3A_219 = arith.constant 16 : index
        %parallel_loop3A_220 = tpu.vector_load %arg15[%parallel_loop3A_218, %parallel_loop3A_219] {strides = array<i32>} : memref<40x128xi32, #tpu.memory_space<vmem>>, vector<1x16xi32>,
        %parallel_loop3A_221 = vector.shape_cast %parallel_loop3A_220 : vector<1x16xi32> to vector<16xi32>
        %parallel_loop3A_222 = arith.constant 16 : i32
        %parallel_loop3A_223 = vector.broadcast %parallel_loop3A_222 : i32 to vector<16xi32>
        %parallel_loop3A_224 = arith.shli %parallel_loop3A_221, %parallel_loop3A_223 : vector<16xi32>
        %parallel_loop3A_225 = tpu.bitcast %parallel_loop3A_224 : vector<16xi32> -> vector<16xf32>
        %parallel_loop3A_226 = tpu.bitcast %parallel_loop3A_221 : vector<16xi32> -> vector<16xf32>
        %parallel_loop3A_227 = arith.index_cast %parallel_loop3A_167 : i32 to index
        %parallel_loop3A_228 = arith.constant 16 : index
        %parallel_loop3A_229 = tpu.vector_load %arg16[%parallel_loop3A_227, %parallel_loop3A_228] {strides = array<i32>} : memref<40x128xi32, #tpu.memory_space<vmem>>, vector<1x16xi32>,
        %parallel_loop3A_230 = vector.shape_cast %parallel_loop3A_229 : vector<1x16xi32> to vector<16xi32>
        %parallel_loop3A_231 = arith.constant 16 : i32
        %parallel_loop3A_232 = vector.broadcast %parallel_loop3A_231 : i32 to vector<16xi32>
        %parallel_loop3A_233 = arith.shli %parallel_loop3A_230, %parallel_loop3A_232 : vector<16xi32>
        %parallel_loop3A_234 = tpu.bitcast %parallel_loop3A_233 : vector<16xi32> -> vector<16xf32>
        %parallel_loop3A_235 = tpu.bitcast %parallel_loop3A_230 : vector<16xi32> -> vector<16xf32>
        %parallel_loop3A_236 = arith.addf %parallel_loop3A_234, %parallel_loop3A_216 : vector<16xf32>
        %parallel_loop3A_237 = arith.addf %parallel_loop3A_236, %parallel_loop3A_225 : vector<16xf32>
        %parallel_loop3A_238 = arith.index_cast %parallel_loop3A_167 : i32 to index
        %parallel_loop3A_239 = arith.constant 16 : index
        %parallel_loop3A_240 = tpu.vector_load %arg17[%parallel_loop3A_238, %parallel_loop3A_239] {strides = array<i32>} : memref<40x256xf32, #tpu.memory_space<vmem>>, vector<1x16xf32>,
        %parallel_loop3A_241 = vector.shape_cast %parallel_loop3A_240 : vector<1x16xf32> to vector<16xf32>
        %parallel_loop3A_242 = vector.shape_cast %parallel_loop3A_237 : vector<16xf32> to vector<1x16xf32>
        tpu.vector_store %arg17[%parallel_loop3A_238, %parallel_loop3A_239], %parallel_loop3A_242 {strides = array<i32>} : memref<40x256xf32, #tpu.memory_space<vmem>>, vector<1x16xf32>,
        %parallel_loop3A_243 = arith.addf %parallel_loop3A_235, %parallel_loop3A_217 : vector<16xf32>
        %parallel_loop3A_244 = arith.addf %parallel_loop3A_243, %parallel_loop3A_226 : vector<16xf32>
        %parallel_loop3A_245 = arith.index_cast %parallel_loop3A_167 : i32 to index
        %parallel_loop3A_246 = arith.constant 144 : index
        %parallel_loop3A_247 = tpu.vector_load %arg17[%parallel_loop3A_245, %parallel_loop3A_246] {strides = array<i32>} : memref<40x256xf32, #tpu.memory_space<vmem>>, vector<1x16xf32>,
        %parallel_loop3A_248 = vector.shape_cast %parallel_loop3A_247 : vector<1x16xf32> to vector<16xf32>
        %parallel_loop3A_249 = vector.shape_cast %parallel_loop3A_244 : vector<16xf32> to vector<1x16xf32>
        tpu.vector_store %arg17[%parallel_loop3A_245, %parallel_loop3A_246], %parallel_loop3A_249 {strides = array<i32>} : memref<40x256xf32, #tpu.memory_space<vmem>>, vector<1x16xf32>,
        %parallel_loop3A_250 = arith.index_cast %parallel_loop3A_167 : i32 to index
        %parallel_loop3A_251 = arith.constant 32 : index
        %parallel_loop3A_252 = tpu.vector_load %arg14[%parallel_loop3A_250, %parallel_loop3A_251] {strides = array<i32>} : memref<40x128xi32, #tpu.memory_space<vmem>>, vector<1x16xi32>,
        %parallel_loop3A_253 = vector.shape_cast %parallel_loop3A_252 : vector<1x16xi32> to vector<16xi32>
        %parallel_loop3A_254 = arith.constant 16 : i32
        %parallel_loop3A_255 = vector.broadcast %parallel_loop3A_254 : i32 to vector<16xi32>
        %parallel_loop3A_256 = arith.shli %parallel_loop3A_253, %parallel_loop3A_255 : vector<16xi32>
        %parallel_loop3A_257 = tpu.bitcast %parallel_loop3A_256 : vector<16xi32> -> vector<16xf32>
        %parallel_loop3A_258 = tpu.bitcast %parallel_loop3A_253 : vector<16xi32> -> vector<16xf32>
        %parallel_loop3A_259 = arith.index_cast %parallel_loop3A_167 : i32 to index
        %parallel_loop3A_260 = arith.constant 32 : index
        %parallel_loop3A_261 = tpu.vector_load %arg15[%parallel_loop3A_259, %parallel_loop3A_260] {strides = array<i32>} : memref<40x128xi32, #tpu.memory_space<vmem>>, vector<1x16xi32>,
        %parallel_loop3A_262 = vector.shape_cast %parallel_loop3A_261 : vector<1x16xi32> to vector<16xi32>
        %parallel_loop3A_263 = arith.constant 16 : i32
        %parallel_loop3A_264 = vector.broadcast %parallel_loop3A_263 : i32 to vector<16xi32>
        %parallel_loop3A_265 = arith.shli %parallel_loop3A_262, %parallel_loop3A_264 : vector<16xi32>
        %parallel_loop3A_266 = tpu.bitcast %parallel_loop3A_265 : vector<16xi32> -> vector<16xf32>
        %parallel_loop3A_267 = tpu.bitcast %parallel_loop3A_262 : vector<16xi32> -> vector<16xf32>
        %parallel_loop3A_268 = arith.index_cast %parallel_loop3A_167 : i32 to index
        %parallel_loop3A_269 = arith.constant 32 : index
        %parallel_loop3A_270 = tpu.vector_load %arg16[%parallel_loop3A_268, %parallel_loop3A_269] {strides = array<i32>} : memref<40x128xi32, #tpu.memory_space<vmem>>, vector<1x16xi32>,
        %parallel_loop3A_271 = vector.shape_cast %parallel_loop3A_270 : vector<1x16xi32> to vector<16xi32>
        %parallel_loop3A_272 = arith.constant 16 : i32
        %parallel_loop3A_273 = vector.broadcast %parallel_loop3A_272 : i32 to vector<16xi32>
        %parallel_loop3A_274 = arith.shli %parallel_loop3A_271, %parallel_loop3A_273 : vector<16xi32>
        %parallel_loop3A_275 = tpu.bitcast %parallel_loop3A_274 : vector<16xi32> -> vector<16xf32>
        %parallel_loop3A_276 = tpu.bitcast %parallel_loop3A_271 : vector<16xi32> -> vector<16xf32>
        %parallel_loop3A_277 = arith.addf %parallel_loop3A_275, %parallel_loop3A_257 : vector<16xf32>
        %parallel_loop3A_278 = arith.addf %parallel_loop3A_277, %parallel_loop3A_266 : vector<16xf32>
        %parallel_loop3A_279 = arith.index_cast %parallel_loop3A_167 : i32 to index
        %parallel_loop3A_280 = arith.constant 32 : index
        %parallel_loop3A_281 = tpu.vector_load %arg17[%parallel_loop3A_279, %parallel_loop3A_280] {strides = array<i32>} : memref<40x256xf32, #tpu.memory_space<vmem>>, vector<1x16xf32>,
        %parallel_loop3A_282 = vector.shape_cast %parallel_loop3A_281 : vector<1x16xf32> to vector<16xf32>
        %parallel_loop3A_283 = vector.shape_cast %parallel_loop3A_278 : vector<16xf32> to vector<1x16xf32>
        tpu.vector_store %arg17[%parallel_loop3A_279, %parallel_loop3A_280], %parallel_loop3A_283 {strides = array<i32>} : memref<40x256xf32, #tpu.memory_space<vmem>>, vector<1x16xf32>,
        %parallel_loop3A_284 = arith.addf %parallel_loop3A_276, %parallel_loop3A_258 : vector<16xf32>
        %parallel_loop3A_285 = arith.addf %parallel_loop3A_284, %parallel_loop3A_267 : vector<16xf32>
        %parallel_loop3A_286 = arith.index_cast %parallel_loop3A_167 : i32 to index
        %parallel_loop3A_287 = arith.constant 160 : index
        %parallel_loop3A_288 = tpu.vector_load %arg17[%parallel_loop3A_286, %parallel_loop3A_287] {strides = array<i32>} : memref<40x256xf32, #tpu.memory_space<vmem>>, vector<1x16xf32>,
        %parallel_loop3A_289 = vector.shape_cast %parallel_loop3A_288 : vector<1x16xf32> to vector<16xf32>
        %parallel_loop3A_290 = vector.shape_cast %parallel_loop3A_285 : vector<16xf32> to vector<1x16xf32>
        tpu.vector_store %arg17[%parallel_loop3A_286, %parallel_loop3A_287], %parallel_loop3A_290 {strides = array<i32>} : memref<40x256xf32, #tpu.memory_space<vmem>>, vector<1x16xf32>,
        %parallel_loop3A_291 = arith.index_cast %parallel_loop3A_167 : i32 to index
        %parallel_loop3A_292 = arith.constant 48 : index
        %parallel_loop3A_293 = tpu.vector_load %arg14[%parallel_loop3A_291, %parallel_loop3A_292] {strides = array<i32>} : memref<40x128xi32, #tpu.memory_space<vmem>>, vector<1x16xi32>,
        %parallel_loop3A_294 = vector.shape_cast %parallel_loop3A_293 : vector<1x16xi32> to vector<16xi32>
        %parallel_loop3A_295 = arith.constant 16 : i32
        %parallel_loop3A_296 = vector.broadcast %parallel_loop3A_295 : i32 to vector<16xi32>
        %parallel_loop3A_297 = arith.shli %parallel_loop3A_294, %parallel_loop3A_296 : vector<16xi32>
        %parallel_loop3A_298 = tpu.bitcast %parallel_loop3A_297 : vector<16xi32> -> vector<16xf32>
        %parallel_loop3A_299 = tpu.bitcast %parallel_loop3A_294 : vector<16xi32> -> vector<16xf32>
        %parallel_loop3A_300 = arith.index_cast %parallel_loop3A_167 : i32 to index
        %parallel_loop3A_301 = arith.constant 48 : index
        %parallel_loop3A_302 = tpu.vector_load %arg15[%parallel_loop3A_300, %parallel_loop3A_301] {strides = array<i32>} : memref<40x128xi32, #tpu.memory_space<vmem>>, vector<1x16xi32>,
        %parallel_loop3A_303 = vector.shape_cast %parallel_loop3A_302 : vector<1x16xi32> to vector<16xi32>
        %parallel_loop3A_304 = arith.constant 16 : i32
        %parallel_loop3A_305 = vector.broadcast %parallel_loop3A_304 : i32 to vector<16xi32>
        %parallel_loop3A_306 = arith.shli %parallel_loop3A_303, %parallel_loop3A_305 : vector<16xi32>
        %parallel_loop3A_307 = tpu.bitcast %parallel_loop3A_306 : vector<16xi32> -> vector<16xf32>
        %parallel_loop3A_308 = tpu.bitcast %parallel_loop3A_303 : vector<16xi32> -> vector<16xf32>
        %parallel_loop3A_309 = arith.index_cast %parallel_loop3A_167 : i32 to index
        %parallel_loop3A_310 = arith.constant 48 : index
        %parallel_loop3A_311 = tpu.vector_load %arg16[%parallel_loop3A_309, %parallel_loop3A_310] {strides = array<i32>} : memref<40x128xi32, #tpu.memory_space<vmem>>, vector<1x16xi32>,
        %parallel_loop3A_312 = vector.shape_cast %parallel_loop3A_311 : vector<1x16xi32> to vector<16xi32>
        %parallel_loop3A_313 = arith.constant 16 : i32
        %parallel_loop3A_314 = vector.broadcast %parallel_loop3A_313 : i32 to vector<16xi32>
        %parallel_loop3A_315 = arith.shli %parallel_loop3A_312, %parallel_loop3A_314 : vector<16xi32>
        %parallel_loop3A_316 = tpu.bitcast %parallel_loop3A_315 : vector<16xi32> -> vector<16xf32>
        %parallel_loop3A_317 = tpu.bitcast %parallel_loop3A_312 : vector<16xi32> -> vector<16xf32>
        %parallel_loop3A_318 = arith.addf %parallel_loop3A_316, %parallel_loop3A_298 : vector<16xf32>
        %parallel_loop3A_319 = arith.addf %parallel_loop3A_318, %parallel_loop3A_307 : vector<16xf32>
        %parallel_loop3A_320 = arith.index_cast %parallel_loop3A_167 : i32 to index
        %parallel_loop3A_321 = arith.constant 48 : index
        %parallel_loop3A_322 = tpu.vector_load %arg17[%parallel_loop3A_320, %parallel_loop3A_321] {strides = array<i32>} : memref<40x256xf32, #tpu.memory_space<vmem>>, vector<1x16xf32>,
        %parallel_loop3A_323 = vector.shape_cast %parallel_loop3A_322 : vector<1x16xf32> to vector<16xf32>
        %parallel_loop3A_324 = vector.shape_cast %parallel_loop3A_319 : vector<16xf32> to vector<1x16xf32>
        tpu.vector_store %arg17[%parallel_loop3A_320, %parallel_loop3A_321], %parallel_loop3A_324 {strides = array<i32>} : memref<40x256xf32, #tpu.memory_space<vmem>>, vector<1x16xf32>,
        %parallel_loop3A_325 = arith.addf %parallel_loop3A_317, %parallel_loop3A_299 : vector<16xf32>
        %parallel_loop3A_326 = arith.addf %parallel_loop3A_325, %parallel_loop3A_308 : vector<16xf32>
        %parallel_loop3A_327 = arith.index_cast %parallel_loop3A_167 : i32 to index
        %parallel_loop3A_328 = arith.constant 176 : index
        %parallel_loop3A_329 = tpu.vector_load %arg17[%parallel_loop3A_327, %parallel_loop3A_328] {strides = array<i32>} : memref<40x256xf32, #tpu.memory_space<vmem>>, vector<1x16xf32>,
        %parallel_loop3A_330 = vector.shape_cast %parallel_loop3A_329 : vector<1x16xf32> to vector<16xf32>
        %parallel_loop3A_331 = vector.shape_cast %parallel_loop3A_326 : vector<16xf32> to vector<1x16xf32>
        tpu.vector_store %arg17[%parallel_loop3A_327, %parallel_loop3A_328], %parallel_loop3A_331 {strides = array<i32>} : memref<40x256xf32, #tpu.memory_space<vmem>>, vector<1x16xf32>,
        %parallel_loop3A_332 = arith.index_cast %parallel_loop3A_167 : i32 to index
        %parallel_loop3A_333 = arith.constant 64 : index
        %parallel_loop3A_334 = tpu.vector_load %arg14[%parallel_loop3A_332, %parallel_loop3A_333] {strides = array<i32>} : memref<40x128xi32, #tpu.memory_space<vmem>>, vector<1x16xi32>,
        %parallel_loop3A_335 = vector.shape_cast %parallel_loop3A_334 : vector<1x16xi32> to vector<16xi32>
        %parallel_loop3A_336 = arith.constant 16 : i32
        %parallel_loop3A_337 = vector.broadcast %parallel_loop3A_336 : i32 to vector<16xi32>
        %parallel_loop3A_338 = arith.shli %parallel_loop3A_335, %parallel_loop3A_337 : vector<16xi32>
        %parallel_loop3A_339 = tpu.bitcast %parallel_loop3A_338 : vector<16xi32> -> vector<16xf32>
        %parallel_loop3A_340 = tpu.bitcast %parallel_loop3A_335 : vector<16xi32> -> vector<16xf32>
        %parallel_loop3A_341 = arith.index_cast %parallel_loop3A_167 : i32 to index
        %parallel_loop3A_342 = arith.constant 64 : index
        %parallel_loop3A_343 = tpu.vector_load %arg15[%parallel_loop3A_341, %parallel_loop3A_342] {strides = array<i32>} : memref<40x128xi32, #tpu.memory_space<vmem>>, vector<1x16xi32>,
        %parallel_loop3A_344 = vector.shape_cast %parallel_loop3A_343 : vector<1x16xi32> to vector<16xi32>
        %parallel_loop3A_345 = arith.constant 16 : i32
        %parallel_loop3A_346 = vector.broadcast %parallel_loop3A_345 : i32 to vector<16xi32>
        %parallel_loop3A_347 = arith.shli %parallel_loop3A_344, %parallel_loop3A_346 : vector<16xi32>
        %parallel_loop3A_348 = tpu.bitcast %parallel_loop3A_347 : vector<16xi32> -> vector<16xf32>
        %parallel_loop3A_349 = tpu.bitcast %parallel_loop3A_344 : vector<16xi32> -> vector<16xf32>
        %parallel_loop3A_350 = arith.index_cast %parallel_loop3A_167 : i32 to index
        %parallel_loop3A_351 = arith.constant 64 : index
        %parallel_loop3A_352 = tpu.vector_load %arg16[%parallel_loop3A_350, %parallel_loop3A_351] {strides = array<i32>} : memref<40x128xi32, #tpu.memory_space<vmem>>, vector<1x16xi32>,
        %parallel_loop3A_353 = vector.shape_cast %parallel_loop3A_352 : vector<1x16xi32> to vector<16xi32>
        %parallel_loop3A_354 = arith.constant 16 : i32
        %parallel_loop3A_355 = vector.broadcast %parallel_loop3A_354 : i32 to vector<16xi32>
        %parallel_loop3A_356 = arith.shli %parallel_loop3A_353, %parallel_loop3A_355 : vector<16xi32>
        %parallel_loop3A_357 = tpu.bitcast %parallel_loop3A_356 : vector<16xi32> -> vector<16xf32>
        %parallel_loop3A_358 = tpu.bitcast %parallel_loop3A_353 : vector<16xi32> -> vector<16xf32>
        %parallel_loop3A_359 = arith.addf %parallel_loop3A_357, %parallel_loop3A_339 : vector<16xf32>
        %parallel_loop3A_360 = arith.addf %parallel_loop3A_359, %parallel_loop3A_348 : vector<16xf32>
        %parallel_loop3A_361 = arith.index_cast %parallel_loop3A_167 : i32 to index
        %parallel_loop3A_362 = arith.constant 64 : index
        %parallel_loop3A_363 = tpu.vector_load %arg17[%parallel_loop3A_361, %parallel_loop3A_362] {strides = array<i32>} : memref<40x256xf32, #tpu.memory_space<vmem>>, vector<1x16xf32>,
        %parallel_loop3A_364 = vector.shape_cast %parallel_loop3A_363 : vector<1x16xf32> to vector<16xf32>
        %parallel_loop3A_365 = vector.shape_cast %parallel_loop3A_360 : vector<16xf32> to vector<1x16xf32>
        tpu.vector_store %arg17[%parallel_loop3A_361, %parallel_loop3A_362], %parallel_loop3A_365 {strides = array<i32>} : memref<40x256xf32, #tpu.memory_space<vmem>>, vector<1x16xf32>,
        %parallel_loop3A_366 = arith.addf %parallel_loop3A_358, %parallel_loop3A_340 : vector<16xf32>
        %parallel_loop3A_367 = arith.addf %parallel_loop3A_366, %parallel_loop3A_349 : vector<16xf32>
        %parallel_loop3A_368 = arith.index_cast %parallel_loop3A_167 : i32 to index
        %parallel_loop3A_369 = arith.constant 192 : index
        %parallel_loop3A_370 = tpu.vector_load %arg17[%parallel_loop3A_368, %parallel_loop3A_369] {strides = array<i32>} : memref<40x256xf32, #tpu.memory_space<vmem>>, vector<1x16xf32>,
        %parallel_loop3A_371 = vector.shape_cast %parallel_loop3A_370 : vector<1x16xf32> to vector<16xf32>
        %parallel_loop3A_372 = vector.shape_cast %parallel_loop3A_367 : vector<16xf32> to vector<1x16xf32>
        tpu.vector_store %arg17[%parallel_loop3A_368, %parallel_loop3A_369], %parallel_loop3A_372 {strides = array<i32>} : memref<40x256xf32, #tpu.memory_space<vmem>>, vector<1x16xf32>,
        %parallel_loop3A_373 = arith.index_cast %parallel_loop3A_167 : i32 to index
        %parallel_loop3A_374 = arith.constant 80 : index
        %parallel_loop3A_375 = tpu.vector_load %arg14[%parallel_loop3A_373, %parallel_loop3A_374] {strides = array<i32>} : memref<40x128xi32, #tpu.memory_space<vmem>>, vector<1x16xi32>,
        %parallel_loop3A_376 = vector.shape_cast %parallel_loop3A_375 : vector<1x16xi32> to vector<16xi32>
        %parallel_loop3A_377 = arith.constant 16 : i32
        %parallel_loop3A_378 = vector.broadcast %parallel_loop3A_377 : i32 to vector<16xi32>
        %parallel_loop3A_379 = arith.shli %parallel_loop3A_376, %parallel_loop3A_378 : vector<16xi32>
        %parallel_loop3A_380 = tpu.bitcast %parallel_loop3A_379 : vector<16xi32> -> vector<16xf32>
        %parallel_loop3A_381 = tpu.bitcast %parallel_loop3A_376 : vector<16xi32> -> vector<16xf32>
        %parallel_loop3A_382 = arith.index_cast %parallel_loop3A_167 : i32 to index
        %parallel_loop3A_383 = arith.constant 80 : index
        %parallel_loop3A_384 = tpu.vector_load %arg15[%parallel_loop3A_382, %parallel_loop3A_383] {strides = array<i32>} : memref<40x128xi32, #tpu.memory_space<vmem>>, vector<1x16xi32>,
        %parallel_loop3A_385 = vector.shape_cast %parallel_loop3A_384 : vector<1x16xi32> to vector<16xi32>
        %parallel_loop3A_386 = arith.constant 16 : i32
        %parallel_loop3A_387 = vector.broadcast %parallel_loop3A_386 : i32 to vector<16xi32>
        %parallel_loop3A_388 = arith.shli %parallel_loop3A_385, %parallel_loop3A_387 : vector<16xi32>
        %parallel_loop3A_389 = tpu.bitcast %parallel_loop3A_388 : vector<16xi32> -> vector<16xf32>
        %parallel_loop3A_390 = tpu.bitcast %parallel_loop3A_385 : vector<16xi32> -> vector<16xf32>
        %parallel_loop3A_391 = arith.index_cast %parallel_loop3A_167 : i32 to index
        %parallel_loop3A_392 = arith.constant 80 : index
        %parallel_loop3A_393 = tpu.vector_load %arg16[%parallel_loop3A_391, %parallel_loop3A_392] {strides = array<i32>} : memref<40x128xi32, #tpu.memory_space<vmem>>, vector<1x16xi32>,
        %parallel_loop3A_394 = vector.shape_cast %parallel_loop3A_393 : vector<1x16xi32> to vector<16xi32>
        %parallel_loop3A_395 = arith.constant 16 : i32
        %parallel_loop3A_396 = vector.broadcast %parallel_loop3A_395 : i32 to vector<16xi32>
        %parallel_loop3A_397 = arith.shli %parallel_loop3A_394, %parallel_loop3A_396 : vector<16xi32>
        %parallel_loop3A_398 = tpu.bitcast %parallel_loop3A_397 : vector<16xi32> -> vector<16xf32>
        %parallel_loop3A_399 = tpu.bitcast %parallel_loop3A_394 : vector<16xi32> -> vector<16xf32>
        %parallel_loop3A_400 = arith.addf %parallel_loop3A_398, %parallel_loop3A_380 : vector<16xf32>
        %parallel_loop3A_401 = arith.addf %parallel_loop3A_400, %parallel_loop3A_389 : vector<16xf32>
        %parallel_loop3A_402 = arith.index_cast %parallel_loop3A_167 : i32 to index
        %parallel_loop3A_403 = arith.constant 80 : index
        %parallel_loop3A_404 = tpu.vector_load %arg17[%parallel_loop3A_402, %parallel_loop3A_403] {strides = array<i32>} : memref<40x256xf32, #tpu.memory_space<vmem>>, vector<1x16xf32>,
        %parallel_loop3A_405 = vector.shape_cast %parallel_loop3A_404 : vector<1x16xf32> to vector<16xf32>
        %parallel_loop3A_406 = vector.shape_cast %parallel_loop3A_401 : vector<16xf32> to vector<1x16xf32>
        tpu.vector_store %arg17[%parallel_loop3A_402, %parallel_loop3A_403], %parallel_loop3A_406 {strides = array<i32>} : memref<40x256xf32, #tpu.memory_space<vmem>>, vector<1x16xf32>,
        %parallel_loop3A_407 = arith.addf %parallel_loop3A_399, %parallel_loop3A_381 : vector<16xf32>
        %parallel_loop3A_408 = arith.addf %parallel_loop3A_407, %parallel_loop3A_390 : vector<16xf32>
        %parallel_loop3A_409 = arith.index_cast %parallel_loop3A_167 : i32 to index
        %parallel_loop3A_410 = arith.constant 208 : index
        %parallel_loop3A_411 = tpu.vector_load %arg17[%parallel_loop3A_409, %parallel_loop3A_410] {strides = array<i32>} : memref<40x256xf32, #tpu.memory_space<vmem>>, vector<1x16xf32>,
        %parallel_loop3A_412 = vector.shape_cast %parallel_loop3A_411 : vector<1x16xf32> to vector<16xf32>
        %parallel_loop3A_413 = vector.shape_cast %parallel_loop3A_408 : vector<16xf32> to vector<1x16xf32>
        tpu.vector_store %arg17[%parallel_loop3A_409, %parallel_loop3A_410], %parallel_loop3A_413 {strides = array<i32>} : memref<40x256xf32, #tpu.memory_space<vmem>>, vector<1x16xf32>,
        %parallel_loop3A_414 = arith.index_cast %parallel_loop3A_167 : i32 to index
        %parallel_loop3A_415 = arith.constant 96 : index
        %parallel_loop3A_416 = tpu.vector_load %arg14[%parallel_loop3A_414, %parallel_loop3A_415] {strides = array<i32>} : memref<40x128xi32, #tpu.memory_space<vmem>>, vector<1x16xi32>,
        %parallel_loop3A_417 = vector.shape_cast %parallel_loop3A_416 : vector<1x16xi32> to vector<16xi32>
        %parallel_loop3A_418 = arith.constant 16 : i32
        %parallel_loop3A_419 = vector.broadcast %parallel_loop3A_418 : i32 to vector<16xi32>
        %parallel_loop3A_420 = arith.shli %parallel_loop3A_417, %parallel_loop3A_419 : vector<16xi32>
        %parallel_loop3A_421 = tpu.bitcast %parallel_loop3A_420 : vector<16xi32> -> vector<16xf32>
        %parallel_loop3A_422 = tpu.bitcast %parallel_loop3A_417 : vector<16xi32> -> vector<16xf32>
        %parallel_loop3A_423 = arith.index_cast %parallel_loop3A_167 : i32 to index
        %parallel_loop3A_424 = arith.constant 96 : index
        %parallel_loop3A_425 = tpu.vector_load %arg15[%parallel_loop3A_423, %parallel_loop3A_424] {strides = array<i32>} : memref<40x128xi32, #tpu.memory_space<vmem>>, vector<1x16xi32>,
        %parallel_loop3A_426 = vector.shape_cast %parallel_loop3A_425 : vector<1x16xi32> to vector<16xi32>
        %parallel_loop3A_427 = arith.constant 16 : i32
        %parallel_loop3A_428 = vector.broadcast %parallel_loop3A_427 : i32 to vector<16xi32>
        %parallel_loop3A_429 = arith.shli %parallel_loop3A_426, %parallel_loop3A_428 : vector<16xi32>
        %parallel_loop3A_430 = tpu.bitcast %parallel_loop3A_429 : vector<16xi32> -> vector<16xf32>
        %parallel_loop3A_431 = tpu.bitcast %parallel_loop3A_426 : vector<16xi32> -> vector<16xf32>
        %parallel_loop3A_432 = arith.index_cast %parallel_loop3A_167 : i32 to index
        %parallel_loop3A_433 = arith.constant 96 : index
        %parallel_loop3A_434 = tpu.vector_load %arg16[%parallel_loop3A_432, %parallel_loop3A_433] {strides = array<i32>} : memref<40x128xi32, #tpu.memory_space<vmem>>, vector<1x16xi32>,
        %parallel_loop3A_435 = vector.shape_cast %parallel_loop3A_434 : vector<1x16xi32> to vector<16xi32>
        %parallel_loop3A_436 = arith.constant 16 : i32
        %parallel_loop3A_437 = vector.broadcast %parallel_loop3A_436 : i32 to vector<16xi32>
        %parallel_loop3A_438 = arith.shli %parallel_loop3A_435, %parallel_loop3A_437 : vector<16xi32>
        %parallel_loop3A_439 = tpu.bitcast %parallel_loop3A_438 : vector<16xi32> -> vector<16xf32>
        %parallel_loop3A_440 = tpu.bitcast %parallel_loop3A_435 : vector<16xi32> -> vector<16xf32>
        %parallel_loop3A_441 = arith.addf %parallel_loop3A_439, %parallel_loop3A_421 : vector<16xf32>
        %parallel_loop3A_442 = arith.addf %parallel_loop3A_441, %parallel_loop3A_430 : vector<16xf32>
        %parallel_loop3A_443 = arith.index_cast %parallel_loop3A_167 : i32 to index
        %parallel_loop3A_444 = arith.constant 96 : index
        %parallel_loop3A_445 = tpu.vector_load %arg17[%parallel_loop3A_443, %parallel_loop3A_444] {strides = array<i32>} : memref<40x256xf32, #tpu.memory_space<vmem>>, vector<1x16xf32>,
        %parallel_loop3A_446 = vector.shape_cast %parallel_loop3A_445 : vector<1x16xf32> to vector<16xf32>
        %parallel_loop3A_447 = vector.shape_cast %parallel_loop3A_442 : vector<16xf32> to vector<1x16xf32>
        tpu.vector_store %arg17[%parallel_loop3A_443, %parallel_loop3A_444], %parallel_loop3A_447 {strides = array<i32>} : memref<40x256xf32, #tpu.memory_space<vmem>>, vector<1x16xf32>,
        %parallel_loop3A_448 = arith.addf %parallel_loop3A_440, %parallel_loop3A_422 : vector<16xf32>
        %parallel_loop3A_449 = arith.addf %parallel_loop3A_448, %parallel_loop3A_431 : vector<16xf32>
        %parallel_loop3A_450 = arith.index_cast %parallel_loop3A_167 : i32 to index
        %parallel_loop3A_451 = arith.constant 224 : index
        %parallel_loop3A_452 = tpu.vector_load %arg17[%parallel_loop3A_450, %parallel_loop3A_451] {strides = array<i32>} : memref<40x256xf32, #tpu.memory_space<vmem>>, vector<1x16xf32>,
        %parallel_loop3A_453 = vector.shape_cast %parallel_loop3A_452 : vector<1x16xf32> to vector<16xf32>
        %parallel_loop3A_454 = vector.shape_cast %parallel_loop3A_449 : vector<16xf32> to vector<1x16xf32>
        tpu.vector_store %arg17[%parallel_loop3A_450, %parallel_loop3A_451], %parallel_loop3A_454 {strides = array<i32>} : memref<40x256xf32, #tpu.memory_space<vmem>>, vector<1x16xf32>,
        %parallel_loop3A_455 = arith.index_cast %parallel_loop3A_167 : i32 to index
        %parallel_loop3A_456 = arith.constant 112 : index
        %parallel_loop3A_457 = tpu.vector_load %arg14[%parallel_loop3A_455, %parallel_loop3A_456] {strides = array<i32>} : memref<40x128xi32, #tpu.memory_space<vmem>>, vector<1x16xi32>,
        %parallel_loop3A_458 = vector.shape_cast %parallel_loop3A_457 : vector<1x16xi32> to vector<16xi32>
        %parallel_loop3A_459 = arith.constant 16 : i32
        %parallel_loop3A_460 = vector.broadcast %parallel_loop3A_459 : i32 to vector<16xi32>
        %parallel_loop3A_461 = arith.shli %parallel_loop3A_458, %parallel_loop3A_460 : vector<16xi32>
        %parallel_loop3A_462 = tpu.bitcast %parallel_loop3A_461 : vector<16xi32> -> vector<16xf32>
        %parallel_loop3A_463 = tpu.bitcast %parallel_loop3A_458 : vector<16xi32> -> vector<16xf32>
        %parallel_loop3A_464 = arith.index_cast %parallel_loop3A_167 : i32 to index
        %parallel_loop3A_465 = arith.constant 112 : index
        %parallel_loop3A_466 = tpu.vector_load %arg15[%parallel_loop3A_464, %parallel_loop3A_465] {strides = array<i32>} : memref<40x128xi32, #tpu.memory_space<vmem>>, vector<1x16xi32>,
        %parallel_loop3A_467 = vector.shape_cast %parallel_loop3A_466 : vector<1x16xi32> to vector<16xi32>
        %parallel_loop3A_468 = arith.constant 16 : i32
        %parallel_loop3A_469 = vector.broadcast %parallel_loop3A_468 : i32 to vector<16xi32>
        %parallel_loop3A_470 = arith.shli %parallel_loop3A_467, %parallel_loop3A_469 : vector<16xi32>
        %parallel_loop3A_471 = tpu.bitcast %parallel_loop3A_470 : vector<16xi32> -> vector<16xf32>
        %parallel_loop3A_472 = tpu.bitcast %parallel_loop3A_467 : vector<16xi32> -> vector<16xf32>
        %parallel_loop3A_473 = arith.index_cast %parallel_loop3A_167 : i32 to index
        %parallel_loop3A_474 = arith.constant 112 : index
        %parallel_loop3A_475 = tpu.vector_load %arg16[%parallel_loop3A_473, %parallel_loop3A_474] {strides = array<i32>} : memref<40x128xi32, #tpu.memory_space<vmem>>, vector<1x16xi32>,
        %parallel_loop3A_476 = vector.shape_cast %parallel_loop3A_475 : vector<1x16xi32> to vector<16xi32>
        %parallel_loop3A_477 = arith.constant 16 : i32
        %parallel_loop3A_478 = vector.broadcast %parallel_loop3A_477 : i32 to vector<16xi32>
        %parallel_loop3A_479 = arith.shli %parallel_loop3A_476, %parallel_loop3A_478 : vector<16xi32>
        %parallel_loop3A_480 = tpu.bitcast %parallel_loop3A_479 : vector<16xi32> -> vector<16xf32>
        %parallel_loop3A_481 = tpu.bitcast %parallel_loop3A_476 : vector<16xi32> -> vector<16xf32>
        %parallel_loop3A_482 = arith.addf %parallel_loop3A_480, %parallel_loop3A_462 : vector<16xf32>
        %parallel_loop3A_483 = arith.addf %parallel_loop3A_482, %parallel_loop3A_471 : vector<16xf32>
        %parallel_loop3A_484 = arith.index_cast %parallel_loop3A_167 : i32 to index
        %parallel_loop3A_485 = arith.constant 112 : index
        %parallel_loop3A_486 = tpu.vector_load %arg17[%parallel_loop3A_484, %parallel_loop3A_485] {strides = array<i32>} : memref<40x256xf32, #tpu.memory_space<vmem>>, vector<1x16xf32>,
        %parallel_loop3A_487 = vector.shape_cast %parallel_loop3A_486 : vector<1x16xf32> to vector<16xf32>
        %parallel_loop3A_488 = vector.shape_cast %parallel_loop3A_483 : vector<16xf32> to vector<1x16xf32>
        tpu.vector_store %arg17[%parallel_loop3A_484, %parallel_loop3A_485], %parallel_loop3A_488 {strides = array<i32>} : memref<40x256xf32, #tpu.memory_space<vmem>>, vector<1x16xf32>,
        %parallel_loop3A_489 = arith.addf %parallel_loop3A_481, %parallel_loop3A_463 : vector<16xf32>
        %parallel_loop3A_490 = arith.addf %parallel_loop3A_489, %parallel_loop3A_472 : vector<16xf32>
        %parallel_loop3A_491 = arith.index_cast %parallel_loop3A_167 : i32 to index
        %parallel_loop3A_492 = arith.constant 240 : index
        %parallel_loop3A_493 = tpu.vector_load %arg17[%parallel_loop3A_491, %parallel_loop3A_492] {strides = array<i32>} : memref<40x256xf32, #tpu.memory_space<vmem>>, vector<1x16xf32>,
        %parallel_loop3A_494 = vector.shape_cast %parallel_loop3A_493 : vector<1x16xf32> to vector<16xf32>
        %parallel_loop3A_495 = vector.shape_cast %parallel_loop3A_490 : vector<16xf32> to vector<1x16xf32>
        tpu.vector_store %arg17[%parallel_loop3A_491, %parallel_loop3A_492], %parallel_loop3A_495 {strides = array<i32>} : memref<40x256xf32, #tpu.memory_space<vmem>>, vector<1x16xf32>,
      } {sc.loop_unroll_factor = 8 : i64, sc.parallel_access}
      %add3A_153 = arith.constant 2 : i32
      %add3A_154 = arith.addi %add3A_126, %add3A_153 : i32
      %lt3A_155 = arith.constant 125 : i32
      %lt3A_156 = arith.cmpi slt, %add3A_154, %lt3A_155 : i32
      %convert_element_type3A_157 = arith.extui %lt3A_156 : i1 to i32
      %cond3A_158 = arith.constant 0 : i32
      %cond3A_159 = arith.cmpi ne, %convert_element_type3A_157, %cond3A_158 : i32
      scf.if %cond3A_159 {
        %add3A_167 = arith.constant 2 : i32
        %add3A_168 = arith.addi %add3A_126, %add3A_167 : i32
        %mul3A_169 = arith.constant 40 : i32
        %mul3A_170 = arith.muli %add3A_168, %mul3A_169 : i32
        %dma_start3A_171 = tpu.memref_slice %arg8[%mul3A_170] : memref<5000xi32, #tpu.memory_space<vmem>> -> memref<40xi32, #tpu.memory_space<vmem>>
        %dma_start3A_172 = arith.constant 0 : i32
        %dma_start3A_173 = arith.constant 0 : i32
        %dma_start3A_174 = tpu.memref_slice %arg2[%dma_start3A_172, %dma_start3A_173] : memref<10000x128xi32, #tpu.memory_space<hbm>> -> memref<10000x128xi32, #tpu.memory_space<hbm>>
        tpu.enqueue_indirect_dma source(%dma_start3A_174 : memref<10000x128xi32, #tpu.memory_space<hbm>>) target(%arg14 : memref<40x128xi32, #tpu.memory_space<vmem>>) offsets(%dma_start3A_171 : memref<40xi32, #tpu.memory_space<vmem>>) semaphore(%arg20 : memref<!tpu.dma_semaphore, #tpu.memory_space<semaphore_mem>>)
        %mul3A_175 = arith.constant 40 : i32
        %mul3A_176 = arith.muli %add3A_168, %mul3A_175 : i32
        %dma_start3A_177 = tpu.memref_slice %arg9[%mul3A_176] : memref<5000xi32, #tpu.memory_space<vmem>> -> memref<40xi32, #tpu.memory_space<vmem>>
        %dma_start3A_178 = arith.constant 0 : i32
        %dma_start3A_179 = arith.constant 0 : i32
        %dma_start3A_180 = tpu.memref_slice %arg3[%dma_start3A_178, %dma_start3A_179] : memref<10000x128xi32, #tpu.memory_space<hbm>> -> memref<10000x128xi32, #tpu.memory_space<hbm>>
        tpu.enqueue_indirect_dma source(%dma_start3A_180 : memref<10000x128xi32, #tpu.memory_space<hbm>>) target(%arg15 : memref<40x128xi32, #tpu.memory_space<vmem>>) offsets(%dma_start3A_177 : memref<40xi32, #tpu.memory_space<vmem>>) semaphore(%arg20 : memref<!tpu.dma_semaphore, #tpu.memory_space<semaphore_mem>>)
        %mul3A_181 = arith.constant 40 : i32
        %mul3A_182 = arith.muli %add3A_168, %mul3A_181 : i32
        %add3A_183 = arith.addi %mul3A_2, %mul3A_182 : i32
        %dma_start3A_184 = arith.constant 0 : i32
        %dma_start3A_185 = tpu.memref_slice %arg4[%add3A_183, %dma_start3A_184] : memref<160000x128xi32, #tpu.memory_space<hbm>> -> memref<40x128xi32, #tpu.memory_space<hbm>>
        %dma_start3A_186 = arith.constant 0 : i32
        %dma_start3A_187 = tpu.memref_slice %arg4[%add3A_183, %dma_start3A_186] : memref<160000x128xi32, #tpu.memory_space<hbm>> -> memref<40x128xi32, #tpu.memory_space<hbm>>
        tpu.enqueue_dma source(%dma_start3A_187 : memref<40x128xi32, #tpu.memory_space<hbm>>) target(%arg16 : memref<40x128xi32, #tpu.memory_space<vmem>>) target_semaphore(%arg20 : memref<!tpu.dma_semaphore, #tpu.memory_space<semaphore_mem>>)
      } else {
      }
      %mul3A_160 = arith.constant 40 : i32
      %mul3A_161 = arith.muli %add3A_126, %mul3A_160 : i32
      %add3A_162 = arith.addi %mul3A_2, %mul3A_161 : i32
      %dma_start3A_163 = arith.constant 0 : i32
      %dma_start3A_164 = tpu.memref_slice %arg7[%add3A_162, %dma_start3A_163] : memref<160000x256xf32, #tpu.memory_space<hbm>> -> memref<40x256xf32, #tpu.memory_space<hbm>>
      %dma_start3A_165 = arith.constant 0 : i32
      %dma_start3A_166 = tpu.memref_slice %arg7[%add3A_162, %dma_start3A_165] : memref<160000x256xf32, #tpu.memory_space<hbm>> -> memref<40x256xf32, #tpu.memory_space<hbm>>
      tpu.enqueue_dma source(%arg17 : memref<40x256xf32, #tpu.memory_space<vmem>>) target(%dma_start3A_166 : memref<40x256xf32, #tpu.memory_space<hbm>>) target_semaphore(%arg21 : memref<!tpu.dma_semaphore, #tpu.memory_space<semaphore_mem>>)
    }
    %scan3A_38 = arith.constant 62 : i32
    %dma_wait3A = arith.constant 0 : i32
    %dma_wait3A_39 = arith.constant 0 : i32
    %dma_wait3A_40 = tpu.memref_slice %arg2[%dma_wait3A, %dma_wait3A_39] : memref<10000x128xi32, #tpu.memory_space<hbm>> -> memref<40x128xi32, #tpu.memory_space<hbm>>
    %dma_wait3A_41 = arith.constant 0 : i32
    %dma_wait3A_42 = arith.constant 0 : i32
    %dma_wait3A_43 = tpu.memref_slice %arg2[%dma_wait3A_41, %dma_wait3A_42] : memref<10000x128xi32, #tpu.memory_space<hbm>> -> memref<40x128xi32, #tpu.memory_space<hbm>>
    tpu.wait_dma2 semaphore(%arg18 : memref<!tpu.dma_semaphore, #tpu.memory_space<semaphore_mem>>) src(%dma_wait3A_43 : memref<40x128xi32, #tpu.memory_space<hbm>>) dst(%arg10 : memref<40x128xi32, #tpu.memory_space<vmem>>)
    %dma_wait3A_44 = arith.constant 0 : i32
    %dma_wait3A_45 = arith.constant 0 : i32
    %dma_wait3A_46 = tpu.memref_slice %arg3[%dma_wait3A_44, %dma_wait3A_45] : memref<10000x128xi32, #tpu.memory_space<hbm>> -> memref<40x128xi32, #tpu.memory_space<hbm>>
    %dma_wait3A_47 = arith.constant 0 : i32
    %dma_wait3A_48 = arith.constant 0 : i32
    %dma_wait3A_49 = tpu.memref_slice %arg3[%dma_wait3A_47, %dma_wait3A_48] : memref<10000x128xi32, #tpu.memory_space<hbm>> -> memref<40x128xi32, #tpu.memory_space<hbm>>
    tpu.wait_dma2 semaphore(%arg18 : memref<!tpu.dma_semaphore, #tpu.memory_space<semaphore_mem>>) src(%dma_wait3A_49 : memref<40x128xi32, #tpu.memory_space<hbm>>) dst(%arg11 : memref<40x128xi32, #tpu.memory_space<vmem>>)
    %dma_wait3A_50 = arith.constant 0 : i32
    %dma_wait3A_51 = arith.constant 0 : i32
    %dma_wait3A_52 = tpu.memref_slice %arg4[%dma_wait3A_50, %dma_wait3A_51] : memref<160000x128xi32, #tpu.memory_space<hbm>> -> memref<40x128xi32, #tpu.memory_space<hbm>>
    %dma_wait3A_53 = arith.constant 0 : i32
    %dma_wait3A_54 = arith.constant 0 : i32
    %dma_wait3A_55 = tpu.memref_slice %arg4[%dma_wait3A_53, %dma_wait3A_54] : memref<160000x128xi32, #tpu.memory_space<hbm>> -> memref<40x128xi32, #tpu.memory_space<hbm>>
    tpu.wait_dma2 semaphore(%arg18 : memref<!tpu.dma_semaphore, #tpu.memory_space<semaphore_mem>>) src(%dma_wait3A_55 : memref<40x128xi32, #tpu.memory_space<hbm>>) dst(%arg12 : memref<40x128xi32, #tpu.memory_space<vmem>>)
    %dma_wait3A_56 = arith.constant 0 : i32
    %dma_wait3A_57 = arith.constant 0 : i32
    %dma_wait3A_58 = tpu.memref_slice %arg7[%dma_wait3A_56, %dma_wait3A_57] : memref<160000x256xf32, #tpu.memory_space<hbm>> -> memref<40x256xf32, #tpu.memory_space<hbm>>
    %dma_wait3A_59 = arith.constant 0 : i32
    %dma_wait3A_60 = arith.constant 0 : i32
    %dma_wait3A_61 = tpu.memref_slice %arg7[%dma_wait3A_59, %dma_wait3A_60] : memref<160000x256xf32, #tpu.memory_space<hbm>> -> memref<40x256xf32, #tpu.memory_space<hbm>>
    tpu.wait_dma2 semaphore(%arg19 : memref<!tpu.dma_semaphore, #tpu.memory_space<semaphore_mem>>) src(%arg13 : memref<40x256xf32, #tpu.memory_space<vmem>>) dst(%dma_wait3A_61 : memref<40x256xf32, #tpu.memory_space<hbm>>)
    %parallel_loop3A = arith.constant 0 : i32
    %parallel_loop3A_62 = arith.constant 40 : i32
    %parallel_loop3A_63 = arith.constant 1 : i32
    scf.for %parallel_loop3A_82 = %parallel_loop3A to %parallel_loop3A_62 step %parallel_loop3A_63  : i32 {
      %parallel_loop3A_83 = arith.index_cast %parallel_loop3A_82 : i32 to index
      %parallel_loop3A_84 = arith.constant 0 : index
      %parallel_loop3A_85 = tpu.vector_load %arg10[%parallel_loop3A_83, %parallel_loop3A_84] {strides = array<i32>} : memref<40x128xi32, #tpu.memory_space<vmem>>, vector<1x16xi32>,
      %parallel_loop3A_86 = vector.shape_cast %parallel_loop3A_85 : vector<1x16xi32> to vector<16xi32>
      %parallel_loop3A_87 = arith.constant 16 : i32
      %parallel_loop3A_88 = vector.broadcast %parallel_loop3A_87 : i32 to vector<16xi32>
      %parallel_loop3A_89 = arith.shli %parallel_loop3A_86, %parallel_loop3A_88 : vector<16xi32>
      %parallel_loop3A_90 = tpu.bitcast %parallel_loop3A_89 : vector<16xi32> -> vector<16xf32>
      %parallel_loop3A_91 = tpu.bitcast %parallel_loop3A_86 : vector<16xi32> -> vector<16xf32>
      %parallel_loop3A_92 = arith.index_cast %parallel_loop3A_82 : i32 to index
      %parallel_loop3A_93 = arith.constant 0 : index
      %parallel_loop3A_94 = tpu.vector_load %arg11[%parallel_loop3A_92, %parallel_loop3A_93] {strides = array<i32>} : memref<40x128xi32, #tpu.memory_space<vmem>>, vector<1x16xi32>,
      %parallel_loop3A_95 = vector.shape_cast %parallel_loop3A_94 : vector<1x16xi32> to vector<16xi32>
      %parallel_loop3A_96 = arith.constant 16 : i32
      %parallel_loop3A_97 = vector.broadcast %parallel_loop3A_96 : i32 to vector<16xi32>
      %parallel_loop3A_98 = arith.shli %parallel_loop3A_95, %parallel_loop3A_97 : vector<16xi32>
      %parallel_loop3A_99 = tpu.bitcast %parallel_loop3A_98 : vector<16xi32> -> vector<16xf32>
      %parallel_loop3A_100 = tpu.bitcast %parallel_loop3A_95 : vector<16xi32> -> vector<16xf32>
      %parallel_loop3A_101 = arith.index_cast %parallel_loop3A_82 : i32 to index
      %parallel_loop3A_102 = arith.constant 0 : index
      %parallel_loop3A_103 = tpu.vector_load %arg12[%parallel_loop3A_101, %parallel_loop3A_102] {strides = array<i32>} : memref<40x128xi32, #tpu.memory_space<vmem>>, vector<1x16xi32>,
      %parallel_loop3A_104 = vector.shape_cast %parallel_loop3A_103 : vector<1x16xi32> to vector<16xi32>
      %parallel_loop3A_105 = arith.constant 16 : i32
      %parallel_loop3A_106 = vector.broadcast %parallel_loop3A_105 : i32 to vector<16xi32>
      %parallel_loop3A_107 = arith.shli %parallel_loop3A_104, %parallel_loop3A_106 : vector<16xi32>
      %parallel_loop3A_108 = tpu.bitcast %parallel_loop3A_107 : vector<16xi32> -> vector<16xf32>
      %parallel_loop3A_109 = tpu.bitcast %parallel_loop3A_104 : vector<16xi32> -> vector<16xf32>
      %parallel_loop3A_110 = arith.addf %parallel_loop3A_108, %parallel_loop3A_90 : vector<16xf32>
      %parallel_loop3A_111 = arith.addf %parallel_loop3A_110, %parallel_loop3A_99 : vector<16xf32>
      %parallel_loop3A_112 = arith.index_cast %parallel_loop3A_82 : i32 to index
      %parallel_loop3A_113 = arith.constant 0 : index
      %parallel_loop3A_114 = tpu.vector_load %arg13[%parallel_loop3A_112, %parallel_loop3A_113] {strides = array<i32>} : memref<40x256xf32, #tpu.memory_space<vmem>>, vector<1x16xf32>,
      %parallel_loop3A_115 = vector.shape_cast %parallel_loop3A_114 : vector<1x16xf32> to vector<16xf32>
      %parallel_loop3A_116 = vector.shape_cast %parallel_loop3A_111 : vector<16xf32> to vector<1x16xf32>
      tpu.vector_store %arg13[%parallel_loop3A_112, %parallel_loop3A_113], %parallel_loop3A_116 {strides = array<i32>} : memref<40x256xf32, #tpu.memory_space<vmem>>, vector<1x16xf32>,
      %parallel_loop3A_117 = arith.addf %parallel_loop3A_109, %parallel_loop3A_91 : vector<16xf32>
      %parallel_loop3A_118 = arith.addf %parallel_loop3A_117, %parallel_loop3A_100 : vector<16xf32>
      %parallel_loop3A_119 = arith.index_cast %parallel_loop3A_82 : i32 to index
      %parallel_loop3A_120 = arith.constant 128 : index
      %parallel_loop3A_121 = tpu.vector_load %arg13[%parallel_loop3A_119, %parallel_loop3A_120] {strides = array<i32>} : memref<40x256xf32, #tpu.memory_space<vmem>>, vector<1x16xf32>,
      %parallel_loop3A_122 = vector.shape_cast %parallel_loop3A_121 : vector<1x16xf32> to vector<16xf32>
      %parallel_loop3A_123 = vector.shape_cast %parallel_loop3A_118 : vector<16xf32> to vector<1x16xf32>
      tpu.vector_store %arg13[%parallel_loop3A_119, %parallel_loop3A_120], %parallel_loop3A_123 {strides = array<i32>} : memref<40x256xf32, #tpu.memory_space<vmem>>, vector<1x16xf32>,
      %parallel_loop3A_124 = arith.index_cast %parallel_loop3A_82 : i32 to index
      %parallel_loop3A_125 = arith.constant 16 : index
      %parallel_loop3A_126 = tpu.vector_load %arg10[%parallel_loop3A_124, %parallel_loop3A_125] {strides = array<i32>} : memref<40x128xi32, #tpu.memory_space<vmem>>, vector<1x16xi32>,
      %parallel_loop3A_127 = vector.shape_cast %parallel_loop3A_126 : vector<1x16xi32> to vector<16xi32>
      %parallel_loop3A_128 = arith.constant 16 : i32
      %parallel_loop3A_129 = vector.broadcast %parallel_loop3A_128 : i32 to vector<16xi32>
      %parallel_loop3A_130 = arith.shli %parallel_loop3A_127, %parallel_loop3A_129 : vector<16xi32>
      %parallel_loop3A_131 = tpu.bitcast %parallel_loop3A_130 : vector<16xi32> -> vector<16xf32>
      %parallel_loop3A_132 = tpu.bitcast %parallel_loop3A_127 : vector<16xi32> -> vector<16xf32>
      %parallel_loop3A_133 = arith.index_cast %parallel_loop3A_82 : i32 to index
      %parallel_loop3A_134 = arith.constant 16 : index
      %parallel_loop3A_135 = tpu.vector_load %arg11[%parallel_loop3A_133, %parallel_loop3A_134] {strides = array<i32>} : memref<40x128xi32, #tpu.memory_space<vmem>>, vector<1x16xi32>,
      %parallel_loop3A_136 = vector.shape_cast %parallel_loop3A_135 : vector<1x16xi32> to vector<16xi32>
      %parallel_loop3A_137 = arith.constant 16 : i32
      %parallel_loop3A_138 = vector.broadcast %parallel_loop3A_137 : i32 to vector<16xi32>
      %parallel_loop3A_139 = arith.shli %parallel_loop3A_136, %parallel_loop3A_138 : vector<16xi32>
      %parallel_loop3A_140 = tpu.bitcast %parallel_loop3A_139 : vector<16xi32> -> vector<16xf32>
      %parallel_loop3A_141 = tpu.bitcast %parallel_loop3A_136 : vector<16xi32> -> vector<16xf32>
      %parallel_loop3A_142 = arith.index_cast %parallel_loop3A_82 : i32 to index
      %parallel_loop3A_143 = arith.constant 16 : index
      %parallel_loop3A_144 = tpu.vector_load %arg12[%parallel_loop3A_142, %parallel_loop3A_143] {strides = array<i32>} : memref<40x128xi32, #tpu.memory_space<vmem>>, vector<1x16xi32>,
      %parallel_loop3A_145 = vector.shape_cast %parallel_loop3A_144 : vector<1x16xi32> to vector<16xi32>
      %parallel_loop3A_146 = arith.constant 16 : i32
      %parallel_loop3A_147 = vector.broadcast %parallel_loop3A_146 : i32 to vector<16xi32>
      %parallel_loop3A_148 = arith.shli %parallel_loop3A_145, %parallel_loop3A_147 : vector<16xi32>
      %parallel_loop3A_149 = tpu.bitcast %parallel_loop3A_148 : vector<16xi32> -> vector<16xf32>
      %parallel_loop3A_150 = tpu.bitcast %parallel_loop3A_145 : vector<16xi32> -> vector<16xf32>
      %parallel_loop3A_151 = arith.addf %parallel_loop3A_149, %parallel_loop3A_131 : vector<16xf32>
      %parallel_loop3A_152 = arith.addf %parallel_loop3A_151, %parallel_loop3A_140 : vector<16xf32>
      %parallel_loop3A_153 = arith.index_cast %parallel_loop3A_82 : i32 to index
      %parallel_loop3A_154 = arith.constant 16 : index
      %parallel_loop3A_155 = tpu.vector_load %arg13[%parallel_loop3A_153, %parallel_loop3A_154] {strides = array<i32>} : memref<40x256xf32, #tpu.memory_space<vmem>>, vector<1x16xf32>,
      %parallel_loop3A_156 = vector.shape_cast %parallel_loop3A_155 : vector<1x16xf32> to vector<16xf32>
      %parallel_loop3A_157 = vector.shape_cast %parallel_loop3A_152 : vector<16xf32> to vector<1x16xf32>
      tpu.vector_store %arg13[%parallel_loop3A_153, %parallel_loop3A_154], %parallel_loop3A_157 {strides = array<i32>} : memref<40x256xf32, #tpu.memory_space<vmem>>, vector<1x16xf32>,
      %parallel_loop3A_158 = arith.addf %parallel_loop3A_150, %parallel_loop3A_132 : vector<16xf32>
      %parallel_loop3A_159 = arith.addf %parallel_loop3A_158, %parallel_loop3A_141 : vector<16xf32>
      %parallel_loop3A_160 = arith.index_cast %parallel_loop3A_82 : i32 to index
      %parallel_loop3A_161 = arith.constant 144 : index
      %parallel_loop3A_162 = tpu.vector_load %arg13[%parallel_loop3A_160, %parallel_loop3A_161] {strides = array<i32>} : memref<40x256xf32, #tpu.memory_space<vmem>>, vector<1x16xf32>,
      %parallel_loop3A_163 = vector.shape_cast %parallel_loop3A_162 : vector<1x16xf32> to vector<16xf32>
      %parallel_loop3A_164 = vector.shape_cast %parallel_loop3A_159 : vector<16xf32> to vector<1x16xf32>
      tpu.vector_store %arg13[%parallel_loop3A_160, %parallel_loop3A_161], %parallel_loop3A_164 {strides = array<i32>} : memref<40x256xf32, #tpu.memory_space<vmem>>, vector<1x16xf32>,
      %parallel_loop3A_165 = arith.index_cast %parallel_loop3A_82 : i32 to index
      %parallel_loop3A_166 = arith.constant 32 : index
      %parallel_loop3A_167 = tpu.vector_load %arg10[%parallel_loop3A_165, %parallel_loop3A_166] {strides = array<i32>} : memref<40x128xi32, #tpu.memory_space<vmem>>, vector<1x16xi32>,
      %parallel_loop3A_168 = vector.shape_cast %parallel_loop3A_167 : vector<1x16xi32> to vector<16xi32>
      %parallel_loop3A_169 = arith.constant 16 : i32
      %parallel_loop3A_170 = vector.broadcast %parallel_loop3A_169 : i32 to vector<16xi32>
      %parallel_loop3A_171 = arith.shli %parallel_loop3A_168, %parallel_loop3A_170 : vector<16xi32>
      %parallel_loop3A_172 = tpu.bitcast %parallel_loop3A_171 : vector<16xi32> -> vector<16xf32>
      %parallel_loop3A_173 = tpu.bitcast %parallel_loop3A_168 : vector<16xi32> -> vector<16xf32>
      %parallel_loop3A_174 = arith.index_cast %parallel_loop3A_82 : i32 to index
      %parallel_loop3A_175 = arith.constant 32 : index
      %parallel_loop3A_176 = tpu.vector_load %arg11[%parallel_loop3A_174, %parallel_loop3A_175] {strides = array<i32>} : memref<40x128xi32, #tpu.memory_space<vmem>>, vector<1x16xi32>,
      %parallel_loop3A_177 = vector.shape_cast %parallel_loop3A_176 : vector<1x16xi32> to vector<16xi32>
      %parallel_loop3A_178 = arith.constant 16 : i32
      %parallel_loop3A_179 = vector.broadcast %parallel_loop3A_178 : i32 to vector<16xi32>
      %parallel_loop3A_180 = arith.shli %parallel_loop3A_177, %parallel_loop3A_179 : vector<16xi32>
      %parallel_loop3A_181 = tpu.bitcast %parallel_loop3A_180 : vector<16xi32> -> vector<16xf32>
      %parallel_loop3A_182 = tpu.bitcast %parallel_loop3A_177 : vector<16xi32> -> vector<16xf32>
      %parallel_loop3A_183 = arith.index_cast %parallel_loop3A_82 : i32 to index
      %parallel_loop3A_184 = arith.constant 32 : index
      %parallel_loop3A_185 = tpu.vector_load %arg12[%parallel_loop3A_183, %parallel_loop3A_184] {strides = array<i32>} : memref<40x128xi32, #tpu.memory_space<vmem>>, vector<1x16xi32>,
      %parallel_loop3A_186 = vector.shape_cast %parallel_loop3A_185 : vector<1x16xi32> to vector<16xi32>
      %parallel_loop3A_187 = arith.constant 16 : i32
      %parallel_loop3A_188 = vector.broadcast %parallel_loop3A_187 : i32 to vector<16xi32>
      %parallel_loop3A_189 = arith.shli %parallel_loop3A_186, %parallel_loop3A_188 : vector<16xi32>
      %parallel_loop3A_190 = tpu.bitcast %parallel_loop3A_189 : vector<16xi32> -> vector<16xf32>
      %parallel_loop3A_191 = tpu.bitcast %parallel_loop3A_186 : vector<16xi32> -> vector<16xf32>
      %parallel_loop3A_192 = arith.addf %parallel_loop3A_190, %parallel_loop3A_172 : vector<16xf32>
      %parallel_loop3A_193 = arith.addf %parallel_loop3A_192, %parallel_loop3A_181 : vector<16xf32>
      %parallel_loop3A_194 = arith.index_cast %parallel_loop3A_82 : i32 to index
      %parallel_loop3A_195 = arith.constant 32 : index
      %parallel_loop3A_196 = tpu.vector_load %arg13[%parallel_loop3A_194, %parallel_loop3A_195] {strides = array<i32>} : memref<40x256xf32, #tpu.memory_space<vmem>>, vector<1x16xf32>,
      %parallel_loop3A_197 = vector.shape_cast %parallel_loop3A_196 : vector<1x16xf32> to vector<16xf32>
      %parallel_loop3A_198 = vector.shape_cast %parallel_loop3A_193 : vector<16xf32> to vector<1x16xf32>
      tpu.vector_store %arg13[%parallel_loop3A_194, %parallel_loop3A_195], %parallel_loop3A_198 {strides = array<i32>} : memref<40x256xf32, #tpu.memory_space<vmem>>, vector<1x16xf32>,
      %parallel_loop3A_199 = arith.addf %parallel_loop3A_191, %parallel_loop3A_173 : vector<16xf32>
      %parallel_loop3A_200 = arith.addf %parallel_loop3A_199, %parallel_loop3A_182 : vector<16xf32>
      %parallel_loop3A_201 = arith.index_cast %parallel_loop3A_82 : i32 to index
      %parallel_loop3A_202 = arith.constant 160 : index
      %parallel_loop3A_203 = tpu.vector_load %arg13[%parallel_loop3A_201, %parallel_loop3A_202] {strides = array<i32>} : memref<40x256xf32, #tpu.memory_space<vmem>>, vector<1x16xf32>,
      %parallel_loop3A_204 = vector.shape_cast %parallel_loop3A_203 : vector<1x16xf32> to vector<16xf32>
      %parallel_loop3A_205 = vector.shape_cast %parallel_loop3A_200 : vector<16xf32> to vector<1x16xf32>
      tpu.vector_store %arg13[%parallel_loop3A_201, %parallel_loop3A_202], %parallel_loop3A_205 {strides = array<i32>} : memref<40x256xf32, #tpu.memory_space<vmem>>, vector<1x16xf32>,
      %parallel_loop3A_206 = arith.index_cast %parallel_loop3A_82 : i32 to index
      %parallel_loop3A_207 = arith.constant 48 : index
      %parallel_loop3A_208 = tpu.vector_load %arg10[%parallel_loop3A_206, %parallel_loop3A_207] {strides = array<i32>} : memref<40x128xi32, #tpu.memory_space<vmem>>, vector<1x16xi32>,
      %parallel_loop3A_209 = vector.shape_cast %parallel_loop3A_208 : vector<1x16xi32> to vector<16xi32>
      %parallel_loop3A_210 = arith.constant 16 : i32
      %parallel_loop3A_211 = vector.broadcast %parallel_loop3A_210 : i32 to vector<16xi32>
      %parallel_loop3A_212 = arith.shli %parallel_loop3A_209, %parallel_loop3A_211 : vector<16xi32>
      %parallel_loop3A_213 = tpu.bitcast %parallel_loop3A_212 : vector<16xi32> -> vector<16xf32>
      %parallel_loop3A_214 = tpu.bitcast %parallel_loop3A_209 : vector<16xi32> -> vector<16xf32>
      %parallel_loop3A_215 = arith.index_cast %parallel_loop3A_82 : i32 to index
      %parallel_loop3A_216 = arith.constant 48 : index
      %parallel_loop3A_217 = tpu.vector_load %arg11[%parallel_loop3A_215, %parallel_loop3A_216] {strides = array<i32>} : memref<40x128xi32, #tpu.memory_space<vmem>>, vector<1x16xi32>,
      %parallel_loop3A_218 = vector.shape_cast %parallel_loop3A_217 : vector<1x16xi32> to vector<16xi32>
      %parallel_loop3A_219 = arith.constant 16 : i32
      %parallel_loop3A_220 = vector.broadcast %parallel_loop3A_219 : i32 to vector<16xi32>
      %parallel_loop3A_221 = arith.shli %parallel_loop3A_218, %parallel_loop3A_220 : vector<16xi32>
      %parallel_loop3A_222 = tpu.bitcast %parallel_loop3A_221 : vector<16xi32> -> vector<16xf32>
      %parallel_loop3A_223 = tpu.bitcast %parallel_loop3A_218 : vector<16xi32> -> vector<16xf32>
      %parallel_loop3A_224 = arith.index_cast %parallel_loop3A_82 : i32 to index
      %parallel_loop3A_225 = arith.constant 48 : index
      %parallel_loop3A_226 = tpu.vector_load %arg12[%parallel_loop3A_224, %parallel_loop3A_225] {strides = array<i32>} : memref<40x128xi32, #tpu.memory_space<vmem>>, vector<1x16xi32>,
      %parallel_loop3A_227 = vector.shape_cast %parallel_loop3A_226 : vector<1x16xi32> to vector<16xi32>
      %parallel_loop3A_228 = arith.constant 16 : i32
      %parallel_loop3A_229 = vector.broadcast %parallel_loop3A_228 : i32 to vector<16xi32>
      %parallel_loop3A_230 = arith.shli %parallel_loop3A_227, %parallel_loop3A_229 : vector<16xi32>
      %parallel_loop3A_231 = tpu.bitcast %parallel_loop3A_230 : vector<16xi32> -> vector<16xf32>
      %parallel_loop3A_232 = tpu.bitcast %parallel_loop3A_227 : vector<16xi32> -> vector<16xf32>
      %parallel_loop3A_233 = arith.addf %parallel_loop3A_231, %parallel_loop3A_213 : vector<16xf32>
      %parallel_loop3A_234 = arith.addf %parallel_loop3A_233, %parallel_loop3A_222 : vector<16xf32>
      %parallel_loop3A_235 = arith.index_cast %parallel_loop3A_82 : i32 to index
      %parallel_loop3A_236 = arith.constant 48 : index
      %parallel_loop3A_237 = tpu.vector_load %arg13[%parallel_loop3A_235, %parallel_loop3A_236] {strides = array<i32>} : memref<40x256xf32, #tpu.memory_space<vmem>>, vector<1x16xf32>,
      %parallel_loop3A_238 = vector.shape_cast %parallel_loop3A_237 : vector<1x16xf32> to vector<16xf32>
      %parallel_loop3A_239 = vector.shape_cast %parallel_loop3A_234 : vector<16xf32> to vector<1x16xf32>
      tpu.vector_store %arg13[%parallel_loop3A_235, %parallel_loop3A_236], %parallel_loop3A_239 {strides = array<i32>} : memref<40x256xf32, #tpu.memory_space<vmem>>, vector<1x16xf32>,
      %parallel_loop3A_240 = arith.addf %parallel_loop3A_232, %parallel_loop3A_214 : vector<16xf32>
      %parallel_loop3A_241 = arith.addf %parallel_loop3A_240, %parallel_loop3A_223 : vector<16xf32>
      %parallel_loop3A_242 = arith.index_cast %parallel_loop3A_82 : i32 to index
      %parallel_loop3A_243 = arith.constant 176 : index
      %parallel_loop3A_244 = tpu.vector_load %arg13[%parallel_loop3A_242, %parallel_loop3A_243] {strides = array<i32>} : memref<40x256xf32, #tpu.memory_space<vmem>>, vector<1x16xf32>,
      %parallel_loop3A_245 = vector.shape_cast %parallel_loop3A_244 : vector<1x16xf32> to vector<16xf32>
      %parallel_loop3A_246 = vector.shape_cast %parallel_loop3A_241 : vector<16xf32> to vector<1x16xf32>
      tpu.vector_store %arg13[%parallel_loop3A_242, %parallel_loop3A_243], %parallel_loop3A_246 {strides = array<i32>} : memref<40x256xf32, #tpu.memory_space<vmem>>, vector<1x16xf32>,
      %parallel_loop3A_247 = arith.index_cast %parallel_loop3A_82 : i32 to index
      %parallel_loop3A_248 = arith.constant 64 : index
      %parallel_loop3A_249 = tpu.vector_load %arg10[%parallel_loop3A_247, %parallel_loop3A_248] {strides = array<i32>} : memref<40x128xi32, #tpu.memory_space<vmem>>, vector<1x16xi32>,
      %parallel_loop3A_250 = vector.shape_cast %parallel_loop3A_249 : vector<1x16xi32> to vector<16xi32>
      %parallel_loop3A_251 = arith.constant 16 : i32
      %parallel_loop3A_252 = vector.broadcast %parallel_loop3A_251 : i32 to vector<16xi32>
      %parallel_loop3A_253 = arith.shli %parallel_loop3A_250, %parallel_loop3A_252 : vector<16xi32>
      %parallel_loop3A_254 = tpu.bitcast %parallel_loop3A_253 : vector<16xi32> -> vector<16xf32>
      %parallel_loop3A_255 = tpu.bitcast %parallel_loop3A_250 : vector<16xi32> -> vector<16xf32>
      %parallel_loop3A_256 = arith.index_cast %parallel_loop3A_82 : i32 to index
      %parallel_loop3A_257 = arith.constant 64 : index
      %parallel_loop3A_258 = tpu.vector_load %arg11[%parallel_loop3A_256, %parallel_loop3A_257] {strides = array<i32>} : memref<40x128xi32, #tpu.memory_space<vmem>>, vector<1x16xi32>,
      %parallel_loop3A_259 = vector.shape_cast %parallel_loop3A_258 : vector<1x16xi32> to vector<16xi32>
      %parallel_loop3A_260 = arith.constant 16 : i32
      %parallel_loop3A_261 = vector.broadcast %parallel_loop3A_260 : i32 to vector<16xi32>
      %parallel_loop3A_262 = arith.shli %parallel_loop3A_259, %parallel_loop3A_261 : vector<16xi32>
      %parallel_loop3A_263 = tpu.bitcast %parallel_loop3A_262 : vector<16xi32> -> vector<16xf32>
      %parallel_loop3A_264 = tpu.bitcast %parallel_loop3A_259 : vector<16xi32> -> vector<16xf32>
      %parallel_loop3A_265 = arith.index_cast %parallel_loop3A_82 : i32 to index
      %parallel_loop3A_266 = arith.constant 64 : index
      %parallel_loop3A_267 = tpu.vector_load %arg12[%parallel_loop3A_265, %parallel_loop3A_266] {strides = array<i32>} : memref<40x128xi32, #tpu.memory_space<vmem>>, vector<1x16xi32>,
      %parallel_loop3A_268 = vector.shape_cast %parallel_loop3A_267 : vector<1x16xi32> to vector<16xi32>
      %parallel_loop3A_269 = arith.constant 16 : i32
      %parallel_loop3A_270 = vector.broadcast %parallel_loop3A_269 : i32 to vector<16xi32>
      %parallel_loop3A_271 = arith.shli %parallel_loop3A_268, %parallel_loop3A_270 : vector<16xi32>
      %parallel_loop3A_272 = tpu.bitcast %parallel_loop3A_271 : vector<16xi32> -> vector<16xf32>
      %parallel_loop3A_273 = tpu.bitcast %parallel_loop3A_268 : vector<16xi32> -> vector<16xf32>
      %parallel_loop3A_274 = arith.addf %parallel_loop3A_272, %parallel_loop3A_254 : vector<16xf32>
      %parallel_loop3A_275 = arith.addf %parallel_loop3A_274, %parallel_loop3A_263 : vector<16xf32>
      %parallel_loop3A_276 = arith.index_cast %parallel_loop3A_82 : i32 to index
      %parallel_loop3A_277 = arith.constant 64 : index
      %parallel_loop3A_278 = tpu.vector_load %arg13[%parallel_loop3A_276, %parallel_loop3A_277] {strides = array<i32>} : memref<40x256xf32, #tpu.memory_space<vmem>>, vector<1x16xf32>,
      %parallel_loop3A_279 = vector.shape_cast %parallel_loop3A_278 : vector<1x16xf32> to vector<16xf32>
      %parallel_loop3A_280 = vector.shape_cast %parallel_loop3A_275 : vector<16xf32> to vector<1x16xf32>
      tpu.vector_store %arg13[%parallel_loop3A_276, %parallel_loop3A_277], %parallel_loop3A_280 {strides = array<i32>} : memref<40x256xf32, #tpu.memory_space<vmem>>, vector<1x16xf32>,
      %parallel_loop3A_281 = arith.addf %parallel_loop3A_273, %parallel_loop3A_255 : vector<16xf32>
      %parallel_loop3A_282 = arith.addf %parallel_loop3A_281, %parallel_loop3A_264 : vector<16xf32>
      %parallel_loop3A_283 = arith.index_cast %parallel_loop3A_82 : i32 to index
      %parallel_loop3A_284 = arith.constant 192 : index
      %parallel_loop3A_285 = tpu.vector_load %arg13[%parallel_loop3A_283, %parallel_loop3A_284] {strides = array<i32>} : memref<40x256xf32, #tpu.memory_space<vmem>>, vector<1x16xf32>,
      %parallel_loop3A_286 = vector.shape_cast %parallel_loop3A_285 : vector<1x16xf32> to vector<16xf32>
      %parallel_loop3A_287 = vector.shape_cast %parallel_loop3A_282 : vector<16xf32> to vector<1x16xf32>
      tpu.vector_store %arg13[%parallel_loop3A_283, %parallel_loop3A_284], %parallel_loop3A_287 {strides = array<i32>} : memref<40x256xf32, #tpu.memory_space<vmem>>, vector<1x16xf32>,
      %parallel_loop3A_288 = arith.index_cast %parallel_loop3A_82 : i32 to index
      %parallel_loop3A_289 = arith.constant 80 : index
      %parallel_loop3A_290 = tpu.vector_load %arg10[%parallel_loop3A_288, %parallel_loop3A_289] {strides = array<i32>} : memref<40x128xi32, #tpu.memory_space<vmem>>, vector<1x16xi32>,
      %parallel_loop3A_291 = vector.shape_cast %parallel_loop3A_290 : vector<1x16xi32> to vector<16xi32>
      %parallel_loop3A_292 = arith.constant 16 : i32
      %parallel_loop3A_293 = vector.broadcast %parallel_loop3A_292 : i32 to vector<16xi32>
      %parallel_loop3A_294 = arith.shli %parallel_loop3A_291, %parallel_loop3A_293 : vector<16xi32>
      %parallel_loop3A_295 = tpu.bitcast %parallel_loop3A_294 : vector<16xi32> -> vector<16xf32>
      %parallel_loop3A_296 = tpu.bitcast %parallel_loop3A_291 : vector<16xi32> -> vector<16xf32>
      %parallel_loop3A_297 = arith.index_cast %parallel_loop3A_82 : i32 to index
      %parallel_loop3A_298 = arith.constant 80 : index
      %parallel_loop3A_299 = tpu.vector_load %arg11[%parallel_loop3A_297, %parallel_loop3A_298] {strides = array<i32>} : memref<40x128xi32, #tpu.memory_space<vmem>>, vector<1x16xi32>,
      %parallel_loop3A_300 = vector.shape_cast %parallel_loop3A_299 : vector<1x16xi32> to vector<16xi32>
      %parallel_loop3A_301 = arith.constant 16 : i32
      %parallel_loop3A_302 = vector.broadcast %parallel_loop3A_301 : i32 to vector<16xi32>
      %parallel_loop3A_303 = arith.shli %parallel_loop3A_300, %parallel_loop3A_302 : vector<16xi32>
      %parallel_loop3A_304 = tpu.bitcast %parallel_loop3A_303 : vector<16xi32> -> vector<16xf32>
      %parallel_loop3A_305 = tpu.bitcast %parallel_loop3A_300 : vector<16xi32> -> vector<16xf32>
      %parallel_loop3A_306 = arith.index_cast %parallel_loop3A_82 : i32 to index
      %parallel_loop3A_307 = arith.constant 80 : index
      %parallel_loop3A_308 = tpu.vector_load %arg12[%parallel_loop3A_306, %parallel_loop3A_307] {strides = array<i32>} : memref<40x128xi32, #tpu.memory_space<vmem>>, vector<1x16xi32>,
      %parallel_loop3A_309 = vector.shape_cast %parallel_loop3A_308 : vector<1x16xi32> to vector<16xi32>
      %parallel_loop3A_310 = arith.constant 16 : i32
      %parallel_loop3A_311 = vector.broadcast %parallel_loop3A_310 : i32 to vector<16xi32>
      %parallel_loop3A_312 = arith.shli %parallel_loop3A_309, %parallel_loop3A_311 : vector<16xi32>
      %parallel_loop3A_313 = tpu.bitcast %parallel_loop3A_312 : vector<16xi32> -> vector<16xf32>
      %parallel_loop3A_314 = tpu.bitcast %parallel_loop3A_309 : vector<16xi32> -> vector<16xf32>
      %parallel_loop3A_315 = arith.addf %parallel_loop3A_313, %parallel_loop3A_295 : vector<16xf32>
      %parallel_loop3A_316 = arith.addf %parallel_loop3A_315, %parallel_loop3A_304 : vector<16xf32>
      %parallel_loop3A_317 = arith.index_cast %parallel_loop3A_82 : i32 to index
      %parallel_loop3A_318 = arith.constant 80 : index
      %parallel_loop3A_319 = tpu.vector_load %arg13[%parallel_loop3A_317, %parallel_loop3A_318] {strides = array<i32>} : memref<40x256xf32, #tpu.memory_space<vmem>>, vector<1x16xf32>,
      %parallel_loop3A_320 = vector.shape_cast %parallel_loop3A_319 : vector<1x16xf32> to vector<16xf32>
      %parallel_loop3A_321 = vector.shape_cast %parallel_loop3A_316 : vector<16xf32> to vector<1x16xf32>
      tpu.vector_store %arg13[%parallel_loop3A_317, %parallel_loop3A_318], %parallel_loop3A_321 {strides = array<i32>} : memref<40x256xf32, #tpu.memory_space<vmem>>, vector<1x16xf32>,
      %parallel_loop3A_322 = arith.addf %parallel_loop3A_314, %parallel_loop3A_296 : vector<16xf32>
      %parallel_loop3A_323 = arith.addf %parallel_loop3A_322, %parallel_loop3A_305 : vector<16xf32>
      %parallel_loop3A_324 = arith.index_cast %parallel_loop3A_82 : i32 to index
      %parallel_loop3A_325 = arith.constant 208 : index
      %parallel_loop3A_326 = tpu.vector_load %arg13[%parallel_loop3A_324, %parallel_loop3A_325] {strides = array<i32>} : memref<40x256xf32, #tpu.memory_space<vmem>>, vector<1x16xf32>,
      %parallel_loop3A_327 = vector.shape_cast %parallel_loop3A_326 : vector<1x16xf32> to vector<16xf32>
      %parallel_loop3A_328 = vector.shape_cast %parallel_loop3A_323 : vector<16xf32> to vector<1x16xf32>
      tpu.vector_store %arg13[%parallel_loop3A_324, %parallel_loop3A_325], %parallel_loop3A_328 {strides = array<i32>} : memref<40x256xf32, #tpu.memory_space<vmem>>, vector<1x16xf32>,
      %parallel_loop3A_329 = arith.index_cast %parallel_loop3A_82 : i32 to index
      %parallel_loop3A_330 = arith.constant 96 : index
      %parallel_loop3A_331 = tpu.vector_load %arg10[%parallel_loop3A_329, %parallel_loop3A_330] {strides = array<i32>} : memref<40x128xi32, #tpu.memory_space<vmem>>, vector<1x16xi32>,
      %parallel_loop3A_332 = vector.shape_cast %parallel_loop3A_331 : vector<1x16xi32> to vector<16xi32>
      %parallel_loop3A_333 = arith.constant 16 : i32
      %parallel_loop3A_334 = vector.broadcast %parallel_loop3A_333 : i32 to vector<16xi32>
      %parallel_loop3A_335 = arith.shli %parallel_loop3A_332, %parallel_loop3A_334 : vector<16xi32>
      %parallel_loop3A_336 = tpu.bitcast %parallel_loop3A_335 : vector<16xi32> -> vector<16xf32>
      %parallel_loop3A_337 = tpu.bitcast %parallel_loop3A_332 : vector<16xi32> -> vector<16xf32>
      %parallel_loop3A_338 = arith.index_cast %parallel_loop3A_82 : i32 to index
      %parallel_loop3A_339 = arith.constant 96 : index
      %parallel_loop3A_340 = tpu.vector_load %arg11[%parallel_loop3A_338, %parallel_loop3A_339] {strides = array<i32>} : memref<40x128xi32, #tpu.memory_space<vmem>>, vector<1x16xi32>,
      %parallel_loop3A_341 = vector.shape_cast %parallel_loop3A_340 : vector<1x16xi32> to vector<16xi32>
      %parallel_loop3A_342 = arith.constant 16 : i32
      %parallel_loop3A_343 = vector.broadcast %parallel_loop3A_342 : i32 to vector<16xi32>
      %parallel_loop3A_344 = arith.shli %parallel_loop3A_341, %parallel_loop3A_343 : vector<16xi32>
      %parallel_loop3A_345 = tpu.bitcast %parallel_loop3A_344 : vector<16xi32> -> vector<16xf32>
      %parallel_loop3A_346 = tpu.bitcast %parallel_loop3A_341 : vector<16xi32> -> vector<16xf32>
      %parallel_loop3A_347 = arith.index_cast %parallel_loop3A_82 : i32 to index
      %parallel_loop3A_348 = arith.constant 96 : index
      %parallel_loop3A_349 = tpu.vector_load %arg12[%parallel_loop3A_347, %parallel_loop3A_348] {strides = array<i32>} : memref<40x128xi32, #tpu.memory_space<vmem>>, vector<1x16xi32>,
      %parallel_loop3A_350 = vector.shape_cast %parallel_loop3A_349 : vector<1x16xi32> to vector<16xi32>
      %parallel_loop3A_351 = arith.constant 16 : i32
      %parallel_loop3A_352 = vector.broadcast %parallel_loop3A_351 : i32 to vector<16xi32>
      %parallel_loop3A_353 = arith.shli %parallel_loop3A_350, %parallel_loop3A_352 : vector<16xi32>
      %parallel_loop3A_354 = tpu.bitcast %parallel_loop3A_353 : vector<16xi32> -> vector<16xf32>
      %parallel_loop3A_355 = tpu.bitcast %parallel_loop3A_350 : vector<16xi32> -> vector<16xf32>
      %parallel_loop3A_356 = arith.addf %parallel_loop3A_354, %parallel_loop3A_336 : vector<16xf32>
      %parallel_loop3A_357 = arith.addf %parallel_loop3A_356, %parallel_loop3A_345 : vector<16xf32>
      %parallel_loop3A_358 = arith.index_cast %parallel_loop3A_82 : i32 to index
      %parallel_loop3A_359 = arith.constant 96 : index
      %parallel_loop3A_360 = tpu.vector_load %arg13[%parallel_loop3A_358, %parallel_loop3A_359] {strides = array<i32>} : memref<40x256xf32, #tpu.memory_space<vmem>>, vector<1x16xf32>,
      %parallel_loop3A_361 = vector.shape_cast %parallel_loop3A_360 : vector<1x16xf32> to vector<16xf32>
      %parallel_loop3A_362 = vector.shape_cast %parallel_loop3A_357 : vector<16xf32> to vector<1x16xf32>
      tpu.vector_store %arg13[%parallel_loop3A_358, %parallel_loop3A_359], %parallel_loop3A_362 {strides = array<i32>} : memref<40x256xf32, #tpu.memory_space<vmem>>, vector<1x16xf32>,
      %parallel_loop3A_363 = arith.addf %parallel_loop3A_355, %parallel_loop3A_337 : vector<16xf32>
      %parallel_loop3A_364 = arith.addf %parallel_loop3A_363, %parallel_loop3A_346 : vector<16xf32>
      %parallel_loop3A_365 = arith.index_cast %parallel_loop3A_82 : i32 to index
      %parallel_loop3A_366 = arith.constant 224 : index
      %parallel_loop3A_367 = tpu.vector_load %arg13[%parallel_loop3A_365, %parallel_loop3A_366] {strides = array<i32>} : memref<40x256xf32, #tpu.memory_space<vmem>>, vector<1x16xf32>,
      %parallel_loop3A_368 = vector.shape_cast %parallel_loop3A_367 : vector<1x16xf32> to vector<16xf32>
      %parallel_loop3A_369 = vector.shape_cast %parallel_loop3A_364 : vector<16xf32> to vector<1x16xf32>
      tpu.vector_store %arg13[%parallel_loop3A_365, %parallel_loop3A_366], %parallel_loop3A_369 {strides = array<i32>} : memref<40x256xf32, #tpu.memory_space<vmem>>, vector<1x16xf32>,
      %parallel_loop3A_370 = arith.index_cast %parallel_loop3A_82 : i32 to index
      %parallel_loop3A_371 = arith.constant 112 : index
      %parallel_loop3A_372 = tpu.vector_load %arg10[%parallel_loop3A_370, %parallel_loop3A_371] {strides = array<i32>} : memref<40x128xi32, #tpu.memory_space<vmem>>, vector<1x16xi32>,
      %parallel_loop3A_373 = vector.shape_cast %parallel_loop3A_372 : vector<1x16xi32> to vector<16xi32>
      %parallel_loop3A_374 = arith.constant 16 : i32
      %parallel_loop3A_375 = vector.broadcast %parallel_loop3A_374 : i32 to vector<16xi32>
      %parallel_loop3A_376 = arith.shli %parallel_loop3A_373, %parallel_loop3A_375 : vector<16xi32>
      %parallel_loop3A_377 = tpu.bitcast %parallel_loop3A_376 : vector<16xi32> -> vector<16xf32>
      %parallel_loop3A_378 = tpu.bitcast %parallel_loop3A_373 : vector<16xi32> -> vector<16xf32>
      %parallel_loop3A_379 = arith.index_cast %parallel_loop3A_82 : i32 to index
      %parallel_loop3A_380 = arith.constant 112 : index
      %parallel_loop3A_381 = tpu.vector_load %arg11[%parallel_loop3A_379, %parallel_loop3A_380] {strides = array<i32>} : memref<40x128xi32, #tpu.memory_space<vmem>>, vector<1x16xi32>,
      %parallel_loop3A_382 = vector.shape_cast %parallel_loop3A_381 : vector<1x16xi32> to vector<16xi32>
      %parallel_loop3A_383 = arith.constant 16 : i32
      %parallel_loop3A_384 = vector.broadcast %parallel_loop3A_383 : i32 to vector<16xi32>
      %parallel_loop3A_385 = arith.shli %parallel_loop3A_382, %parallel_loop3A_384 : vector<16xi32>
      %parallel_loop3A_386 = tpu.bitcast %parallel_loop3A_385 : vector<16xi32> -> vector<16xf32>
      %parallel_loop3A_387 = tpu.bitcast %parallel_loop3A_382 : vector<16xi32> -> vector<16xf32>
      %parallel_loop3A_388 = arith.index_cast %parallel_loop3A_82 : i32 to index
      %parallel_loop3A_389 = arith.constant 112 : index
      %parallel_loop3A_390 = tpu.vector_load %arg12[%parallel_loop3A_388, %parallel_loop3A_389] {strides = array<i32>} : memref<40x128xi32, #tpu.memory_space<vmem>>, vector<1x16xi32>,
      %parallel_loop3A_391 = vector.shape_cast %parallel_loop3A_390 : vector<1x16xi32> to vector<16xi32>
      %parallel_loop3A_392 = arith.constant 16 : i32
      %parallel_loop3A_393 = vector.broadcast %parallel_loop3A_392 : i32 to vector<16xi32>
      %parallel_loop3A_394 = arith.shli %parallel_loop3A_391, %parallel_loop3A_393 : vector<16xi32>
      %parallel_loop3A_395 = tpu.bitcast %parallel_loop3A_394 : vector<16xi32> -> vector<16xf32>
      %parallel_loop3A_396 = tpu.bitcast %parallel_loop3A_391 : vector<16xi32> -> vector<16xf32>
      %parallel_loop3A_397 = arith.addf %parallel_loop3A_395, %parallel_loop3A_377 : vector<16xf32>
      %parallel_loop3A_398 = arith.addf %parallel_loop3A_397, %parallel_loop3A_386 : vector<16xf32>
      %parallel_loop3A_399 = arith.index_cast %parallel_loop3A_82 : i32 to index
      %parallel_loop3A_400 = arith.constant 112 : index
      %parallel_loop3A_401 = tpu.vector_load %arg13[%parallel_loop3A_399, %parallel_loop3A_400] {strides = array<i32>} : memref<40x256xf32, #tpu.memory_space<vmem>>, vector<1x16xf32>,
      %parallel_loop3A_402 = vector.shape_cast %parallel_loop3A_401 : vector<1x16xf32> to vector<16xf32>
      %parallel_loop3A_403 = vector.shape_cast %parallel_loop3A_398 : vector<16xf32> to vector<1x16xf32>
      tpu.vector_store %arg13[%parallel_loop3A_399, %parallel_loop3A_400], %parallel_loop3A_403 {strides = array<i32>} : memref<40x256xf32, #tpu.memory_space<vmem>>, vector<1x16xf32>,
      %parallel_loop3A_404 = arith.addf %parallel_loop3A_396, %parallel_loop3A_378 : vector<16xf32>
      %parallel_loop3A_405 = arith.addf %parallel_loop3A_404, %parallel_loop3A_387 : vector<16xf32>
      %parallel_loop3A_406 = arith.index_cast %parallel_loop3A_82 : i32 to index
      %parallel_loop3A_407 = arith.constant 240 : index
      %parallel_loop3A_408 = tpu.vector_load %arg13[%parallel_loop3A_406, %parallel_loop3A_407] {strides = array<i32>} : memref<40x256xf32, #tpu.memory_space<vmem>>, vector<1x16xf32>,
      %parallel_loop3A_409 = vector.shape_cast %parallel_loop3A_408 : vector<1x16xf32> to vector<16xf32>
      %parallel_loop3A_410 = vector.shape_cast %parallel_loop3A_405 : vector<16xf32> to vector<1x16xf32>
      tpu.vector_store %arg13[%parallel_loop3A_406, %parallel_loop3A_407], %parallel_loop3A_410 {strides = array<i32>} : memref<40x256xf32, #tpu.memory_space<vmem>>, vector<1x16xf32>,
    } {sc.loop_unroll_factor = 8 : i64, sc.parallel_access}
    %add3A_64 = arith.constant 4960 : i32
    %add3A_65 = arith.addi %mul3A_2, %add3A_64 : i32
    %dma_start3A_66 = arith.constant 0 : i32
    %dma_start3A_67 = tpu.memref_slice %arg7[%add3A_65, %dma_start3A_66] : memref<160000x256xf32, #tpu.memory_space<hbm>> -> memref<40x256xf32, #tpu.memory_space<hbm>>
    %dma_start3A_68 = arith.constant 0 : i32
    %dma_start3A_69 = tpu.memref_slice %arg7[%add3A_65, %dma_start3A_68] : memref<160000x256xf32, #tpu.memory_space<hbm>> -> memref<40x256xf32, #tpu.memory_space<hbm>>
    tpu.enqueue_dma source(%arg13 : memref<40x256xf32, #tpu.memory_space<vmem>>) target(%dma_start3A_69 : memref<40x256xf32, #tpu.memory_space<hbm>>) target_semaphore(%arg19 : memref<!tpu.dma_semaphore, #tpu.memory_space<semaphore_mem>>)
    %dma_wait3A_70 = arith.constant 0 : i32
    %dma_wait3A_71 = arith.constant 0 : i32
    %dma_wait3A_72 = tpu.memref_slice %arg7[%dma_wait3A_70, %dma_wait3A_71] : memref<160000x256xf32, #tpu.memory_space<hbm>> -> memref<40x256xf32, #tpu.memory_space<hbm>>
    %dma_wait3A_73 = arith.constant 0 : i32
    %dma_wait3A_74 = arith.constant 0 : i32
    %dma_wait3A_75 = tpu.memref_slice %arg7[%dma_wait3A_73, %dma_wait3A_74] : memref<160000x256xf32, #tpu.memory_space<hbm>> -> memref<40x256xf32, #tpu.memory_space<hbm>>
    tpu.wait_dma2 semaphore(%arg19 : memref<!tpu.dma_semaphore, #tpu.memory_space<semaphore_mem>>) src(%arg13 : memref<40x256xf32, #tpu.memory_space<vmem>>) dst(%dma_wait3A_75 : memref<40x256xf32, #tpu.memory_space<hbm>>)
    %dma_wait3A_76 = arith.constant 0 : i32
    %dma_wait3A_77 = arith.constant 0 : i32
    %dma_wait3A_78 = tpu.memref_slice %arg7[%dma_wait3A_76, %dma_wait3A_77] : memref<160000x256xf32, #tpu.memory_space<hbm>> -> memref<40x256xf32, #tpu.memory_space<hbm>>
    %dma_wait3A_79 = arith.constant 0 : i32
    %dma_wait3A_80 = arith.constant 0 : i32
    %dma_wait3A_81 = tpu.memref_slice %arg7[%dma_wait3A_79, %dma_wait3A_80] : memref<160000x256xf32, #tpu.memory_space<hbm>> -> memref<40x256xf32, #tpu.memory_space<hbm>>
    tpu.wait_dma2 semaphore(%arg21 : memref<!tpu.dma_semaphore, #tpu.memory_space<semaphore_mem>>) src(%arg17 : memref<40x256xf32, #tpu.memory_space<vmem>>) dst(%dma_wait3A_81 : memref<40x256xf32, #tpu.memory_space<hbm>>)
    return
  }
}

module attributes {stable_mosaic.version = 14 : i64} {
  func.func @_edge_proj_body(%arg0: i32, %arg1: memref<16x16000xf32, #tpu.memory_space<vmem>>, %arg2: memref<528x256xf32, #tpu.memory_space<vmem>>, %arg3: memref<1x256xf32, #tpu.memory_space<vmem>>, %arg4: memref<16000x128xi32, #tpu.memory_space<vmem>>) attributes {dimension_semantics = [#tpu.dimension_semantics<arbitrary>], iteration_bounds = array<i64: 10>, scalar_prefetch = 0 : i64, scratch_operands = 0 : i64, tpu.core_type = #tpu.core_type<tc>, window_params = [{transform_indices = @transform_0, window_bounds = array<i64: 16, 16000>}, {pipeline_mode = #tpu.pipeline_mode<synchronous>, transform_indices = @transform_1, window_bounds = array<i64: 528, 256>}, {pipeline_mode = #tpu.pipeline_mode<synchronous>, transform_indices = @transform_2, window_bounds = array<i64: 1, 256>}, {transform_indices = @transform_3, window_bounds = array<i64: 16000, 128>}]} {
    %get3A = arith.constant 0 : index
    %get3A_0 = arith.constant 0 : index
    %get3A_1 = vector.load %arg2[%get3A, %get3A_0] : memref<528x256xf32, #tpu.memory_space<vmem>>, vector<16x256xf32>
    %get3A_2 = arith.constant 0 : index
    %get3A_3 = arith.constant 0 : index
    %get3A_4 = vector.load %arg1[%get3A_2, %get3A_3] : memref<16x16000xf32, #tpu.memory_space<vmem>>, vector<16x16000xf32>
    %dot_general3A = arith.constant dense<0.000000e+00> : vector<16000x256xf32>
    %dot_general3A_5 = tpu.matmul %get3A_4, %get3A_1, %dot_general3A {dimension_numbers = #tpu.dot_dimension_numbers<[0], [0], [1], [1], [0, 1, 1, 1], [], []>, transpose_lhs_hint = false} : vector<16x16000xf32>, vector<16x256xf32>, vector<16000x256xf32> -> vector<16000x256xf32>
    %get3A_6 = arith.constant 0 : index
    %get3A_7 = arith.constant 0 : index
    %get3A_8 = vector.load %arg3[%get3A_6, %get3A_7] : memref<1x256xf32, #tpu.memory_space<vmem>>, vector<1x256xf32>
    %add3A = vector.broadcast %get3A_8 : vector<1x256xf32> to vector<16000x256xf32>
    %add3A_9 = arith.addf %dot_general3A_5, %add3A : vector<16000x256xf32>
    %convert_element_type3A = arith.truncf %add3A_9 : vector<16000x256xf32> to vector<16000x256xbf16>
    %bitcast_convert_type3A = tpu.bitcast %convert_element_type3A : vector<16000x256xbf16> -> vector<16000x256xi16>
    %slice3A = vector.extract_strided_slice %bitcast_convert_type3A {offsets = [0, 0], sizes = [16000, 128], strides = [1, 1]} : vector<16000x256xi16> to vector<16000x128xi16>
    %convert_element_type3A_10 = arith.extui %slice3A : vector<16000x128xi16> to vector<16000x128xi32>
    %slice3A_11 = vector.extract_strided_slice %bitcast_convert_type3A {offsets = [0, 128], sizes = [16000, 128], strides = [1, 1]} : vector<16000x256xi16> to vector<16000x128xi16>
    %convert_element_type3A_12 = arith.extui %slice3A_11 : vector<16000x128xi16> to vector<16000x128xi32>
    %shift_left3A = arith.constant 16 : i32
    %shift_left3A_13 = vector.broadcast %shift_left3A : i32 to vector<16000x128xi32>
    %shift_left3A_14 = arith.shli %convert_element_type3A_12, %shift_left3A_13 : vector<16000x128xi32>
    %or3A = arith.ori %convert_element_type3A_10, %shift_left3A_14 : vector<16000x128xi32>
    %bitcast_convert_type3A_15 = tpu.bitcast %or3A : vector<16000x128xi32> -> vector<16000x128xi32>
    %swap3A = arith.constant 0 : index
    %swap3A_16 = arith.constant 0 : index
    %swap3A_17 = vector.load %arg4[%swap3A, %swap3A_16] : memref<16000x128xi32, #tpu.memory_space<vmem>>, vector<16000x128xi32>
    tpu.vector_store %arg4[%swap3A, %swap3A_16], %bitcast_convert_type3A_15 {strides = array<i32>} : memref<16000x128xi32, #tpu.memory_space<vmem>>, vector<16000x128xi32>,
    return
  }
  func.func @transform_0(%arg0: i32) -> (i32, i32) {
    %c0_i32 = arith.constant 0 : i32
    %c0_i32_0 = arith.constant 0 : i32
    return %c0_i32, %arg0 : i32, i32
  }
  func.func @transform_1(%arg0: i32) -> (i32, i32) {
    %c0_i32 = arith.constant 0 : i32
    %c0_i32_0 = arith.constant 0 : i32
    %c0_i32_1 = arith.constant 0 : i32
    return %c0_i32, %c0_i32_0 : i32, i32
  }
  func.func @transform_2(%arg0: i32) -> (i32, i32) {
    %c0_i32 = arith.constant 0 : i32
    %c0_i32_0 = arith.constant 0 : i32
    %c0_i32_1 = arith.constant 0 : i32
    return %c0_i32, %c0_i32_0 : i32, i32
  }
  func.func @transform_3(%arg0: i32) -> (i32, i32) {
    %c0_i32 = arith.constant 0 : i32
    %c0_i32_0 = arith.constant 0 : i32
    return %arg0, %c0_i32 : i32, i32
  }
}

module attributes {stable_mosaic.version = 14 : i64} {
  func.func @_node_proj_body(%arg0: i32, %arg1: memref<1000x256xf32, #tpu.memory_space<vmem>>, %arg2: memref<528x256xf32, #tpu.memory_space<vmem>>, %arg3: memref<1000x128xi32, #tpu.memory_space<vmem>>, %arg4: memref<1000x128xi32, #tpu.memory_space<vmem>>) attributes {dimension_semantics = [#tpu.dimension_semantics<arbitrary>], iteration_bounds = array<i64: 10>, scalar_prefetch = 0 : i64, scratch_operands = 0 : i64, tpu.core_type = #tpu.core_type<tc>, window_params = [{transform_indices = @transform_0, window_bounds = array<i64: 1000, 256>}, {pipeline_mode = #tpu.pipeline_mode<synchronous>, transform_indices = @transform_1, window_bounds = array<i64: 528, 256>}, {transform_indices = @transform_2, window_bounds = array<i64: 1000, 128>}, {transform_indices = @transform_3, window_bounds = array<i64: 1000, 128>}]} {
    %get3A = arith.constant 0 : index
    %get3A_0 = arith.constant 0 : index
    %get3A_1 = vector.load %arg1[%get3A, %get3A_0] : memref<1000x256xf32, #tpu.memory_space<vmem>>, vector<1000x256xf32>
    %get3A_2 = arith.constant 16 : index
    %get3A_3 = arith.constant 0 : index
    %get3A_4 = vector.load %arg2[%get3A_2, %get3A_3] : memref<528x256xf32, #tpu.memory_space<vmem>>, vector<256x256xf32>
    %get3A_5 = arith.constant 272 : index
    %get3A_6 = arith.constant 0 : index
    %get3A_7 = vector.load %arg2[%get3A_5, %get3A_6] : memref<528x256xf32, #tpu.memory_space<vmem>>, vector<256x256xf32>
    %dot_general3A = arith.constant dense<0.000000e+00> : vector<1000x256xf32>
    %dot_general3A_8 = tpu.matmul %get3A_1, %get3A_4, %dot_general3A {dimension_numbers = #tpu.dot_dimension_numbers<[1], [0], [0], [1], [0, 0, 1, 1], [], []>, transpose_lhs_hint = false} : vector<1000x256xf32>, vector<256x256xf32>, vector<1000x256xf32> -> vector<1000x256xf32>
    %convert_element_type3A = arith.truncf %dot_general3A_8 : vector<1000x256xf32> to vector<1000x256xbf16>
    %bitcast_convert_type3A = tpu.bitcast %convert_element_type3A : vector<1000x256xbf16> -> vector<1000x256xi16>
    %slice3A = vector.extract_strided_slice %bitcast_convert_type3A {offsets = [0, 0], sizes = [1000, 128], strides = [1, 1]} : vector<1000x256xi16> to vector<1000x128xi16>
    %convert_element_type3A_9 = arith.extui %slice3A : vector<1000x128xi16> to vector<1000x128xi32>
    %slice3A_10 = vector.extract_strided_slice %bitcast_convert_type3A {offsets = [0, 128], sizes = [1000, 128], strides = [1, 1]} : vector<1000x256xi16> to vector<1000x128xi16>
    %convert_element_type3A_11 = arith.extui %slice3A_10 : vector<1000x128xi16> to vector<1000x128xi32>
    %shift_left3A = arith.constant 16 : i32
    %shift_left3A_12 = vector.broadcast %shift_left3A : i32 to vector<1000x128xi32>
    %shift_left3A_13 = arith.shli %convert_element_type3A_11, %shift_left3A_12 : vector<1000x128xi32>
    %or3A = arith.ori %convert_element_type3A_9, %shift_left3A_13 : vector<1000x128xi32>
    %bitcast_convert_type3A_14 = tpu.bitcast %or3A : vector<1000x128xi32> -> vector<1000x128xi32>
    %swap3A = arith.constant 0 : index
    %swap3A_15 = arith.constant 0 : index
    %swap3A_16 = vector.load %arg3[%swap3A, %swap3A_15] : memref<1000x128xi32, #tpu.memory_space<vmem>>, vector<1000x128xi32>
    tpu.vector_store %arg3[%swap3A, %swap3A_15], %bitcast_convert_type3A_14 {strides = array<i32>} : memref<1000x128xi32, #tpu.memory_space<vmem>>, vector<1000x128xi32>,
    %dot_general3A_17 = arith.constant dense<0.000000e+00> : vector<1000x256xf32>
    %dot_general3A_18 = tpu.matmul %get3A_1, %get3A_7, %dot_general3A_17 {dimension_numbers = #tpu.dot_dimension_numbers<[1], [0], [0], [1], [0, 0, 1, 1], [], []>, transpose_lhs_hint = false} : vector<1000x256xf32>, vector<256x256xf32>, vector<1000x256xf32> -> vector<1000x256xf32>
    %convert_element_type3A_19 = arith.truncf %dot_general3A_18 : vector<1000x256xf32> to vector<1000x256xbf16>
    %bitcast_convert_type3A_20 = tpu.bitcast %convert_element_type3A_19 : vector<1000x256xbf16> -> vector<1000x256xi16>
    %slice3A_21 = vector.extract_strided_slice %bitcast_convert_type3A_20 {offsets = [0, 0], sizes = [1000, 128], strides = [1, 1]} : vector<1000x256xi16> to vector<1000x128xi16>
    %convert_element_type3A_22 = arith.extui %slice3A_21 : vector<1000x128xi16> to vector<1000x128xi32>
    %slice3A_23 = vector.extract_strided_slice %bitcast_convert_type3A_20 {offsets = [0, 128], sizes = [1000, 128], strides = [1, 1]} : vector<1000x256xi16> to vector<1000x128xi16>
    %convert_element_type3A_24 = arith.extui %slice3A_23 : vector<1000x128xi16> to vector<1000x128xi32>
    %shift_left3A_25 = arith.constant 16 : i32
    %shift_left3A_26 = vector.broadcast %shift_left3A_25 : i32 to vector<1000x128xi32>
    %shift_left3A_27 = arith.shli %convert_element_type3A_24, %shift_left3A_26 : vector<1000x128xi32>
    %or3A_28 = arith.ori %convert_element_type3A_22, %shift_left3A_27 : vector<1000x128xi32>
    %bitcast_convert_type3A_29 = tpu.bitcast %or3A_28 : vector<1000x128xi32> -> vector<1000x128xi32>
    %swap3A_30 = arith.constant 0 : index
    %swap3A_31 = arith.constant 0 : index
    %swap3A_32 = vector.load %arg4[%swap3A_30, %swap3A_31] : memref<1000x128xi32, #tpu.memory_space<vmem>>, vector<1000x128xi32>
    tpu.vector_store %arg4[%swap3A_30, %swap3A_31], %bitcast_convert_type3A_29 {strides = array<i32>} : memref<1000x128xi32, #tpu.memory_space<vmem>>, vector<1000x128xi32>,
    return
  }
  func.func @transform_0(%arg0: i32) -> (i32, i32) {
    %c0_i32 = arith.constant 0 : i32
    %c0_i32_0 = arith.constant 0 : i32
    return %arg0, %c0_i32 : i32, i32
  }
  func.func @transform_1(%arg0: i32) -> (i32, i32) {
    %c0_i32 = arith.constant 0 : i32
    %c0_i32_0 = arith.constant 0 : i32
    %c0_i32_1 = arith.constant 0 : i32
    return %c0_i32, %c0_i32_0 : i32, i32
  }
  func.func @transform_2(%arg0: i32) -> (i32, i32) {
    %c0_i32 = arith.constant 0 : i32
    %c0_i32_0 = arith.constant 0 : i32
    return %arg0, %c0_i32 : i32, i32
  }
  func.func @transform_3(%arg0: i32) -> (i32, i32) {
    %c0_i32 = arith.constant 0 : i32
    %c0_i32_0 = arith.constant 0 : i32
    return %arg0, %c0_i32 : i32, i32
  }
}

</mosaic_0001>

<sc_bundles>
// kernel: kernel.5.cloned.1.call-start
scs
__scs_entry_jumppad:
0x0: {  	(pc) =	sbr.rel $0x88, $3  }
0x1: {  	(tag) =	ssettag $0x0;
	lr =	simm.s32 $0x1  }
0x2: {  	[smem:$0x3F9B] =	sst lr;
	_ =	strace $0xD0000000  }
0x3: {  	_ = 	snop  }
0x4: {  	_ = 	snop  }
0x5: {  	_ = 	snop  }
0x6: {  	_ = 	snop  }
0x7: {  	_ = 	snop  }
__scs_overlays_trampoline_lowered:
0x8: {  	[smem:$0x3FAA] =	sst s0  }
0x9: {  	[smem:$0x3FAB] =	sst s1  }
0xa: {  	[smem:$0x3FAC] =	sst s2  }
0xb: {  	[smem:$0x3FAD] =	sst s3  }
0xc: {  	[smem:$0x3FAE] =	sst s4  }
0xd: {  	[smem:$0x3FAF] =	sst s5  }
0xe: {  	[smem:$0x3FB0] =	sst s6  }
0xf: {  	[smem:$0x3FB1] =	sst s7  }
0x10: {  	[smem:$0x3FB2] =	sst s8  }
0x11: {  	[smem:$0x3FB3] =	sst s9;
	s0 =	simm.s32 @!p0 $0x0  }
0x12: {  	s1 =	sld [smem:$0x3F99];
	s0 =	simm.s32 @p0 $0x1  }
0x13: {  	[smem:$0x3FB4] =	sst s0;
	s0 =	simm.s32 @!p1 $0x0  }
0x14: {  	s2 =	sld [smem:$0x3F98];
	s0 =	simm.s32 @p1 $0x1  }
0x15: {  	[smem:$0x3FB5] =	sst s0;
	s0 =	simm.s32 @!p2 $0x0  }
0x16: {  	s3 =	sld [smem:$0x3FDB];
	s0 =	simm.s32 @p2 $0x1  }
0x17: {  	s4 =	simm.s32 $0x1BF5;
	[smem:$0x3FB7] =	sst s0  }
0x18: {  	s0 =	sld [smem:$0x3F9A];
	_ =	swait.ge [sflag:s4], $0x0  }
0x19: {  	s7 =	sld [smem:$0x3F9B]  }
0x1a: {  	s8 =	sadd.s32 $0xFFFFE003, lr  }
0x1b: {  	s9 =	sadd.s32 $0xFFFFFEF7, lr;
	s5 =	simm.s32 $0xFFFFFFFF;
	p2 =	slt.u32 s8, $0xFFFFF086  }
0x1c: {  	p1 =	slt.u32 s9, $0xF7A;
	s5 =	simm.s32 @!p2 $0x0  }
0x1d: {  	s5 =	simm.s32 @p1 $0x1;
	p0 =	seq.s32 s7, s2  }
0x1e: {  	s7 =	smul.u32 @!p0 $0xF7A, s2;
	p2 =	seq.s32 @!p0 s5, $0x0  }
0x1f: {  	s9 =	smul.u32 $0xF7A, s1;
	s8 =	simm.s32 @!p0 $0x1BF5;
	p2 =	por !p2, p0  }
0x20: {  	[sflag:s8] =	ssyncset.s32 @!p0 $0xFFFFF086;
	s6 =	sadd.s32 @!p0 s3, s7;
	s7 =	simm.s32 @!p0 $0x108  }
0x21: {  	s3 =	sadd.s32 s3, s9;
	s6 =	sadd.s32 @!p0 $0x88, s6;
	s7 =	simm.s32 @p2 $0x1082  }
0x22: {  	[simem:s7], [sflag:s8] =	dma.local @!p0 [hbm:s6], $0xF7A  }
0x23: {  	s9 =	sor.u32 $0xD0000000, s2;
	s6 =	simm.s32 $0x108;
	_ =	swait.ge @!p0 [sflag:s8], $0x0  }
0x24: {  	s3 =	sadd.s32 $0x88, s3;
	s6 =	simm.s32 @!p1 $0x1082;
	[sflag:s4] =	ssyncset.s32 $0xFFFFF086  }
0x25: {  	[simem:s6], [sflag:s4] =	dma.local [hbm:s3], $0xF7A  }
0x26: {  	[smem:$0x3F9B] =	sst s1;
	(tag) =	ssettag s2;
	_ =	strace s9  }
0x27: {  	s1 =	sld [smem:$0x3FAB]  }
0x28: {  	s2 =	sld [smem:$0x3FAC]  }
0x29: {  	s4 =	sld [smem:$0x3FAE]  }
0x2a: {  	p0 =	seq.s32 s5, $0x0;
	s5 =	sld [smem:$0x3FAF]  }
0x2b: {  	s6 =	sld [smem:$0x3FB0]  }
0x2c: {  	s7 =	sld [smem:$0x3FB1]  }
0x2d: {  	s3 =	simm.s32 $0x108;
	s8 =	sld [smem:$0x3FB2]  }
0x2e: {  	s3 =	simm.s32 @!p0 $0x1082;
	s9 =	sld [smem:$0x3FB3]  }
0x2f: {  	lr =	sadd.s32 s0, s3;
	s0 =	sld [smem:$0x3FAA]  }
0x30: {  	s3 =	sld [smem:$0x3FAD]  }
0x31: {  	[smem:$0x3FB6] =	sst s10  }
0x32: {  	s10 =	sld [smem:$0x3FB4];
	_ =	sdelay $0x3  }
0x33: {  	p0 =	seq.s32 s10, $0x1;
	s10 =	sld [smem:$0x3FB6];
	_ =	sdelay $0x3  }
0x34: {  	[smem:$0x3FB6] =	sst s10  }
0x35: {  	s10 =	sld [smem:$0x3FB5];
	_ =	sdelay $0x3  }
0x36: {  	p1 =	seq.s32 s10, $0x1;
	s10 =	sld [smem:$0x3FB6];
	_ =	sdelay $0x3  }
0x37: {  	[smem:$0x3FB6] =	sst s10  }
0x38: {  	s10 =	sld [smem:$0x3FB7]  }
0x39: {  	_ = 	snop;
	(pc) =	sbr.ind lr, $3  }
0x3a: {  	_ = 	snop  }
0x3b: {  	_ = 	snop  }
0x3c: {  	p2 =	seq.s32 s10, $0x1;
	s10 =	sld [smem:$0x3FB6]  }
0x3d: {  	_ =	shalt  }
0x3e: {  	_ =	shalt  }
0x3f: {  	_ =	shalt  }
0x40: {  	_ =	shalt  }
0x41: {  	_ =	shalt  }
0x42: {  	_ =	shalt  }
0x43: {  	_ =	shalt  }
0x44: {  	_ =	shalt  }
0x45: {  	_ =	shalt  }
0x46: {  	_ =	shalt  }
0x47: {  	_ =	shalt  }
0x48: {  	_ =	shalt  }
0x49: {  	_ =	shalt  }
0x4a: {  	_ =	shalt  }
0x4b: {  	_ =	shalt  }
0x4c: {  	_ =	shalt  }
0x4d: {  	_ =	shalt  }
0x4e: {  	_ =	shalt  }
0x4f: {  	_ =	shalt  }
0x50: {  	_ =	shalt  }
0x51: {  	_ =	shalt  }
0x52: {  	_ =	shalt  }
0x53: {  	_ =	shalt  }
0x54: {  	_ =	shalt  }
0x55: {  	_ =	shalt  }
0x56: {  	_ =	shalt  }
0x57: {  	_ =	shalt  }
0x58: {  	_ =	shalt  }
0x59: {  	_ =	shalt  }
0x5a: {  	_ =	shalt  }
0x5b: {  	_ =	shalt  }
0x5c: {  	_ =	shalt  }
0x5d: {  	_ =	shalt  }
0x5e: {  	_ =	shalt  }
0x5f: {  	_ =	shalt  }
0x60: {  	_ =	shalt  }
0x61: {  	_ =	shalt  }
0x62: {  	_ =	shalt  }
0x63: {  	_ =	shalt  }
0x64: {  	_ =	shalt  }
0x65: {  	_ =	shalt  }
0x66: {  	_ =	shalt  }
0x67: {  	_ =	shalt  }
0x68: {  	_ =	shalt  }
0x69: {  	_ =	shalt  }
0x6a: {  	_ =	shalt  }
0x6b: {  	_ =	shalt  }
0x6c: {  	_ =	shalt  }
0x6d: {  	_ =	shalt  }
0x6e: {  	_ =	shalt  }
0x6f: {  	_ =	shalt  }
0x70: {  	_ =	shalt  }
0x71: {  	_ =	shalt  }
0x72: {  	_ =	shalt  }
0x73: {  	_ =	shalt  }
0x74: {  	_ =	shalt  }
0x75: {  	_ =	shalt  }
0x76: {  	_ =	shalt  }
0x77: {  	_ =	shalt  }
0x78: {  	_ =	shalt  }
0x79: {  	_ =	shalt  }
0x7a: {  	_ =	shalt  }
0x7b: {  	_ =	shalt  }
0x7c: {  	_ =	shalt  }
0x7d: {  	_ =	shalt  }
0x7e: {  	_ =	shalt  }
0x7f: {  	_ =	shalt  }
0x80: {  	_ =	shalt  }
0x81: {  	_ =	shalt  }
0x82: {  	_ =	shalt  }
0x83: {  	_ =	shalt  }
0x84: {  	_ =	shalt  }
0x85: {  	_ =	shalt  }
0x86: {  	_ =	shalt  }
0x87: {  	_ =	shalt  }
.Lfunc_end0:
.L_simem_size_0:
called_computation_lowered:
.L_overlay_start_0:
0x88: {  	s2 =	sld [smem:$0x3FD9]  }
0x89: {  	s3 =	sld [smem:$0x3FFE];
	_ =	sdelay $0x1  }
0x8a: {  	s1 =	srdreg.scid  }
0x8b: {  	s0 =	sand.u32 $0x1, s1  }
0x8c: {  	s17 =	sshll.u32 s0, $0xA;
	s2 =	sadd.s32 s3, s2  }
0x8d: {  	s2 =	sadd.s32 s2, s17  }
0x8e: {  	[smem:$0x3FC2] =	sst s2  }
0x8f: {  	_ = 	snop  }
0x90: {  	s2 =	sld [smem:$0x3FC5]  }
0x91: {  	s18 =	sld [smem:$0x3FC4]  }
0x92: {  	s4 =	sld [smem:$0x3FD0];
	(tm) =	ssettm $0x1  }
0x93: {  	s5 =	sld [smem:$0x3FFB];
	_ =	sdelay $0x3  }
0x94: {  	_ =	strace s5  }
0x95: {  	s5 =	sld [smem:$0x3FFC];
	_ =	sdelay $0x3  }
0x96: {  	_ =	strace s5  }
0x97: {  	s5 =	sld [smem:$0x3FFD];
	_ =	sdelay $0x3  }
0x98: {  	_ =	strace s5  }
0x99: {  	_ =	strace $0x8FFFFFFF  }
0x9a: {  	s19 =	sld [smem:$0x3FDB];
	_ =	sdelay $0x1  }
0x9b: {  	s6 =	simm.s32 $_scs_section_size  }
0x9c: {  	s7 =	simm.s32 $_size__tile_overlayer_lowered;
	s8 =	simm.s32 $_tile_overlayer_lowered  }
0x9d: {  	s22 =	simm.s32 $0x1BFF;
	s21 =	sshll.u32 s8, $0x1;
	s5 =	sadd.s32 s6, s19  }
0x9e: {  	s9 =	simm.s32 $0x0;
	s20 =	sshll.u32 s7, $0x1;
	s7 =	sadd.s32 s21, s5  }
0x9f: {  	[timem:s9], [sflag:s22] =	dma.local [hbm:s7], s20  }
0xa0: {  	_ =	swait.ge [sflag:s22], s20  }
0xa1: {  	s6 =	ssub.s32 $0x0, s20;
	[sflag:s22] =	ssyncset.done $0x0  }
0xa2: {  	[sflag:s22] =	ssyncadd.s32 s6;
	_ =	sdelay $0x1  }
0xa3: {  	s23 =	simm.s32 $0x1B8B  }
0xa4: {  	_ =	swait.ge [sflag:s23], $0x1  }
0xa5: {  	[sflag:s23] =	ssyncset.done $0x0  }
0xa6: {  	s25 =	simm.s32 $0x1B8E;
	s24 =	sld [smem:$0x3FFE];
	[sflag:s23] =	ssyncadd.s32 $0xFFFFFFFF  }
0xa7: {  	s26 =	simm.s32 $execute0_lowered;
	[smem:$0x3FD2] =	sst s25  }
0xa8: {  	s7 =	sshll.u32 s26, $0x1;
	_ =	strace $0x80000046;
	[dreg:$0x1] =	wrdreg $0xFFFFFFFF  }
0xa9: {  	s28 =	simm.s32 $_size_execute0_lowered;
	s5 =	sadd.s32 s5, s7;
	[dreg:$0x0] =	wrdreg $0x0  }
0xaa: {  	s7 =	sshll.u32 s28, $0x1;
	[dreg:$0x2] =	wrdreg s5  }
0xab: {  	[dreg:$0x3] =	wrdreg s7  }
0xac: {  	[dreg:$0x4] =	wrdreg $0xC0  }
0xad: {  	_ =	task [dreg:s9], $0x5FFFF  }
0xae: {  	[dreg:$0x1] =	wrdreg $0xFFFFFFFF  }
0xaf: {  	[dreg:$0x0] =	wrdreg $0x60  }
0xb0: {  	[dreg:$0x2] =	wrdreg s24  }
0xb1: {  	[dreg:$0x3] =	wrdreg s18  }
0xb2: {  	[dreg:$0x4] =	wrdreg s2  }
0xb3: {  	[dreg:$0x5] =	wrdreg s4  }
0xb4: {  	[dreg:$0x6] =	wrdreg $0x9  }
0xb5: {  	_ =	task.clear_ibuf [dreg:s9], $0x7FFFF;
	_ =	strace $0x90000046  }
0xb6: {  	s29 =	simm.s32 $0x9;
	_ =	strace $0x80000048  }
0xb7: {  	_ =	swait.ge [sflag:s29], $0x1  }
0xb8: {  	[sflag:s29] =	ssyncadd.s32 $0xFFFFFFFF  }
0xb9: {  	_ =	strace $0x90000048  }
0xba: {  	_ =	sfence  }
0xbb: {  	s30 =	sld [smem:$0x0];
	_ =	sdelay $0x2  }
0xbc: {  	s31 =	sshll.u32 s1, $0xD;
	s1 =	sshrl.u32 s1, $0x2  }
0xbd: {  	s3 =	sand.u32 $0x4000, s31;
	s1 =	sadd.s32 s1, s30  }
0xbe: {  	s0 =	sor.u32 s3, s0;
	s1 =	sshll.u32 s1, $0x11  }
0xbf: {  	s0 =	sor.u32 s1, s0  }
0xc0: {  	s0 =	sadd.s32 $0x8F2B, s0  }
0xc1: {  	[sflag:s0] =	ssyncadd.remote.s32 $0x1  }
0xc2: {  	_ =	sfence.sel $0xFFFF  }
0xc3: {  	[dreg:$0x0] =	wrdreg $0xFFFFFFFF;
	(pc) =	sbr.abs _section_cstart, $3  }
0xc4: {  	[dreg:$0x1] =	wrdreg $0xFFFFFFFF  }
0xc5: {  	_ =	task.clear_ibuf [dreg:s9], $0x2FFFF;
	_ =	strace $0x9FFFFFFF  }
0xc6: {  	(tm) =	ssettm $0x7FFFFFFF  }
0xc7: {  	_ =	shalt  }
tec
execute0_lowered:
.L_overlay_start_1:
0x0: {  	(tag) =	ssettag $0x1  }
0x1: {  	s0 =	rddreg [dreg:$0x0]  }
0x2: {  	s1 =	rddreg [dreg:$0x1]  }
0x3: {  	s9 =	rddreg [dreg:$0x2]  }
0x4: {  	s2 =	rddreg [dreg:$0x3]  }
0x5: {  	s3 =	simm.s32 $0x0;
	s4 =	srdreg.scid;
	s5 =	stileid.u32  }
0x6: {  	s15 =	simm.s32 $0x5;
	s17 =	simm.s32 $0x28;
	s18 =	simm.s32 $0x2800  }
0x7: {  	s19 =	simm.s32 $0x3C00;
	s20 =	simm.s32 $0x5000;
	s28 =	simm.s32 $0x3  }
0x8: {  	s29 =	simm.s32 $0xC800;
	s8 =	sand.u32 $0x1, s4;
	s22 =	sshll.u32 s5, $0x1  }
0x9: {  	s30 =	simm.s32 $0x2;
	s31 =	simm.s32 $0x4;
	s10 =	sor.u32 s8, s22  }
0xa: {  	[smem:$0x7FF] =	sst s3;
	s4 =	sadd.s32 $0x1200, s0;
	s6 =	smul.u32 $0x1388, s10  }
0xb: {  	s5 =	sadd.s32 $0x28400, s0;
	s23 =	ssub.s32 $0x2, s8;
	s11 =	smul.u32 $0x9C400, s10  }
0xc: {  	s7 =	sadd.s32 $0x4F600, s0;
	s8 =	sshrl.u32 s23, $0x1;
	s13 =	smul.u32 $0x138800, s10  }
0xd: {  	_ =	strace $0x80000047;
	s24 =	smul.u32 $0x13880, s10;
	s0 =	ssub.s32 s23, s8  }
0xe: {  	s12 =	sshrl.u32 s6, $0x3;
	s11 =	sshrl.u32 s11, $0x3;
	s25 =	sshrl.u32 s13, $0x3  }
0xf: {  	s10 =	sadd.s32 s7, s24;
	s14 =	smax.u32 s0, $0x1;
	s0 =	simm.s32 $0x0  }
0x10: {  	s8 =	sadd.s32 s1, s12;
	s9 =	sadd.s32 s9, s12;
	s26 =	sadd.s32 s7, s11  }
0x11: {  	s13 =	sadd.s32 s2, s25;
	s12 =	sadd.s32 $0x28, s6;
	s25 =	simm.s32 $0x1  }
0x12: {  	s11 =	sadd.s32 $0x280, s26;
	s13 =	sadd.s32 $0x26C00, s13;
	s26 =	simm.s32 $0x6400  }
.LBB2_1:
0x13: {  	[tilespmem:s3], [sflag:$0x5] =	stream.linear.gather [hbm4b:s8+s3], $0x1388, $0x38;
	[tilespmem:$0xF000] =	vst v63  }
0x14: {  	_ =	swait.ge [sflag:s15], $0x1388  }
0x15: {  	[sflag:s15] =	ssyncset.done $0x0  }
0x16: {  	s1 =	simm.s32 $0x1400;
	[sflag:s15] =	ssyncadd.s32 $0xFFFFEC78  }
0x17: {  	[tilespmem:s1], [sflag:$0x5] =	stream.linear.gather [hbm4b:s9+s3], $0x1388, $0x38;
	[tilespmem:$0xF000] =	vst v63  }
0x18: {  	_ =	swait.ge [sflag:s15], $0x1388  }
0x19: {  	[sflag:s15] =	ssyncset.done $0x0  }
0x1a: {  	[sflag:s15] =	ssyncadd.s32 $0xFFFFEC78  }
0x1b: {  	[tilespmem:s18], [sflag:$0x1] =	stream.indirect.gather [hbm4b:s4+s17], $0x80, s3, s17, $0xb8;
	[tilespmem:$0xF000] =	vst v63  }
0x1c: {  	_ = 	snop  }
0x1d: {  	[tilespmem:s19], [sflag:$0x1] =	stream.indirect.gather [hbm4b:s5+s17], $0x80, s1, s17, $0xb8;
	[tilespmem:$0xF000] =	vst v63  }
0x1e: {  	_ = 	snop  }
0x1f: {  	[tilespmem:s20], [sflag:$0x1] =	stream.linear.gather [hbm4b:s10+s3], $0x1400, $0x38;
	[tilespmem:$0xF000] =	vst v63  }
0x20: {  	s22 =	simm.s32 $0x8C00  }
0x21: {  	[tilespmem:s22], [sflag:$0x3] =	stream.indirect.gather [hbm4b:s4+s17], $0x80, s17, s17, $0xb8;
	[tilespmem:$0xF000] =	vst v63  }
0x22: {  	s23 =	simm.s32 $0x1428;
	s16 =	simm.s32 $0xA000  }
0x23: {  	[tilespmem:s16], [sflag:$0x3] =	stream.indirect.gather [hbm4b:s5+s17], $0x80, s23, s17, $0xb8;
	[tilespmem:$0xF000] =	vst v63  }
0x24: {  	s24 =	simm.s32 $0xB400;
	s1 =	simm.s32 $0x0  }
0x25: {  	[tilespmem:s24], [sflag:$0x3] =	stream.linear.gather [hbm4b:s11+s3], $0x1400, $0x38;
	[tilespmem:$0xF000] =	vst v63  }
.LBB2_2:
0x26: {  	_ =	swait.ge [sflag:s25], $0x1400  }
0x27: {  	[sflag:s25] =	ssyncset.done $0x0  }
0x28: {  	[sflag:s25] =	ssyncadd.s32 $0xFFFFEC00  }
0x29: {  	_ =	swait.ge [sflag:s25], $0x1400  }
0x2a: {  	[sflag:s25] =	ssyncset.done $0x0  }
0x2b: {  	[sflag:s25] =	ssyncadd.s32 $0xFFFFEC00  }
0x2c: {  	_ =	swait.ge [sflag:s25], $0x1400  }
0x2d: {  	p0 =	seq.s32 s1, $0x0;
	[sflag:s25] =	ssyncset.done $0x0  }
0x2e: {  	s21 =	simm.s32 @!p0 $0x2;
	[sflag:s25] =	ssyncadd.s32 $0xFFFFEC00  }
0x2f: {  	_ =	swait.ge @!p0 [sflag:s21], $0x2800  }
0x30: {  	[sflag:s21] =	ssyncset.done @!p0 $0x0  }
0x31: {  	[sflag:s21] =	ssyncadd.s32 @!p0 $0xFFFFD800;
	s21 =	simm.s32 $0x0  }
.LBB2_3:
0x32: {  	s23 =	sshll.u32 s21, $0x7  }
0x33: {  	v0 =	vld [tilespmem:s23+$0x2800]  }
0x34: {  	v1 =	vld [tilespmem:s23+$0x5000]  }
0x35: {  	v2 =	vld [tilespmem:s23+$0x3C00]  }
0x36: {  	v3 =	vld [tilespmem:s23+$0x2880]  }
0x37: {  	v4 =	vld [tilespmem:s23+$0x5080]  }
0x38: {  	v5 =	vld [tilespmem:s23+$0x3C80]  }
0x39: {  	v8 =	vld [tilespmem:s23+$0x2900];
	v6 =	vshll.u32 v0, $0x10;
	v7 =	vshll.u32 v1, $0x10;
	v0 =	vadd.f32 v1, v0  }
0x3a: {  	v38 =	vld [tilespmem:s23+$0x5100];
	v6 =	vadd.f32 v7, v6  }
0x3b: {  	s22 =	sshll.u32 s21, $0x8;
	v9 =	vshll.u32 v2, $0x10;
	v40 =	vshll.u32 v3, $0x10;
	v0 =	vadd.f32 v2, v0  }
0x3c: {  	v10 =	vld [tilespmem:s23+$0x3D00];
	s22 =	sand.u32 $0x3FFFFF00, s22;
	v41 =	vshll.u32 v4, $0x10;
	v3 =	vadd.f32 v4, v3;
	v39 =	vadd.f32 v9, v6  }
0x3d: {  	v42 =	vadd.f32 v41, v40;
	[tilespmem:s22+$0x6800] =	vst v0  }
0x3e: {  	v43 =	vshll.u32 v5, $0x10;
	v45 =	vshll.u32 v8, $0x10;
	v3 =	vadd.f32 v5, v3;
	[tilespmem:s22+$0x6400] =	vst v39  }
0x3f: {  	v46 =	vshll.u32 v38, $0x10;
	v50 =	vadd.f32 v38, v8;
	v44 =	vadd.f32 v43, v42;
	v47 =	vld [tilespmem:s23+$0x2810]  }
0x40: {  	v1 =	vadd.f32 v46, v45;
	[tilespmem:s22+$0x6880] =	vst v3;
	v48 =	vld [tilespmem:s23+$0x5010]  }
0x41: {  	v49 =	vshll.u32 v10, $0x10;
	v53 =	vadd.f32 v10, v50;
	[tilespmem:s22+$0x6480] =	vst v44;
	v51 =	vld [tilespmem:s23+$0x3C10]  }
0x42: {  	v0 =	vadd.f32 v49, v1;
	v52 =	vld [tilespmem:s23+$0x2890]  }
0x43: {  	[tilespmem:s22+$0x6900] =	vst v53;
	v54 =	vld [tilespmem:s23+$0x5090]  }
0x44: {  	[tilespmem:s22+$0x6500] =	vst v0;
	v55 =	vld [tilespmem:s23+$0x3C90]  }
0x45: {  	v58 =	vld [tilespmem:s23+$0x2910];
	v56 =	vshll.u32 v47, $0x10;
	v57 =	vshll.u32 v48, $0x10;
	v2 =	vadd.f32 v48, v47  }
0x46: {  	v59 =	vld [tilespmem:s23+$0x5110];
	v3 =	vadd.f32 v57, v56  }
0x47: {  	v60 =	vshll.u32 v51, $0x10;
	v61 =	vshll.u32 v52, $0x10;
	v2 =	vadd.f32 v51, v2  }
0x48: {  	v63 =	vld [tilespmem:s23+$0x3D10];
	v62 =	vshll.u32 v54, $0x10;
	v1 =	vadd.f32 v54, v52;
	v3 =	vadd.f32 v60, v3  }
0x49: {  	v4 =	vadd.f32 v62, v61;
	[tilespmem:s22+$0x6810] =	vst v2  }
0x4a: {  	v12 =	vshll.u32 v55, $0x10;
	v14 =	vshll.u32 v58, $0x10;
	v0 =	vadd.f32 v55, v1;
	[tilespmem:s22+$0x6410] =	vst v3  }
0x4b: {  	v15 =	vshll.u32 v59, $0x10;
	v20 =	vadd.f32 v59, v58;
	v13 =	vadd.f32 v12, v4;
	v16 =	vld [tilespmem:s23+$0x2820]  }
0x4c: {  	v17 =	vadd.f32 v15, v14;
	[tilespmem:s22+$0x6890] =	vst v0;
	v18 =	vld [tilespmem:s23+$0x5020]  }
0x4d: {  	v19 =	vshll.u32 v63, $0x10;
	v24 =	vadd.f32 v63, v20;
	[tilespmem:s22+$0x6490] =	vst v13;
	v21 =	vld [tilespmem:s23+$0x3C20]  }
0x4e: {  	v22 =	vadd.f32 v19, v17;
	v23 =	vld [tilespmem:s23+$0x28A0]  }
0x4f: {  	[tilespmem:s22+$0x6910] =	vst v24;
	v25 =	vld [tilespmem:s23+$0x50A0]  }
0x50: {  	[tilespmem:s22+$0x6510] =	vst v22;
	v26 =	vld [tilespmem:s23+$0x3CA0]  }
0x51: {  	v29 =	vld [tilespmem:s23+$0x2920]  }
0x52: {  	v30 =	vld [tilespmem:s23+$0x5120];
	v27 =	vshll.u32 v16, $0x10;
	v28 =	vshll.u32 v18, $0x10;
	v3 =	vadd.f32 v18, v16  }
0x53: {  	v11 =	vld [tilespmem:s23+$0x2980];
	v2 =	vadd.f32 v28, v27  }
0x54: {  	v32 =	vld [tilespmem:s23+$0x3D20];
	v31 =	vshll.u32 v21, $0x10;
	v33 =	vshll.u32 v23, $0x10;
	v3 =	vadd.f32 v21, v3  }
0x55: {  	v36 =	vld [tilespmem:s23+$0x5180];
	v34 =	vshll.u32 v25, $0x10;
	v1 =	vadd.f32 v25, v23;
	v2 =	vadd.f32 v31, v2  }
0x56: {  	v37 =	vshll.u32 v26, $0x10;
	v35 =	vadd.f32 v34, v33;
	v38 =	vshll.u32 v29, $0x10;
	[tilespmem:s22+$0x6820] =	vst v3  }
0x57: {  	v40 =	vld [tilespmem:s23+$0x3D80];
	v39 =	vshll.u32 v30, $0x10;
	v45 =	vadd.f32 v30, v29;
	v0 =	vadd.f32 v26, v1;
	[tilespmem:s22+$0x6420] =	vst v2  }
0x58: {  	v42 =	vadd.f32 v39, v38;
	v2 =	vadd.f32 v37, v35;
	v41 =	vld [tilespmem:s23+$0x2830]  }
0x59: {  	v44 =	vshll.u32 v32, $0x10;
	v4 =	vadd.f32 v32, v45;
	[tilespmem:s22+$0x68A0] =	vst v0;
	v43 =	vld [tilespmem:s23+$0x5030]  }
0x5a: {  	v49 =	vshll.u32 v36, $0x10;
	v48 =	vshll.u32 v11, $0x10;
	v47 =	vadd.f32 v44, v42;
	v46 =	vld [tilespmem:s23+$0x3C30];
	[tilespmem:s22+$0x64A0] =	vst v2  }
0x5b: {  	v53 =	vadd.f32 v36, v11;
	v1 =	vadd.f32 v49, v48;
	[tilespmem:s22+$0x6920] =	vst v4;
	v50 =	vld [tilespmem:s23+$0x28B0]  }
0x5c: {  	v52 =	vshll.u32 v40, $0x10;
	[tilespmem:s22+$0x6520] =	vst v47;
	v51 =	vld [tilespmem:s23+$0x50B0]  }
0x5d: {  	v5 =	vadd.f32 v40, v53;
	v0 =	vadd.f32 v52, v1;
	v57 =	vld [tilespmem:s23+$0x2930]  }
0x5e: {  	v54 =	vld [tilespmem:s23+$0x3CB0];
	v55 =	vshll.u32 v41, $0x10;
	v56 =	vshll.u32 v43, $0x10;
	v3 =	vadd.f32 v43, v41  }
0x5f: {  	[tilespmem:s22+$0x6980] =	vst v5;
	v58 =	vld [tilespmem:s23+$0x5130];
	v1 =	vadd.f32 v56, v55  }
0x60: {  	[tilespmem:s22+$0x6580] =	vst v0;
	v60 =	vld [tilespmem:s23+$0x3D30];
	v59 =	vshll.u32 v46, $0x10;
	v61 =	vshll.u32 v50, $0x10;
	v3 =	vadd.f32 v46, v3  }
0x61: {  	v63 =	vld [tilespmem:s23+$0x2990];
	v62 =	vshll.u32 v51, $0x10;
	v2 =	vadd.f32 v51, v50;
	v0 =	vadd.f32 v59, v1  }
0x62: {  	v12 =	vld [tilespmem:s23+$0x5190];
	v1 =	vadd.f32 v62, v61;
	[tilespmem:s22+$0x6830] =	vst v3  }
0x63: {  	v16 =	vld [tilespmem:s23+$0x3D90];
	v14 =	vshll.u32 v57, $0x10;
	v13 =	vshll.u32 v54, $0x10;
	v2 =	vadd.f32 v54, v2;
	[tilespmem:s22+$0x6430] =	vst v0  }
0x64: {  	v15 =	vshll.u32 v58, $0x10;
	v4 =	vadd.f32 v58, v57;
	v0 =	vadd.f32 v13, v1;
	v17 =	vld [tilespmem:s23+$0x2840]  }
0x65: {  	v1 =	vadd.f32 v15, v14;
	v18 =	vld [tilespmem:s23+$0x5040];
	[tilespmem:s22+$0x68B0] =	vst v2  }
0x66: {  	v19 =	vshll.u32 v60, $0x10;
	v21 =	vshll.u32 v63, $0x10;
	v4 =	vadd.f32 v60, v4;
	v20 =	vld [tilespmem:s23+$0x3C40];
	[tilespmem:s22+$0x64B0] =	vst v0  }
0x67: {  	v22 =	vshll.u32 v12, $0x10;
	v5 =	vadd.f32 v12, v63;
	v0 =	vadd.f32 v19, v1;
	v23 =	vld [tilespmem:s23+$0x28C0]  }
0x68: {  	[tilespmem:s22+$0x6930] =	vst v4;
	v1 =	vadd.f32 v22, v21;
	v24 =	vld [tilespmem:s23+$0x50C0]  }
0x69: {  	v25 =	vshll.u32 v16, $0x10;
	v5 =	vadd.f32 v16, v5;
	v26 =	vld [tilespmem:s23+$0x3CC0];
	[tilespmem:s22+$0x6530] =	vst v0  }
0x6a: {  	v0 =	vadd.f32 v25, v1;
	v29 =	vld [tilespmem:s23+$0x2940]  }
0x6b: {  	[tilespmem:s22+$0x6990] =	vst v5;
	v30 =	vld [tilespmem:s23+$0x5140];
	v27 =	vshll.u32 v17, $0x10;
	v28 =	vshll.u32 v18, $0x10;
	v3 =	vadd.f32 v18, v17  }
0x6c: {  	v32 =	vld [tilespmem:s23+$0x3D40];
	[tilespmem:s22+$0x6590] =	vst v0;
	v1 =	vadd.f32 v28, v27  }
0x6d: {  	v31 =	vshll.u32 v20, $0x10;
	v35 =	vld [tilespmem:s23+$0x29A0];
	v3 =	vadd.f32 v20, v3  }
0x6e: {  	v36 =	vld [tilespmem:s23+$0x51A0];
	v0 =	vadd.f32 v31, v1  }
0x6f: {  	v33 =	vshll.u32 v23, $0x10;
	v34 =	vshll.u32 v24, $0x10;
	v2 =	vadd.f32 v24, v23;
	[tilespmem:s22+$0x6840] =	vst v3  }
0x70: {  	v40 =	vld [tilespmem:s23+$0x3DA0];
	v37 =	vshll.u32 v26, $0x10;
	v1 =	vadd.f32 v34, v33;
	[tilespmem:s22+$0x6440] =	vst v0  }
0x71: {  	v38 =	vshll.u32 v29, $0x10;
	v39 =	vshll.u32 v30, $0x10;
	v2 =	vadd.f32 v26, v2;
	v41 =	vld [tilespmem:s23+$0x2850]  }
0x72: {  	v43 =	vshll.u32 v32, $0x10;
	v0 =	vadd.f32 v37, v1;
	v1 =	vadd.f32 v39, v38;
	v42 =	vld [tilespmem:s23+$0x5050]  }
0x73: {  	v4 =	vadd.f32 v30, v29;
	v44 =	vld [tilespmem:s23+$0x3C50];
	v45 =	vshll.u32 v35, $0x10;
	v46 =	vshll.u32 v36, $0x10  }
0x74: {  	[tilespmem:s22+$0x64C0] =	vst v0;
	v0 =	vadd.f32 v43, v1;
	v1 =	vadd.f32 v46, v45;
	v45 =	vld [tilespmem:s23+$0x5200]  }
0x75: {  	[tilespmem:s22+$0x68C0] =	vst v2;
	v4 =	vadd.f32 v32, v4;
	v46 =	vld [tilespmem:s23+$0x3E00]  }
0x76: {  	v5 =	vadd.f32 v36, v35;
	v47 =	vld [tilespmem:s23+$0x28D0]  }
0x77: {  	v48 =	vld [tilespmem:s23+$0x50D0];
	[tilespmem:s22+$0x6940] =	vst v4  }
0x78: {  	v49 =	vshll.u32 v40, $0x10;
	v50 =	vld [tilespmem:s23+$0x3CD0];
	v5 =	vadd.f32 v40, v5;
	[tilespmem:s22+$0x6540] =	vst v0  }
0x79: {  	v0 =	vadd.f32 v49, v1;
	v53 =	vld [tilespmem:s23+$0x2950]  }
0x7a: {  	v54 =	vld [tilespmem:s23+$0x5150];
	[tilespmem:s22+$0x69A0] =	vst v5  }
0x7b: {  	v56 =	vld [tilespmem:s23+$0x3D50];
	[tilespmem:s22+$0x65A0] =	vst v0  }
0x7c: {  	v59 =	vld [tilespmem:s23+$0x29B0]  }
0x7d: {  	v60 =	vld [tilespmem:s23+$0x51B0]  }
0x7e: {  	v51 =	vshll.u32 v41, $0x10;
	v52 =	vshll.u32 v42, $0x10;
	v3 =	vadd.f32 v42, v41;
	v12 =	vld [tilespmem:s23+$0x3DB0]  }
0x7f: {  	v1 =	vadd.f32 v52, v51;
	v51 =	vld [tilespmem:s23+$0x5380]  }
0x80: {  	v55 =	vshll.u32 v44, $0x10;
	v3 =	vadd.f32 v44, v3;
	v44 =	vld [tilespmem:s23+$0x2A00]  }
0x81: {  	v57 =	vshll.u32 v47, $0x10;
	v2 =	vadd.f32 v48, v47;
	v47 =	vld [tilespmem:s23+$0x5300];
	v0 =	vadd.f32 v55, v1  }
0x82: {  	v58 =	vshll.u32 v48, $0x10;
	v48 =	vld [tilespmem:s23+$0x3F00];
	[tilespmem:s22+$0x6850] =	vst v3  }
0x83: {  	v61 =	vshll.u32 v50, $0x10;
	v1 =	vadd.f32 v58, v57;
	v57 =	vld [tilespmem:s23+$0x3F80];
	v62 =	vshll.u32 v53, $0x10;
	[tilespmem:s22+$0x6450] =	vst v0  }
0x84: {  	v63 =	vshll.u32 v54, $0x10;
	v2 =	vadd.f32 v50, v2;
	v4 =	vadd.f32 v54, v53;
	v13 =	vld [tilespmem:s23+$0x2860]  }
0x85: {  	v0 =	vadd.f32 v61, v1;
	v1 =	vadd.f32 v63, v62;
	v14 =	vld [tilespmem:s23+$0x5060]  }
0x86: {  	v15 =	vshll.u32 v56, $0x10;
	v16 =	vld [tilespmem:s23+$0x3C60];
	[tilespmem:s22+$0x68D0] =	vst v2  }
0x87: {  	v4 =	vadd.f32 v56, v4;
	[tilespmem:s22+$0x64D0] =	vst v0;
	v0 =	vadd.f32 v15, v1;
	v15 =	vld [tilespmem:s23+$0x5280]  }
0x88: {  	v19 =	vld [tilespmem:s23+$0x28E0]  }
0x89: {  	v17 =	vshll.u32 v59, $0x10;
	v18 =	vshll.u32 v60, $0x10;
	v5 =	vadd.f32 v60, v59;
	v20 =	vld [tilespmem:s23+$0x50E0];
	[tilespmem:s22+$0x6950] =	vst v4  }
0x8a: {  	v1 =	vadd.f32 v18, v17;
	v22 =	vld [tilespmem:s23+$0x3CE0];
	[tilespmem:s22+$0x6550] =	vst v0  }
0x8b: {  	v21 =	vshll.u32 v12, $0x10;
	v5 =	vadd.f32 v12, v5;
	v25 =	vld [tilespmem:s23+$0x2960]  }
0x8c: {  	v0 =	vadd.f32 v21, v1;
	v26 =	vld [tilespmem:s23+$0x5160]  }
0x8d: {  	v28 =	vld [tilespmem:s23+$0x3D60];
	[tilespmem:s22+$0x69B0] =	vst v5  }
0x8e: {  	v24 =	vshll.u32 v14, $0x10;
	[tilespmem:s22+$0x65B0] =	vst v0;
	v3 =	vadd.f32 v14, v13;
	v14 =	vld [tilespmem:s23+$0x2A80]  }
0x8f: {  	v17 =	vshll.u32 v44, $0x10;
	v23 =	vshll.u32 v13, $0x10;
	v12 =	vld [tilespmem:s23+$0x29C0]  }
0x90: {  	v18 =	vshll.u32 v45, $0x10;
	v11 =	vadd.f32 v45, v44;
	v1 =	vadd.f32 v24, v23;
	v31 =	vld [tilespmem:s23+$0x51C0]  }
0x91: {  	v17 =	vadd.f32 v18, v17;
	v27 =	vshll.u32 v16, $0x10;
	v13 =	vld [tilespmem:s23+$0x3DC0];
	v3 =	vadd.f32 v16, v3  }
0x92: {  	v2 =	vadd.f32 v20, v19;
	v16 =	vld [tilespmem:s23+$0x3E80];
	v0 =	vadd.f32 v27, v1  }
0x93: {  	v11 =	vadd.f32 v46, v11;
	v29 =	vshll.u32 v19, $0x10;
	v30 =	vshll.u32 v20, $0x10;
	v19 =	vld [tilespmem:s23+$0x2B00];
	[tilespmem:s22+$0x6860] =	vst v3  }
0x94: {  	v32 =	vshll.u32 v22, $0x10;
	v20 =	vshll.u32 v46, $0x10;
	v2 =	vadd.f32 v22, v2;
	v22 =	vld [tilespmem:s23+$0x2B80];
	[tilespmem:s22+$0x6460] =	vst v0  }
0x95: {  	v17 =	vadd.f32 v20, v17;
	v7 =	vld [tilespmem:s23+$0x2870]  }
0x96: {  	[tilespmem:s22+$0x6A00] =	vst v11;
	v1 =	vadd.f32 v30, v29;
	v6 =	vld [tilespmem:s23+$0x3C70]  }
0x97: {  	v21 =	vshll.u32 v15, $0x10;
	v33 =	vshll.u32 v25, $0x10;
	v34 =	vshll.u32 v26, $0x10;
	[tilespmem:s22+$0x6600] =	vst v17;
	v8 =	vld [tilespmem:s23+$0x5070]  }
0x98: {  	v35 =	vshll.u32 v28, $0x10;
	v36 =	vadd.f32 v26, v25;
	v0 =	vadd.f32 v32, v1;
	v23 =	vld [tilespmem:s23+$0x2A10]  }
0x99: {  	v1 =	vadd.f32 v34, v33;
	v49 =	vshll.u32 v14, $0x10;
	v14 =	vadd.f32 v15, v14;
	[tilespmem:s22+$0x68E0] =	vst v2;
	v59 =	vld [tilespmem:s23+$0x5210]  }
0x9a: {  	v37 =	vshll.u32 v12, $0x10;
	v39 =	vadd.f32 v28, v36;
	v41 =	vadd.f32 v31, v12;
	v61 =	vld [tilespmem:s23+$0x3E10];
	[tilespmem:s22+$0x64E0] =	vst v0  }
0x9b: {  	v38 =	vshll.u32 v31, $0x10;
	v50 =	vadd.f32 v21, v49;
	v0 =	vadd.f32 v35, v1;
	v4 =	vld [tilespmem:s23+$0x28F0]  }
0x9c: {  	v1 =	vadd.f32 v38, v37;
	v14 =	vadd.f32 v16, v14;
	v3 =	vld [tilespmem:s23+$0x3CF0];
	[tilespmem:s22+$0x6960] =	vst v39  }
0x9d: {  	v40 =	vshll.u32 v13, $0x10;
	v53 =	vshll.u32 v16, $0x10;
	v5 =	vld [tilespmem:s23+$0x50F0];
	v43 =	vadd.f32 v13, v41;
	[tilespmem:s22+$0x6560] =	vst v0  }
0x9e: {  	v54 =	vadd.f32 v53, v50;
	v42 =	vadd.f32 v40, v1;
	[tilespmem:s22+$0x6A80] =	vst v14;
	v1 =	vld [tilespmem:s23+$0x2970]  }
0x9f: {  	v0 =	vld [tilespmem:s23+$0x3D70];
	[tilespmem:s22+$0x69C0] =	vst v43  }
0xa0: {  	v2 =	vld [tilespmem:s23+$0x5170];
	[tilespmem:s22+$0x6680] =	vst v54  }
0xa1: {  	v56 =	vshll.u32 v47, $0x10;
	v55 =	vshll.u32 v19, $0x10;
	v18 =	vadd.f32 v47, v19;
	[tilespmem:s22+$0x65C0] =	vst v42;
	v25 =	vld [tilespmem:s23+$0x2A90]  }
0xa2: {  	v13 =	vadd.f32 v56, v55;
	v9 =	vld [tilespmem:s23+$0x29D0]  }
0xa3: {  	v63 =	vshll.u32 v51, $0x10;
	v60 =	vshll.u32 v48, $0x10;
	v12 =	vadd.f32 v48, v18;
	v52 =	vld [tilespmem:s23+$0x51D0]  }
0xa4: {  	v62 =	vshll.u32 v22, $0x10;
	v20 =	vadd.f32 v51, v22;
	v11 =	vadd.f32 v60, v13;
	v26 =	vld [tilespmem:s23+$0x5290]  }
0xa5: {  	v13 =	vadd.f32 v63, v62;
	[tilespmem:s22+$0x6B00] =	vst v12;
	v10 =	vld [tilespmem:s23+$0x3DD0]  }
0xa6: {  	v27 =	vshll.u32 v57, $0x10;
	v29 =	vld [tilespmem:s23+$0x3E90];
	v30 =	vshll.u32 v23, $0x10;
	v17 =	vadd.f32 v57, v20;
	[tilespmem:s22+$0x6700] =	vst v11  }
0xa7: {  	v31 =	vshll.u32 v59, $0x10;
	v35 =	vadd.f32 v59, v23;
	v11 =	vadd.f32 v27, v13;
	v32 =	vld [tilespmem:s23+$0x2B10]  }
0xa8: {  	v12 =	vadd.f32 v31, v30;
	v33 =	vld [tilespmem:s23+$0x5310];
	[tilespmem:s22+$0x6B80] =	vst v17;
	v58 =	vshll.u32 v9, $0x10;
	v9 =	vadd.f32 v52, v9  }
0xa9: {  	v34 =	vshll.u32 v61, $0x10;
	v36 =	vld [tilespmem:s23+$0x3F10];
	[tilespmem:s22+$0x6780] =	vst v11;
	v11 =	vadd.f32 v61, v35;
	v24 =	vshll.u32 v52, $0x10  }
0xaa: {  	v17 =	vld [tilespmem:s23+$0x2B90];
	v28 =	vshll.u32 v10, $0x10;
	v9 =	vadd.f32 v10, v9;
	v10 =	vadd.f32 v34, v12  }
0xab: {  	v39 =	vld [tilespmem:s23+$0x5390];
	[tilespmem:s22+$0x6A10] =	vst v11;
	v15 =	vadd.f32 v24, v58  }
0xac: {  	v43 =	vld [tilespmem:s23+$0x3F90];
	v37 =	vshll.u32 v25, $0x10;
	v38 =	vshll.u32 v26, $0x10;
	v14 =	vadd.f32 v26, v25;
	[tilespmem:s22+$0x6610] =	vst v10  }
0xad: {  	v12 =	vadd.f32 v38, v37;
	v15 =	vadd.f32 v28, v15;
	v44 =	vld [tilespmem:s23+$0x2A20]  }
0xae: {  	v40 =	vshll.u32 v29, $0x10;
	v41 =	vshll.u32 v32, $0x10;
	v14 =	vadd.f32 v29, v14;
	[tilespmem:s22+$0x69D0] =	vst v9;
	v45 =	vld [tilespmem:s23+$0x5220]  }
0xaf: {  	v42 =	vshll.u32 v33, $0x10;
	v13 =	vadd.f32 v33, v32;
	v10 =	vadd.f32 v40, v12;
	[tilespmem:s22+$0x65D0] =	vst v15;
	v47 =	vld [tilespmem:s23+$0x3E20]  }
0xb0: {  	v11 =	vadd.f32 v42, v41;
	[tilespmem:s22+$0x6A90] =	vst v14;
	v9 =	vld [tilespmem:s23+$0x29E0]  }
0xb1: {  	v46 =	vshll.u32 v36, $0x10;
	v48 =	vshll.u32 v17, $0x10;
	v13 =	vadd.f32 v36, v13;
	[tilespmem:s22+$0x6690] =	vst v10;
	v20 =	vld [tilespmem:s23+$0x3DE0]  }
0xb2: {  	v49 =	vshll.u32 v39, $0x10;
	v15 =	vadd.f32 v39, v17;
	v10 =	vadd.f32 v46, v11;
	v50 =	vld [tilespmem:s23+$0x2AA0]  }
0xb3: {  	[tilespmem:s22+$0x6B10] =	vst v13;
	v11 =	vadd.f32 v49, v48;
	v51 =	vld [tilespmem:s23+$0x52A0]  }
0xb4: {  	v52 =	vshll.u32 v43, $0x10;
	v53 =	vld [tilespmem:s23+$0x3EA0];
	v15 =	vadd.f32 v43, v15;
	[tilespmem:s22+$0x6710] =	vst v10  }
0xb5: {  	v10 =	vadd.f32 v52, v11;
	v56 =	vld [tilespmem:s23+$0x2B20]  }
0xb6: {  	v57 =	vld [tilespmem:s23+$0x5320];
	[tilespmem:s22+$0x6B90] =	vst v15;
	v54 =	vshll.u32 v44, $0x10;
	v55 =	vshll.u32 v45, $0x10;
	v12 =	vadd.f32 v45, v44  }
0xb7: {  	v59 =	vld [tilespmem:s23+$0x3F20];
	[tilespmem:s22+$0x6790] =	vst v10;
	v11 =	vadd.f32 v55, v54  }
0xb8: {  	v58 =	vshll.u32 v47, $0x10;
	v62 =	vld [tilespmem:s23+$0x2BA0];
	v60 =	vshll.u32 v50, $0x10;
	v12 =	vadd.f32 v47, v12  }
0xb9: {  	v63 =	vld [tilespmem:s23+$0x53A0];
	v61 =	vshll.u32 v51, $0x10;
	v14 =	vadd.f32 v51, v50;
	v10 =	vadd.f32 v58, v11  }
0xba: {  	v48 =	vld [tilespmem:s23+$0x51E0];
	v11 =	vadd.f32 v61, v60;
	[tilespmem:s22+$0x6A20] =	vst v12  }
0xbb: {  	v27 =	vld [tilespmem:s23+$0x3FA0];
	v24 =	vshll.u32 v53, $0x10;
	v25 =	vshll.u32 v56, $0x10;
	v14 =	vadd.f32 v53, v14;
	[tilespmem:s22+$0x6620] =	vst v10  }
0xbc: {  	v26 =	vshll.u32 v57, $0x10;
	v13 =	vadd.f32 v57, v56;
	v10 =	vadd.f32 v24, v11;
	v28 =	vld [tilespmem:s23+$0x2A30]  }
0xbd: {  	v30 =	vshll.u32 v59, $0x10;
	v11 =	vadd.f32 v26, v25;
	v29 =	vld [tilespmem:s23+$0x5230];
	[tilespmem:s22+$0x6AA0] =	vst v14;
	v32 =	vshll.u32 v62, $0x10  }
0xbe: {  	v31 =	vld [tilespmem:s23+$0x3E30];
	v33 =	vshll.u32 v63, $0x10;
	v13 =	vadd.f32 v59, v13;
	v15 =	vadd.f32 v63, v62;
	[tilespmem:s22+$0x66A0] =	vst v10  }
0xbf: {  	v10 =	vadd.f32 v30, v11;
	v11 =	vadd.f32 v33, v32;
	v34 =	vld [tilespmem:s23+$0x2AB0]  }
0xc0: {  	v36 =	vshll.u32 v27, $0x10;
	v35 =	vld [tilespmem:s23+$0x52B0];
	[tilespmem:s22+$0x6B20] =	vst v13  }
0xc1: {  	v37 =	vld [tilespmem:s23+$0x3EB0];
	v15 =	vadd.f32 v27, v15;
	[tilespmem:s22+$0x6720] =	vst v10;
	v10 =	vadd.f32 v36, v11  }
0xc2: {  	v40 =	vld [tilespmem:s23+$0x2B30];
	v38 =	vshll.u32 v28, $0x10;
	v39 =	vshll.u32 v29, $0x10;
	v12 =	vadd.f32 v29, v28  }
0xc3: {  	v41 =	vld [tilespmem:s23+$0x5330];
	[tilespmem:s22+$0x6BA0] =	vst v15;
	v11 =	vadd.f32 v39, v38  }
0xc4: {  	v43 =	vld [tilespmem:s23+$0x3F30];
	[tilespmem:s22+$0x67A0] =	vst v10;
	v42 =	vshll.u32 v31, $0x10;
	v44 =	vshll.u32 v34, $0x10;
	v12 =	vadd.f32 v31, v12  }
0xc5: {  	v46 =	vld [tilespmem:s23+$0x2BB0];
	v45 =	vshll.u32 v35, $0x10;
	v14 =	vadd.f32 v35, v34;
	v10 =	vadd.f32 v42, v11  }
0xc6: {  	v54 =	vshll.u32 v9, $0x10;
	v9 =	vadd.f32 v48, v9;
	v47 =	vld [tilespmem:s23+$0x53B0];
	v11 =	vadd.f32 v45, v44;
	[tilespmem:s22+$0x6A30] =	vst v12  }
0xc7: {  	v52 =	vld [tilespmem:s23+$0x3FB0];
	v49 =	vshll.u32 v37, $0x10;
	v14 =	vadd.f32 v37, v14;
	[tilespmem:s22+$0x6630] =	vst v10  }
0xc8: {  	v60 =	vshll.u32 v48, $0x10;
	v9 =	vadd.f32 v20, v9;
	v10 =	vadd.f32 v49, v11;
	v53 =	vld [tilespmem:s23+$0x2A40]  }
0xc9: {  	v24 =	vshll.u32 v20, $0x10;
	v50 =	vshll.u32 v40, $0x10;
	v12 =	vadd.f32 v60, v54;
	v55 =	vld [tilespmem:s23+$0x5240];
	[tilespmem:s22+$0x6AB0] =	vst v14  }
0xca: {  	v51 =	vshll.u32 v41, $0x10;
	v56 =	vshll.u32 v43, $0x10;
	v13 =	vadd.f32 v41, v40;
	v57 =	vld [tilespmem:s23+$0x3E40];
	[tilespmem:s22+$0x66B0] =	vst v10  }
0xcb: {  	v11 =	vadd.f32 v51, v50;
	v58 =	vshll.u32 v46, $0x10;
	v12 =	vadd.f32 v24, v12;
	v61 =	vld [tilespmem:s23+$0x2AC0]  }
0xcc: {  	[tilespmem:s22+$0x69E0] =	vst v9;
	v59 =	vshll.u32 v47, $0x10;
	v13 =	vadd.f32 v43, v13;
	v15 =	vadd.f32 v47, v46;
	v62 =	vld [tilespmem:s23+$0x52C0]  }
0xcd: {  	v10 =	vadd.f32 v56, v11;
	v11 =	vadd.f32 v59, v58;
	v25 =	vld [tilespmem:s23+$0x3EC0];
	[tilespmem:s22+$0x65E0] =	vst v12  }
0xce: {  	v63 =	vshll.u32 v52, $0x10;
	[tilespmem:s22+$0x6B30] =	vst v13;
	v9 =	vld [tilespmem:s23+$0x29F0]  }
0xcf: {  	v15 =	vadd.f32 v52, v15;
	[tilespmem:s22+$0x6730] =	vst v10;
	v10 =	vadd.f32 v63, v11;
	v21 =	vld [tilespmem:s23+$0x3DF0]  }
0xd0: {  	v28 =	vld [tilespmem:s23+$0x2B40];
	v26 =	vshll.u32 v53, $0x10;
	v27 =	vshll.u32 v55, $0x10;
	v18 =	vadd.f32 v55, v53  }
0xd1: {  	v29 =	vld [tilespmem:s23+$0x5340];
	[tilespmem:s22+$0x6BB0] =	vst v15;
	v11 =	vadd.f32 v27, v26  }
0xd2: {  	v31 =	vld [tilespmem:s23+$0x3F40];
	[tilespmem:s22+$0x67B0] =	vst v10;
	v30 =	vshll.u32 v57, $0x10;
	v32 =	vshll.u32 v61, $0x10;
	v18 =	vadd.f32 v57, v18  }
0xd3: {  	v15 =	vld [tilespmem:s23+$0x2BC0];
	v33 =	vshll.u32 v62, $0x10;
	v14 =	vadd.f32 v62, v61;
	v11 =	vadd.f32 v30, v11  }
0xd4: {  	v40 =	vshll.u32 v7, $0x10;
	v7 =	vadd.f32 v8, v7;
	v34 =	vld [tilespmem:s23+$0x53C0];
	v12 =	vadd.f32 v33, v32;
	[tilespmem:s22+$0x6A40] =	vst v18  }
0xd5: {  	v38 =	vld [tilespmem:s23+$0x3FC0];
	v35 =	vshll.u32 v25, $0x10;
	v36 =	vshll.u32 v28, $0x10;
	v14 =	vadd.f32 v25, v14;
	[tilespmem:s22+$0x6640] =	vst v11  }
0xd6: {  	v37 =	vshll.u32 v29, $0x10;
	v10 =	vadd.f32 v29, v28;
	v11 =	vadd.f32 v35, v12;
	v39 =	vld [tilespmem:s23+$0x2A50]  }
0xd7: {  	v50 =	vshll.u32 v6, $0x10;
	v46 =	vshll.u32 v8, $0x10;
	v12 =	vadd.f32 v37, v36;
	v41 =	vld [tilespmem:s23+$0x5250];
	[tilespmem:s22+$0x6AC0] =	vst v14  }
0xd8: {  	v42 =	vshll.u32 v31, $0x10;
	v43 =	vld [tilespmem:s23+$0x3E50];
	v44 =	vshll.u32 v15, $0x10;
	v10 =	vadd.f32 v31, v10;
	[tilespmem:s22+$0x66C0] =	vst v11  }
0xd9: {  	v45 =	vshll.u32 v34, $0x10;
	v13 =	vadd.f32 v34, v15;
	v11 =	vadd.f32 v42, v12;
	v47 =	vld [tilespmem:s23+$0x2AD0]  }
0xda: {  	v6 =	vadd.f32 v6, v7;
	v24 =	vshll.u32 v4, $0x10;
	v12 =	vadd.f32 v45, v44;
	v48 =	vld [tilespmem:s23+$0x52D0];
	[tilespmem:s22+$0x6B40] =	vst v10  }
0xdb: {  	v4 =	vadd.f32 v5, v4;
	v49 =	vshll.u32 v38, $0x10;
	v51 =	vld [tilespmem:s23+$0x3ED0];
	v13 =	vadd.f32 v38, v13;
	[tilespmem:s22+$0x6740] =	vst v11  }
0xdc: {  	v16 =	vadd.f32 v46, v40;
	v52 =	vadd.f32 v49, v12;
	v55 =	vld [tilespmem:s23+$0x2B50]  }
0xdd: {  	v56 =	vld [tilespmem:s23+$0x5350];
	[tilespmem:s22+$0x6BC0] =	vst v13;
	v53 =	vshll.u32 v39, $0x10;
	v54 =	vshll.u32 v41, $0x10;
	v58 =	vadd.f32 v41, v39  }
0xde: {  	v46 =	vshll.u32 v1, $0x10;
	v1 =	vadd.f32 v2, v1;
	v59 =	vld [tilespmem:s23+$0x3F50];
	[tilespmem:s22+$0x67C0] =	vst v52;
	v11 =	vadd.f32 v54, v53  }
0xdf: {  	v57 =	vshll.u32 v43, $0x10;
	v62 =	vld [tilespmem:s23+$0x2BD0];
	v60 =	vshll.u32 v47, $0x10;
	v10 =	vadd.f32 v43, v58  }
0xe0: {  	v63 =	vld [tilespmem:s23+$0x53D0];
	v61 =	vshll.u32 v48, $0x10;
	v14 =	vadd.f32 v48, v47;
	v7 =	vadd.f32 v57, v11  }
0xe1: {  	v36 =	vshll.u32 v3, $0x10;
	v3 =	vadd.f32 v3, v4;
	v28 =	vld [tilespmem:s23+$0x3FD0];
	v11 =	vadd.f32 v61, v60;
	[tilespmem:s22+$0x6A50] =	vst v10  }
0xe2: {  	v54 =	vld [tilespmem:s23+$0x51F0];
	v25 =	vshll.u32 v51, $0x10;
	v26 =	vshll.u32 v55, $0x10;
	v8 =	vadd.f32 v51, v14;
	[tilespmem:s22+$0x6650] =	vst v7  }
0xe3: {  	v27 =	vshll.u32 v56, $0x10;
	v12 =	vadd.f32 v56, v55;
	v7 =	vadd.f32 v25, v11;
	v30 =	vld [tilespmem:s23+$0x2A60]  }
0xe4: {  	v32 =	vshll.u32 v59, $0x10;
	v10 =	vadd.f32 v27, v26;
	v31 =	vld [tilespmem:s23+$0x5260];
	[tilespmem:s22+$0x6AD0] =	vst v8;
	v34 =	vshll.u32 v62, $0x10  }
0xe5: {  	v33 =	vld [tilespmem:s23+$0x3E60];
	v35 =	vshll.u32 v63, $0x10;
	v12 =	vadd.f32 v59, v12;
	v13 =	vadd.f32 v63, v62;
	[tilespmem:s22+$0x66D0] =	vst v7  }
0xe6: {  	v29 =	vshll.u32 v5, $0x10;
	v7 =	vadd.f32 v32, v10;
	v8 =	vadd.f32 v35, v34;
	v37 =	vld [tilespmem:s23+$0x2AE0]  }
0xe7: {  	v15 =	vadd.f32 v50, v16;
	v14 =	vadd.f32 v29, v24;
	v39 =	vshll.u32 v28, $0x10;
	v38 =	vld [tilespmem:s23+$0x52E0];
	[tilespmem:s22+$0x6B50] =	vst v12  }
0xe8: {  	v40 =	vld [tilespmem:s23+$0x3EE0];
	v13 =	vadd.f32 v28, v13;
	[tilespmem:s22+$0x6750] =	vst v7;
	v7 =	vadd.f32 v39, v8  }
0xe9: {  	v43 =	vld [tilespmem:s23+$0x2B60];
	v41 =	vshll.u32 v30, $0x10;
	v42 =	vshll.u32 v31, $0x10;
	v11 =	vadd.f32 v31, v30  }
0xea: {  	v14 =	vadd.f32 v36, v14;
	v45 =	vld [tilespmem:s23+$0x5360];
	[tilespmem:s22+$0x6BD0] =	vst v13;
	v44 =	vadd.f32 v42, v41  }
0xeb: {  	v48 =	vld [tilespmem:s23+$0x3F60];
	[tilespmem:s22+$0x67D0] =	vst v7;
	v47 =	vshll.u32 v33, $0x10;
	v49 =	vshll.u32 v37, $0x10;
	v11 =	vadd.f32 v33, v11  }
0xec: {  	[tilespmem:s22+$0x6870] =	vst v6;
	v51 =	vld [tilespmem:s23+$0x2BE0];
	v50 =	vshll.u32 v38, $0x10;
	v10 =	vadd.f32 v38, v37;
	v4 =	vadd.f32 v47, v44  }
0xed: {  	v59 =	vshll.u32 v0, $0x10;
	v29 =	vshll.u32 v54, $0x10;
	v53 =	vld [tilespmem:s23+$0x53E0];
	v12 =	vadd.f32 v50, v49;
	[tilespmem:s22+$0x6A60] =	vst v11  }
0xee: {  	v58 =	vld [tilespmem:s23+$0x3FE0];
	v55 =	vshll.u32 v40, $0x10;
	v56 =	vshll.u32 v43, $0x10;
	v5 =	vadd.f32 v40, v10;
	[tilespmem:s22+$0x6660] =	vst v4  }
0xef: {  	[tilespmem:s22+$0x68F0] =	vst v3;
	v57 =	vshll.u32 v45, $0x10;
	v8 =	vadd.f32 v45, v43;
	v4 =	vadd.f32 v55, v12;
	v60 =	vld [tilespmem:s23+$0x2A70]  }
0xf0: {  	v0 =	vadd.f32 v0, v1;
	v28 =	vshll.u32 v9, $0x10;
	v11 =	vadd.f32 v57, v56;
	v61 =	vld [tilespmem:s23+$0x3E70];
	[tilespmem:s22+$0x6AE0] =	vst v5  }
0xf1: {  	v62 =	vshll.u32 v48, $0x10;
	v63 =	vld [tilespmem:s23+$0x5270];
	v18 =	vshll.u32 v51, $0x10;
	v23 =	vadd.f32 v48, v8;
	[tilespmem:s22+$0x66E0] =	vst v4  }
0xf2: {  	[tilespmem:s22+$0x6470] =	vst v15;
	v22 =	vshll.u32 v53, $0x10;
	v27 =	vadd.f32 v53, v51;
	v4 =	vadd.f32 v62, v11;
	v24 =	vld [tilespmem:s23+$0x2AF0]  }
0xf3: {  	v52 =	vshll.u32 v2, $0x10;
	v6 =	vadd.f32 v29, v28;
	v5 =	vadd.f32 v22, v18;
	v25 =	vld [tilespmem:s23+$0x3EF0];
	[tilespmem:s22+$0x6B60] =	vst v23  }
0xf4: {  	v7 =	vadd.f32 v52, v46;
	v26 =	vshll.u32 v58, $0x10;
	v30 =	vld [tilespmem:s23+$0x52F0];
	v11 =	vadd.f32 v58, v27;
	[tilespmem:s22+$0x6760] =	vst v4  }
0xf5: {  	v32 =	vshll.u32 v21, $0x10;
	[tilespmem:s22+$0x64F0] =	vst v14;
	v9 =	vadd.f32 v54, v9;
	v4 =	vadd.f32 v26, v5;
	v31 =	vld [tilespmem:s23+$0x2B70]  }
0xf6: {  	v1 =	vadd.f32 v32, v6;
	v7 =	vadd.f32 v59, v7;
	[tilespmem:s22+$0x6BE0] =	vst v11;
	v36 =	vld [tilespmem:s23+$0x5370]  }
0xf7: {  	v33 =	vld [tilespmem:s23+$0x3F70];
	[tilespmem:s22+$0x67E0] =	vst v4;
	v34 =	vshll.u32 v60, $0x10;
	v35 =	vshll.u32 v63, $0x10;
	v40 =	vadd.f32 v63, v60  }
0xf8: {  	[tilespmem:s22+$0x6970] =	vst v0;
	v37 =	vadd.f32 v21, v9;
	v38 =	vshll.u32 v61, $0x10;
	v4 =	vadd.f32 v35, v34;
	v39 =	vld [tilespmem:s23+$0x2BF0]  }
0xf9: {  	[tilespmem:s22+$0x65F0] =	vst v1;
	v43 =	vld [tilespmem:s23+$0x53F0];
	v41 =	vshll.u32 v24, $0x10;
	v42 =	vshll.u32 v30, $0x10;
	v46 =	vadd.f32 v61, v40  }
0xfa: {  	[tilespmem:s22+$0x6570] =	vst v7;
	v47 =	vshll.u32 v25, $0x10;
	v5 =	vadd.f32 v30, v24;
	v44 =	vadd.f32 v38, v4  }
0xfb: {  	[tilespmem:s22+$0x69F0] =	vst v37;
	v48 =	vld [tilespmem:s23+$0x3FF0];
	v45 =	vadd.f32 v42, v41;
	v50 =	vshll.u32 v31, $0x10;
	v51 =	vshll.u32 v36, $0x10  }
0xfc: {  	v52 =	vadd.f32 v25, v5;
	v54 =	vshll.u32 v33, $0x10;
	[tilespmem:s22+$0x6A70] =	vst v46;
	v55 =	vadd.f32 v36, v31  }
0xfd: {  	v49 =	vadd.f32 v47, v45;
	[tilespmem:s22+$0x6670] =	vst v44;
	v53 =	vadd.f32 v51, v50;
	v56 =	vshll.u32 v39, $0x10  }
0xfe: {  	p1 =	slt.u32 s21, $0x20;
	v57 =	vshll.u32 v43, $0x10;
	[tilespmem:s22+$0x6AF0] =	vst v52;
	v59 =	vadd.f32 v33, v55;
	v60 =	vadd.f32 v43, v39  }
.Ltmp0:
0xff: {  	[tilespmem:s22+$0x66F0] =	vst v49;
	v2 =	vadd.f32 v54, v53;
	v58 =	vadd.f32 v57, v56;
	(pc) =	sbr.rel @p1 .LBB2_3-.Ltmp0, $4  }
0x100: {  	v61 =	vshll.u32 v48, $0x10;
	[tilespmem:s22+$0x6B70] =	vst v59;
	v63 =	vadd.f32 v48, v60  }
0x101: {  	[tilespmem:s22+$0x6770] =	vst v2;
	v62 =	vadd.f32 v61, v58  }
0x102: {  	s24 =	sadd.s32 $0x8, s21;
	[tilespmem:s22+$0x6BF0] =	vst v63  }
0x103: {  	s21 =	smov.u32 s24;
	[tilespmem:s22+$0x67F0] =	vst v62  }
0x104: {  	s21 =	smul.u32 $0x50, s1;
	_ =	sdelay $0x1  }
0x105: {  	s22 =	sadd.s32 $0x50, s21  }
0x106: {  	[tilespmem:s18], [sflag:$0x1] =	stream.indirect.gather [hbm4b:s4+s17], $0x80, s22, s17, $0xb8;
	[tilespmem:$0xF000] =	vst v63  }
0x107: {  	s22 =	sadd.s32 s6, s22  }
0x108: {  	s23 =	sadd.s32 $0x1450, s21;
	s22 =	sshll.u32 s22, $0x4  }
0x109: {  	[tilespmem:s19], [sflag:$0x1] =	stream.indirect.gather [hbm4b:s5+s17], $0x80, s23, s17, $0xb8;
	[tilespmem:$0xF000] =	vst v63  }
0x10a: {  	s24 =	sadd.s32 s6, s21;
	s22 =	sadd.s32 s7, s22  }
0x10b: {  	[tilespmem:s20], [sflag:$0x1] =	stream.linear.gather [hbm4b:s22+s3], $0x1400, $0x38;
	[tilespmem:$0xF000] =	vst v63  }
0x10c: {  	s22 =	sshll.u32 s24, $0x5  }
0x10d: {  	s22 =	sadd.s32 s2, s22  }
0x10e: {  	[hbm4b:s22+s3] =	stream.linear.scatter [tilespmem:s26], [sflag:$0x2], $0x2800, $0x38;
	[tilespmem:$0xF000] =	vst v63  }
0x10f: {  	_ =	swait.ge [sflag:s28], $0x1400  }
0x110: {  	[sflag:s28] =	ssyncset.done $0x0  }
0x111: {  	[sflag:s28] =	ssyncadd.s32 $0xFFFFEC00  }
0x112: {  	_ =	swait.ge [sflag:s28], $0x1400  }
0x113: {  	[sflag:s28] =	ssyncset.done $0x0  }
0x114: {  	[sflag:s28] =	ssyncadd.s32 $0xFFFFEC00  }
0x115: {  	_ =	swait.ge [sflag:s28], $0x1400  }
0x116: {  	[sflag:s28] =	ssyncset.done $0x0  }
0x117: {  	s22 =	simm.s32 @!p0 $0x4;
	[sflag:s28] =	ssyncadd.s32 $0xFFFFEC00  }
0x118: {  	_ =	swait.ge @!p0 [sflag:s22], $0x2800  }
0x119: {  	[sflag:s22] =	ssyncset.done @!p0 $0x0  }
0x11a: {  	[sflag:s22] =	ssyncadd.s32 @!p0 $0xFFFFD800;
	s22 =	simm.s32 $0x0  }
.LBB2_5:
0x11b: {  	s24 =	sshll.u32 s22, $0x7  }
0x11c: {  	v0 =	vld [tilespmem:s24+$0x8C00]  }
0x11d: {  	v1 =	vld [tilespmem:s24+$0xB400]  }
0x11e: {  	v2 =	vld [tilespmem:s24+$0xA000]  }
0x11f: {  	v3 =	vld [tilespmem:s24+$0x8C80]  }
0x120: {  	v4 =	vld [tilespmem:s24+$0xB480]  }
0x121: {  	v5 =	vld [tilespmem:s24+$0xA080]  }
0x122: {  	v8 =	vld [tilespmem:s24+$0x8D00];
	v6 =	vshll.u32 v0, $0x10;
	v7 =	vshll.u32 v1, $0x10;
	v0 =	vadd.f32 v1, v0  }
0x123: {  	v38 =	vld [tilespmem:s24+$0xB500];
	v6 =	vadd.f32 v7, v6  }
0x124: {  	s23 =	sshll.u32 s22, $0x8;
	v9 =	vshll.u32 v2, $0x10;
	v40 =	vshll.u32 v3, $0x10;
	v0 =	vadd.f32 v2, v0  }
0x125: {  	v10 =	vld [tilespmem:s24+$0xA100];
	s23 =	sand.u32 $0x3FFFFF00, s23;
	v41 =	vshll.u32 v4, $0x10;
	v3 =	vadd.f32 v4, v3;
	v39 =	vadd.f32 v9, v6  }
0x126: {  	v42 =	vadd.f32 v41, v40;
	[tilespmem:s23+$0xCC00] =	vst v0  }
0x127: {  	v43 =	vshll.u32 v5, $0x10;
	v45 =	vshll.u32 v8, $0x10;
	v3 =	vadd.f32 v5, v3;
	[tilespmem:s23+$0xC800] =	vst v39  }
0x128: {  	v46 =	vshll.u32 v38, $0x10;
	v50 =	vadd.f32 v38, v8;
	v44 =	vadd.f32 v43, v42;
	v47 =	vld [tilespmem:s24+$0x8C10]  }
0x129: {  	v1 =	vadd.f32 v46, v45;
	[tilespmem:s23+$0xCC80] =	vst v3;
	v48 =	vld [tilespmem:s24+$0xB410]  }
0x12a: {  	v49 =	vshll.u32 v10, $0x10;
	v53 =	vadd.f32 v10, v50;
	[tilespmem:s23+$0xC880] =	vst v44;
	v51 =	vld [tilespmem:s24+$0xA010]  }
0x12b: {  	v0 =	vadd.f32 v49, v1;
	v52 =	vld [tilespmem:s24+$0x8C90]  }
0x12c: {  	[tilespmem:s23+$0xCD00] =	vst v53;
	v54 =	vld [tilespmem:s24+$0xB490]  }
0x12d: {  	[tilespmem:s23+$0xC900] =	vst v0;
	v55 =	vld [tilespmem:s24+$0xA090]  }
0x12e: {  	v58 =	vld [tilespmem:s24+$0x8D10];
	v56 =	vshll.u32 v47, $0x10;
	v57 =	vshll.u32 v48, $0x10;
	v2 =	vadd.f32 v48, v47  }
0x12f: {  	v59 =	vld [tilespmem:s24+$0xB510];
	v3 =	vadd.f32 v57, v56  }
0x130: {  	v60 =	vshll.u32 v51, $0x10;
	v61 =	vshll.u32 v52, $0x10;
	v2 =	vadd.f32 v51, v2  }
0x131: {  	v63 =	vld [tilespmem:s24+$0xA110];
	v62 =	vshll.u32 v54, $0x10;
	v1 =	vadd.f32 v54, v52;
	v3 =	vadd.f32 v60, v3  }
0x132: {  	v4 =	vadd.f32 v62, v61;
	[tilespmem:s23+$0xCC10] =	vst v2  }
0x133: {  	v12 =	vshll.u32 v55, $0x10;
	v14 =	vshll.u32 v58, $0x10;
	v0 =	vadd.f32 v55, v1;
	[tilespmem:s23+$0xC810] =	vst v3  }
0x134: {  	v15 =	vshll.u32 v59, $0x10;
	v20 =	vadd.f32 v59, v58;
	v13 =	vadd.f32 v12, v4;
	v16 =	vld [tilespmem:s24+$0x8C20]  }
0x135: {  	v17 =	vadd.f32 v15, v14;
	[tilespmem:s23+$0xCC90] =	vst v0;
	v18 =	vld [tilespmem:s24+$0xB420]  }
0x136: {  	v19 =	vshll.u32 v63, $0x10;
	v24 =	vadd.f32 v63, v20;
	[tilespmem:s23+$0xC890] =	vst v13;
	v21 =	vld [tilespmem:s24+$0xA020]  }
0x137: {  	v22 =	vadd.f32 v19, v17;
	v23 =	vld [tilespmem:s24+$0x8CA0]  }
0x138: {  	[tilespmem:s23+$0xCD10] =	vst v24;
	v25 =	vld [tilespmem:s24+$0xB4A0]  }
0x139: {  	[tilespmem:s23+$0xC910] =	vst v22;
	v26 =	vld [tilespmem:s24+$0xA0A0]  }
0x13a: {  	v29 =	vld [tilespmem:s24+$0x8D20]  }
0x13b: {  	v30 =	vld [tilespmem:s24+$0xB520];
	v27 =	vshll.u32 v16, $0x10;
	v28 =	vshll.u32 v18, $0x10;
	v3 =	vadd.f32 v18, v16  }
0x13c: {  	v11 =	vld [tilespmem:s24+$0x8D80];
	v2 =	vadd.f32 v28, v27  }
0x13d: {  	v32 =	vld [tilespmem:s24+$0xA120];
	v31 =	vshll.u32 v21, $0x10;
	v33 =	vshll.u32 v23, $0x10;
	v3 =	vadd.f32 v21, v3  }
0x13e: {  	v36 =	vld [tilespmem:s24+$0xB580];
	v34 =	vshll.u32 v25, $0x10;
	v1 =	vadd.f32 v25, v23;
	v2 =	vadd.f32 v31, v2  }
0x13f: {  	v37 =	vshll.u32 v26, $0x10;
	v35 =	vadd.f32 v34, v33;
	v38 =	vshll.u32 v29, $0x10;
	[tilespmem:s23+$0xCC20] =	vst v3  }
0x140: {  	v40 =	vld [tilespmem:s24+$0xA180];
	v39 =	vshll.u32 v30, $0x10;
	v45 =	vadd.f32 v30, v29;
	v0 =	vadd.f32 v26, v1;
	[tilespmem:s23+$0xC820] =	vst v2  }
0x141: {  	v42 =	vadd.f32 v39, v38;
	v2 =	vadd.f32 v37, v35;
	v41 =	vld [tilespmem:s24+$0x8C30]  }
0x142: {  	v44 =	vshll.u32 v32, $0x10;
	v4 =	vadd.f32 v32, v45;
	[tilespmem:s23+$0xCCA0] =	vst v0;
	v43 =	vld [tilespmem:s24+$0xB430]  }
0x143: {  	v49 =	vshll.u32 v36, $0x10;
	v48 =	vshll.u32 v11, $0x10;
	v47 =	vadd.f32 v44, v42;
	v46 =	vld [tilespmem:s24+$0xA030];
	[tilespmem:s23+$0xC8A0] =	vst v2  }
0x144: {  	v53 =	vadd.f32 v36, v11;
	v1 =	vadd.f32 v49, v48;
	[tilespmem:s23+$0xCD20] =	vst v4;
	v50 =	vld [tilespmem:s24+$0x8CB0]  }
0x145: {  	v52 =	vshll.u32 v40, $0x10;
	[tilespmem:s23+$0xC920] =	vst v47;
	v51 =	vld [tilespmem:s24+$0xB4B0]  }
0x146: {  	v5 =	vadd.f32 v40, v53;
	v0 =	vadd.f32 v52, v1;
	v57 =	vld [tilespmem:s24+$0x8D30]  }
0x147: {  	v54 =	vld [tilespmem:s24+$0xA0B0];
	v55 =	vshll.u32 v41, $0x10;
	v56 =	vshll.u32 v43, $0x10;
	v3 =	vadd.f32 v43, v41  }
0x148: {  	[tilespmem:s23+$0xCD80] =	vst v5;
	v58 =	vld [tilespmem:s24+$0xB530];
	v1 =	vadd.f32 v56, v55  }
0x149: {  	[tilespmem:s23+$0xC980] =	vst v0;
	v60 =	vld [tilespmem:s24+$0xA130];
	v59 =	vshll.u32 v46, $0x10;
	v61 =	vshll.u32 v50, $0x10;
	v3 =	vadd.f32 v46, v3  }
0x14a: {  	v63 =	vld [tilespmem:s24+$0x8D90];
	v62 =	vshll.u32 v51, $0x10;
	v2 =	vadd.f32 v51, v50;
	v0 =	vadd.f32 v59, v1  }
0x14b: {  	v12 =	vld [tilespmem:s24+$0xB590];
	v1 =	vadd.f32 v62, v61;
	[tilespmem:s23+$0xCC30] =	vst v3  }
0x14c: {  	v16 =	vld [tilespmem:s24+$0xA190];
	v14 =	vshll.u32 v57, $0x10;
	v13 =	vshll.u32 v54, $0x10;
	v2 =	vadd.f32 v54, v2;
	[tilespmem:s23+$0xC830] =	vst v0  }
0x14d: {  	v15 =	vshll.u32 v58, $0x10;
	v4 =	vadd.f32 v58, v57;
	v0 =	vadd.f32 v13, v1;
	v17 =	vld [tilespmem:s24+$0x8C40]  }
0x14e: {  	v1 =	vadd.f32 v15, v14;
	v18 =	vld [tilespmem:s24+$0xB440];
	[tilespmem:s23+$0xCCB0] =	vst v2  }
0x14f: {  	v19 =	vshll.u32 v60, $0x10;
	v21 =	vshll.u32 v63, $0x10;
	v4 =	vadd.f32 v60, v4;
	v20 =	vld [tilespmem:s24+$0xA040];
	[tilespmem:s23+$0xC8B0] =	vst v0  }
0x150: {  	v22 =	vshll.u32 v12, $0x10;
	v5 =	vadd.f32 v12, v63;
	v0 =	vadd.f32 v19, v1;
	v23 =	vld [tilespmem:s24+$0x8CC0]  }
0x151: {  	[tilespmem:s23+$0xCD30] =	vst v4;
	v1 =	vadd.f32 v22, v21;
	v24 =	vld [tilespmem:s24+$0xB4C0]  }
0x152: {  	v25 =	vshll.u32 v16, $0x10;
	v5 =	vadd.f32 v16, v5;
	v26 =	vld [tilespmem:s24+$0xA0C0];
	[tilespmem:s23+$0xC930] =	vst v0  }
0x153: {  	v0 =	vadd.f32 v25, v1;
	v29 =	vld [tilespmem:s24+$0x8D40]  }
0x154: {  	[tilespmem:s23+$0xCD90] =	vst v5;
	v30 =	vld [tilespmem:s24+$0xB540];
	v27 =	vshll.u32 v17, $0x10;
	v28 =	vshll.u32 v18, $0x10;
	v3 =	vadd.f32 v18, v17  }
0x155: {  	v32 =	vld [tilespmem:s24+$0xA140];
	[tilespmem:s23+$0xC990] =	vst v0;
	v1 =	vadd.f32 v28, v27  }
0x156: {  	v31 =	vshll.u32 v20, $0x10;
	v35 =	vld [tilespmem:s24+$0x8DA0];
	v3 =	vadd.f32 v20, v3  }
0x157: {  	v36 =	vld [tilespmem:s24+$0xB5A0];
	v0 =	vadd.f32 v31, v1  }
0x158: {  	v33 =	vshll.u32 v23, $0x10;
	v34 =	vshll.u32 v24, $0x10;
	v2 =	vadd.f32 v24, v23;
	[tilespmem:s23+$0xCC40] =	vst v3  }
0x159: {  	v40 =	vld [tilespmem:s24+$0xA1A0];
	v37 =	vshll.u32 v26, $0x10;
	v1 =	vadd.f32 v34, v33;
	[tilespmem:s23+$0xC840] =	vst v0  }
0x15a: {  	v38 =	vshll.u32 v29, $0x10;
	v39 =	vshll.u32 v30, $0x10;
	v2 =	vadd.f32 v26, v2;
	v41 =	vld [tilespmem:s24+$0x8C50]  }
0x15b: {  	v43 =	vshll.u32 v32, $0x10;
	v0 =	vadd.f32 v37, v1;
	v1 =	vadd.f32 v39, v38;
	v42 =	vld [tilespmem:s24+$0xB450]  }
0x15c: {  	v4 =	vadd.f32 v30, v29;
	v44 =	vld [tilespmem:s24+$0xA050];
	v45 =	vshll.u32 v35, $0x10;
	v46 =	vshll.u32 v36, $0x10  }
0x15d: {  	[tilespmem:s23+$0xC8C0] =	vst v0;
	v0 =	vadd.f32 v43, v1;
	v1 =	vadd.f32 v46, v45;
	v45 =	vld [tilespmem:s24+$0xB600]  }
0x15e: {  	[tilespmem:s23+$0xCCC0] =	vst v2;
	v4 =	vadd.f32 v32, v4;
	v46 =	vld [tilespmem:s24+$0xA200]  }
0x15f: {  	v5 =	vadd.f32 v36, v35;
	v47 =	vld [tilespmem:s24+$0x8CD0]  }
0x160: {  	v48 =	vld [tilespmem:s24+$0xB4D0];
	[tilespmem:s23+$0xCD40] =	vst v4  }
0x161: {  	v49 =	vshll.u32 v40, $0x10;
	v50 =	vld [tilespmem:s24+$0xA0D0];
	v5 =	vadd.f32 v40, v5;
	[tilespmem:s23+$0xC940] =	vst v0  }
0x162: {  	v0 =	vadd.f32 v49, v1;
	v53 =	vld [tilespmem:s24+$0x8D50]  }
0x163: {  	v54 =	vld [tilespmem:s24+$0xB550];
	[tilespmem:s23+$0xCDA0] =	vst v5  }
0x164: {  	v56 =	vld [tilespmem:s24+$0xA150];
	[tilespmem:s23+$0xC9A0] =	vst v0  }
0x165: {  	v59 =	vld [tilespmem:s24+$0x8DB0]  }
0x166: {  	v60 =	vld [tilespmem:s24+$0xB5B0]  }
0x167: {  	v51 =	vshll.u32 v41, $0x10;
	v52 =	vshll.u32 v42, $0x10;
	v3 =	vadd.f32 v42, v41;
	v12 =	vld [tilespmem:s24+$0xA1B0]  }
0x168: {  	v1 =	vadd.f32 v52, v51;
	v51 =	vld [tilespmem:s24+$0xB780]  }
0x169: {  	v55 =	vshll.u32 v44, $0x10;
	v3 =	vadd.f32 v44, v3;
	v44 =	vld [tilespmem:s24+$0x8E00]  }
0x16a: {  	v57 =	vshll.u32 v47, $0x10;
	v2 =	vadd.f32 v48, v47;
	v47 =	vld [tilespmem:s24+$0xB700];
	v0 =	vadd.f32 v55, v1  }
0x16b: {  	v58 =	vshll.u32 v48, $0x10;
	v48 =	vld [tilespmem:s24+$0xA300];
	[tilespmem:s23+$0xCC50] =	vst v3  }
0x16c: {  	v61 =	vshll.u32 v50, $0x10;
	v1 =	vadd.f32 v58, v57;
	v57 =	vld [tilespmem:s24+$0xA380];
	v62 =	vshll.u32 v53, $0x10;
	[tilespmem:s23+$0xC850] =	vst v0  }
0x16d: {  	v63 =	vshll.u32 v54, $0x10;
	v2 =	vadd.f32 v50, v2;
	v4 =	vadd.f32 v54, v53;
	v13 =	vld [tilespmem:s24+$0x8C60]  }
0x16e: {  	v0 =	vadd.f32 v61, v1;
	v1 =	vadd.f32 v63, v62;
	v14 =	vld [tilespmem:s24+$0xB460]  }
0x16f: {  	v15 =	vshll.u32 v56, $0x10;
	v16 =	vld [tilespmem:s24+$0xA060];
	[tilespmem:s23+$0xCCD0] =	vst v2  }
0x170: {  	v4 =	vadd.f32 v56, v4;
	[tilespmem:s23+$0xC8D0] =	vst v0;
	v0 =	vadd.f32 v15, v1;
	v15 =	vld [tilespmem:s24+$0xB680]  }
0x171: {  	v19 =	vld [tilespmem:s24+$0x8CE0]  }
0x172: {  	v17 =	vshll.u32 v59, $0x10;
	v18 =	vshll.u32 v60, $0x10;
	v5 =	vadd.f32 v60, v59;
	v20 =	vld [tilespmem:s24+$0xB4E0];
	[tilespmem:s23+$0xCD50] =	vst v4  }
0x173: {  	v1 =	vadd.f32 v18, v17;
	v22 =	vld [tilespmem:s24+$0xA0E0];
	[tilespmem:s23+$0xC950] =	vst v0  }
0x174: {  	v21 =	vshll.u32 v12, $0x10;
	v5 =	vadd.f32 v12, v5;
	v25 =	vld [tilespmem:s24+$0x8D60]  }
0x175: {  	v0 =	vadd.f32 v21, v1;
	v26 =	vld [tilespmem:s24+$0xB560]  }
0x176: {  	v28 =	vld [tilespmem:s24+$0xA160];
	[tilespmem:s23+$0xCDB0] =	vst v5  }
0x177: {  	v24 =	vshll.u32 v14, $0x10;
	[tilespmem:s23+$0xC9B0] =	vst v0;
	v3 =	vadd.f32 v14, v13;
	v14 =	vld [tilespmem:s24+$0x8E80]  }
0x178: {  	v17 =	vshll.u32 v44, $0x10;
	v23 =	vshll.u32 v13, $0x10;
	v12 =	vld [tilespmem:s24+$0x8DC0]  }
0x179: {  	v18 =	vshll.u32 v45, $0x10;
	v11 =	vadd.f32 v45, v44;
	v1 =	vadd.f32 v24, v23;
	v31 =	vld [tilespmem:s24+$0xB5C0]  }
0x17a: {  	v17 =	vadd.f32 v18, v17;
	v27 =	vshll.u32 v16, $0x10;
	v13 =	vld [tilespmem:s24+$0xA1C0];
	v3 =	vadd.f32 v16, v3  }
0x17b: {  	v2 =	vadd.f32 v20, v19;
	v16 =	vld [tilespmem:s24+$0xA280];
	v0 =	vadd.f32 v27, v1  }
0x17c: {  	v11 =	vadd.f32 v46, v11;
	v29 =	vshll.u32 v19, $0x10;
	v30 =	vshll.u32 v20, $0x10;
	v19 =	vld [tilespmem:s24+$0x8F00];
	[tilespmem:s23+$0xCC60] =	vst v3  }
0x17d: {  	v32 =	vshll.u32 v22, $0x10;
	v20 =	vshll.u32 v46, $0x10;
	v2 =	vadd.f32 v22, v2;
	v22 =	vld [tilespmem:s24+$0x8F80];
	[tilespmem:s23+$0xC860] =	vst v0  }
0x17e: {  	v17 =	vadd.f32 v20, v17;
	v7 =	vld [tilespmem:s24+$0x8C70]  }
0x17f: {  	[tilespmem:s23+$0xCE00] =	vst v11;
	v1 =	vadd.f32 v30, v29;
	v6 =	vld [tilespmem:s24+$0xA070]  }
0x180: {  	v21 =	vshll.u32 v15, $0x10;
	v33 =	vshll.u32 v25, $0x10;
	v34 =	vshll.u32 v26, $0x10;
	[tilespmem:s23+$0xCA00] =	vst v17;
	v8 =	vld [tilespmem:s24+$0xB470]  }
0x181: {  	v35 =	vshll.u32 v28, $0x10;
	v36 =	vadd.f32 v26, v25;
	v0 =	vadd.f32 v32, v1;
	v23 =	vld [tilespmem:s24+$0x8E10]  }
0x182: {  	v1 =	vadd.f32 v34, v33;
	v49 =	vshll.u32 v14, $0x10;
	v14 =	vadd.f32 v15, v14;
	[tilespmem:s23+$0xCCE0] =	vst v2;
	v59 =	vld [tilespmem:s24+$0xB610]  }
0x183: {  	v37 =	vshll.u32 v12, $0x10;
	v39 =	vadd.f32 v28, v36;
	v41 =	vadd.f32 v31, v12;
	v61 =	vld [tilespmem:s24+$0xA210];
	[tilespmem:s23+$0xC8E0] =	vst v0  }
0x184: {  	v38 =	vshll.u32 v31, $0x10;
	v50 =	vadd.f32 v21, v49;
	v0 =	vadd.f32 v35, v1;
	v4 =	vld [tilespmem:s24+$0x8CF0]  }
0x185: {  	v1 =	vadd.f32 v38, v37;
	v14 =	vadd.f32 v16, v14;
	v3 =	vld [tilespmem:s24+$0xA0F0];
	[tilespmem:s23+$0xCD60] =	vst v39  }
0x186: {  	v40 =	vshll.u32 v13, $0x10;
	v53 =	vshll.u32 v16, $0x10;
	v5 =	vld [tilespmem:s24+$0xB4F0];
	v43 =	vadd.f32 v13, v41;
	[tilespmem:s23+$0xC960] =	vst v0  }
0x187: {  	v54 =	vadd.f32 v53, v50;
	v42 =	vadd.f32 v40, v1;
	[tilespmem:s23+$0xCE80] =	vst v14;
	v1 =	vld [tilespmem:s24+$0x8D70]  }
0x188: {  	v0 =	vld [tilespmem:s24+$0xA170];
	[tilespmem:s23+$0xCDC0] =	vst v43  }
0x189: {  	v2 =	vld [tilespmem:s24+$0xB570];
	[tilespmem:s23+$0xCA80] =	vst v54  }
0x18a: {  	v56 =	vshll.u32 v47, $0x10;
	v55 =	vshll.u32 v19, $0x10;
	v18 =	vadd.f32 v47, v19;
	[tilespmem:s23+$0xC9C0] =	vst v42;
	v25 =	vld [tilespmem:s24+$0x8E90]  }
0x18b: {  	v13 =	vadd.f32 v56, v55;
	v9 =	vld [tilespmem:s24+$0x8DD0]  }
0x18c: {  	v63 =	vshll.u32 v51, $0x10;
	v60 =	vshll.u32 v48, $0x10;
	v12 =	vadd.f32 v48, v18;
	v52 =	vld [tilespmem:s24+$0xB5D0]  }
0x18d: {  	v62 =	vshll.u32 v22, $0x10;
	v20 =	vadd.f32 v51, v22;
	v11 =	vadd.f32 v60, v13;
	v26 =	vld [tilespmem:s24+$0xB690]  }
0x18e: {  	v13 =	vadd.f32 v63, v62;
	[tilespmem:s23+$0xCF00] =	vst v12;
	v10 =	vld [tilespmem:s24+$0xA1D0]  }
0x18f: {  	v27 =	vshll.u32 v57, $0x10;
	v29 =	vld [tilespmem:s24+$0xA290];
	v30 =	vshll.u32 v23, $0x10;
	v17 =	vadd.f32 v57, v20;
	[tilespmem:s23+$0xCB00] =	vst v11  }
0x190: {  	v31 =	vshll.u32 v59, $0x10;
	v35 =	vadd.f32 v59, v23;
	v11 =	vadd.f32 v27, v13;
	v32 =	vld [tilespmem:s24+$0x8F10]  }
0x191: {  	v12 =	vadd.f32 v31, v30;
	v33 =	vld [tilespmem:s24+$0xB710];
	[tilespmem:s23+$0xCF80] =	vst v17;
	v58 =	vshll.u32 v9, $0x10;
	v9 =	vadd.f32 v52, v9  }
0x192: {  	v34 =	vshll.u32 v61, $0x10;
	v36 =	vld [tilespmem:s24+$0xA310];
	[tilespmem:s23+$0xCB80] =	vst v11;
	v11 =	vadd.f32 v61, v35;
	v24 =	vshll.u32 v52, $0x10  }
0x193: {  	v17 =	vld [tilespmem:s24+$0x8F90];
	v28 =	vshll.u32 v10, $0x10;
	v9 =	vadd.f32 v10, v9;
	v10 =	vadd.f32 v34, v12  }
0x194: {  	v39 =	vld [tilespmem:s24+$0xB790];
	[tilespmem:s23+$0xCE10] =	vst v11;
	v15 =	vadd.f32 v24, v58  }
0x195: {  	v43 =	vld [tilespmem:s24+$0xA390];
	v37 =	vshll.u32 v25, $0x10;
	v38 =	vshll.u32 v26, $0x10;
	v14 =	vadd.f32 v26, v25;
	[tilespmem:s23+$0xCA10] =	vst v10  }
0x196: {  	v12 =	vadd.f32 v38, v37;
	v15 =	vadd.f32 v28, v15;
	v44 =	vld [tilespmem:s24+$0x8E20]  }
0x197: {  	v40 =	vshll.u32 v29, $0x10;
	v41 =	vshll.u32 v32, $0x10;
	v14 =	vadd.f32 v29, v14;
	[tilespmem:s23+$0xCDD0] =	vst v9;
	v45 =	vld [tilespmem:s24+$0xB620]  }
0x198: {  	v42 =	vshll.u32 v33, $0x10;
	v13 =	vadd.f32 v33, v32;
	v10 =	vadd.f32 v40, v12;
	[tilespmem:s23+$0xC9D0] =	vst v15;
	v47 =	vld [tilespmem:s24+$0xA220]  }
0x199: {  	v11 =	vadd.f32 v42, v41;
	[tilespmem:s23+$0xCE90] =	vst v14;
	v9 =	vld [tilespmem:s24+$0x8DE0]  }
0x19a: {  	v46 =	vshll.u32 v36, $0x10;
	v48 =	vshll.u32 v17, $0x10;
	v13 =	vadd.f32 v36, v13;
	[tilespmem:s23+$0xCA90] =	vst v10;
	v20 =	vld [tilespmem:s24+$0xA1E0]  }
0x19b: {  	v49 =	vshll.u32 v39, $0x10;
	v15 =	vadd.f32 v39, v17;
	v10 =	vadd.f32 v46, v11;
	v50 =	vld [tilespmem:s24+$0x8EA0]  }
0x19c: {  	[tilespmem:s23+$0xCF10] =	vst v13;
	v11 =	vadd.f32 v49, v48;
	v51 =	vld [tilespmem:s24+$0xB6A0]  }
0x19d: {  	v52 =	vshll.u32 v43, $0x10;
	v53 =	vld [tilespmem:s24+$0xA2A0];
	v15 =	vadd.f32 v43, v15;
	[tilespmem:s23+$0xCB10] =	vst v10  }
0x19e: {  	v10 =	vadd.f32 v52, v11;
	v56 =	vld [tilespmem:s24+$0x8F20]  }
0x19f: {  	v57 =	vld [tilespmem:s24+$0xB720];
	[tilespmem:s23+$0xCF90] =	vst v15;
	v54 =	vshll.u32 v44, $0x10;
	v55 =	vshll.u32 v45, $0x10;
	v12 =	vadd.f32 v45, v44  }
0x1a0: {  	v59 =	vld [tilespmem:s24+$0xA320];
	[tilespmem:s23+$0xCB90] =	vst v10;
	v11 =	vadd.f32 v55, v54  }
0x1a1: {  	v58 =	vshll.u32 v47, $0x10;
	v62 =	vld [tilespmem:s24+$0x8FA0];
	v60 =	vshll.u32 v50, $0x10;
	v12 =	vadd.f32 v47, v12  }
0x1a2: {  	v63 =	vld [tilespmem:s24+$0xB7A0];
	v61 =	vshll.u32 v51, $0x10;
	v14 =	vadd.f32 v51, v50;
	v10 =	vadd.f32 v58, v11  }
0x1a3: {  	v48 =	vld [tilespmem:s24+$0xB5E0];
	v11 =	vadd.f32 v61, v60;
	[tilespmem:s23+$0xCE20] =	vst v12  }
0x1a4: {  	v27 =	vld [tilespmem:s24+$0xA3A0];
	v24 =	vshll.u32 v53, $0x10;
	v25 =	vshll.u32 v56, $0x10;
	v14 =	vadd.f32 v53, v14;
	[tilespmem:s23+$0xCA20] =	vst v10  }
0x1a5: {  	v26 =	vshll.u32 v57, $0x10;
	v13 =	vadd.f32 v57, v56;
	v10 =	vadd.f32 v24, v11;
	v28 =	vld [tilespmem:s24+$0x8E30]  }
0x1a6: {  	v30 =	vshll.u32 v59, $0x10;
	v11 =	vadd.f32 v26, v25;
	v29 =	vld [tilespmem:s24+$0xB630];
	[tilespmem:s23+$0xCEA0] =	vst v14;
	v32 =	vshll.u32 v62, $0x10  }
0x1a7: {  	v31 =	vld [tilespmem:s24+$0xA230];
	v33 =	vshll.u32 v63, $0x10;
	v13 =	vadd.f32 v59, v13;
	v15 =	vadd.f32 v63, v62;
	[tilespmem:s23+$0xCAA0] =	vst v10  }
0x1a8: {  	v10 =	vadd.f32 v30, v11;
	v11 =	vadd.f32 v33, v32;
	v34 =	vld [tilespmem:s24+$0x8EB0]  }
0x1a9: {  	v36 =	vshll.u32 v27, $0x10;
	v35 =	vld [tilespmem:s24+$0xB6B0];
	[tilespmem:s23+$0xCF20] =	vst v13  }
0x1aa: {  	v37 =	vld [tilespmem:s24+$0xA2B0];
	v15 =	vadd.f32 v27, v15;
	[tilespmem:s23+$0xCB20] =	vst v10;
	v10 =	vadd.f32 v36, v11  }
0x1ab: {  	v40 =	vld [tilespmem:s24+$0x8F30];
	v38 =	vshll.u32 v28, $0x10;
	v39 =	vshll.u32 v29, $0x10;
	v12 =	vadd.f32 v29, v28  }
0x1ac: {  	v41 =	vld [tilespmem:s24+$0xB730];
	[tilespmem:s23+$0xCFA0] =	vst v15;
	v11 =	vadd.f32 v39, v38  }
0x1ad: {  	v43 =	vld [tilespmem:s24+$0xA330];
	[tilespmem:s23+$0xCBA0] =	vst v10;
	v42 =	vshll.u32 v31, $0x10;
	v44 =	vshll.u32 v34, $0x10;
	v12 =	vadd.f32 v31, v12  }
0x1ae: {  	v46 =	vld [tilespmem:s24+$0x8FB0];
	v45 =	vshll.u32 v35, $0x10;
	v14 =	vadd.f32 v35, v34;
	v10 =	vadd.f32 v42, v11  }
0x1af: {  	v54 =	vshll.u32 v9, $0x10;
	v9 =	vadd.f32 v48, v9;
	v47 =	vld [tilespmem:s24+$0xB7B0];
	v11 =	vadd.f32 v45, v44;
	[tilespmem:s23+$0xCE30] =	vst v12  }
0x1b0: {  	v52 =	vld [tilespmem:s24+$0xA3B0];
	v49 =	vshll.u32 v37, $0x10;
	v14 =	vadd.f32 v37, v14;
	[tilespmem:s23+$0xCA30] =	vst v10  }
0x1b1: {  	v60 =	vshll.u32 v48, $0x10;
	v9 =	vadd.f32 v20, v9;
	v10 =	vadd.f32 v49, v11;
	v53 =	vld [tilespmem:s24+$0x8E40]  }
0x1b2: {  	v24 =	vshll.u32 v20, $0x10;
	v50 =	vshll.u32 v40, $0x10;
	v12 =	vadd.f32 v60, v54;
	v55 =	vld [tilespmem:s24+$0xB640];
	[tilespmem:s23+$0xCEB0] =	vst v14  }
0x1b3: {  	v51 =	vshll.u32 v41, $0x10;
	v56 =	vshll.u32 v43, $0x10;
	v13 =	vadd.f32 v41, v40;
	v57 =	vld [tilespmem:s24+$0xA240];
	[tilespmem:s23+$0xCAB0] =	vst v10  }
0x1b4: {  	v11 =	vadd.f32 v51, v50;
	v58 =	vshll.u32 v46, $0x10;
	v12 =	vadd.f32 v24, v12;
	v61 =	vld [tilespmem:s24+$0x8EC0]  }
0x1b5: {  	[tilespmem:s23+$0xCDE0] =	vst v9;
	v59 =	vshll.u32 v47, $0x10;
	v13 =	vadd.f32 v43, v13;
	v15 =	vadd.f32 v47, v46;
	v62 =	vld [tilespmem:s24+$0xB6C0]  }
0x1b6: {  	v10 =	vadd.f32 v56, v11;
	v11 =	vadd.f32 v59, v58;
	v25 =	vld [tilespmem:s24+$0xA2C0];
	[tilespmem:s23+$0xC9E0] =	vst v12  }
0x1b7: {  	v63 =	vshll.u32 v52, $0x10;
	[tilespmem:s23+$0xCF30] =	vst v13;
	v9 =	vld [tilespmem:s24+$0x8DF0]  }
0x1b8: {  	v15 =	vadd.f32 v52, v15;
	[tilespmem:s23+$0xCB30] =	vst v10;
	v10 =	vadd.f32 v63, v11;
	v21 =	vld [tilespmem:s24+$0xA1F0]  }
0x1b9: {  	v28 =	vld [tilespmem:s24+$0x8F40];
	v26 =	vshll.u32 v53, $0x10;
	v27 =	vshll.u32 v55, $0x10;
	v18 =	vadd.f32 v55, v53  }
0x1ba: {  	v29 =	vld [tilespmem:s24+$0xB740];
	[tilespmem:s23+$0xCFB0] =	vst v15;
	v11 =	vadd.f32 v27, v26  }
0x1bb: {  	v31 =	vld [tilespmem:s24+$0xA340];
	[tilespmem:s23+$0xCBB0] =	vst v10;
	v30 =	vshll.u32 v57, $0x10;
	v32 =	vshll.u32 v61, $0x10;
	v18 =	vadd.f32 v57, v18  }
0x1bc: {  	v15 =	vld [tilespmem:s24+$0x8FC0];
	v33 =	vshll.u32 v62, $0x10;
	v14 =	vadd.f32 v62, v61;
	v11 =	vadd.f32 v30, v11  }
0x1bd: {  	v40 =	vshll.u32 v7, $0x10;
	v7 =	vadd.f32 v8, v7;
	v34 =	vld [tilespmem:s24+$0xB7C0];
	v12 =	vadd.f32 v33, v32;
	[tilespmem:s23+$0xCE40] =	vst v18  }
0x1be: {  	v38 =	vld [tilespmem:s24+$0xA3C0];
	v35 =	vshll.u32 v25, $0x10;
	v36 =	vshll.u32 v28, $0x10;
	v14 =	vadd.f32 v25, v14;
	[tilespmem:s23+$0xCA40] =	vst v11  }
0x1bf: {  	v37 =	vshll.u32 v29, $0x10;
	v10 =	vadd.f32 v29, v28;
	v11 =	vadd.f32 v35, v12;
	v39 =	vld [tilespmem:s24+$0x8E50]  }
0x1c0: {  	v50 =	vshll.u32 v6, $0x10;
	v46 =	vshll.u32 v8, $0x10;
	v12 =	vadd.f32 v37, v36;
	v41 =	vld [tilespmem:s24+$0xB650];
	[tilespmem:s23+$0xCEC0] =	vst v14  }
0x1c1: {  	v42 =	vshll.u32 v31, $0x10;
	v43 =	vld [tilespmem:s24+$0xA250];
	v44 =	vshll.u32 v15, $0x10;
	v10 =	vadd.f32 v31, v10;
	[tilespmem:s23+$0xCAC0] =	vst v11  }
0x1c2: {  	v45 =	vshll.u32 v34, $0x10;
	v13 =	vadd.f32 v34, v15;
	v11 =	vadd.f32 v42, v12;
	v47 =	vld [tilespmem:s24+$0x8ED0]  }
0x1c3: {  	v6 =	vadd.f32 v6, v7;
	v24 =	vshll.u32 v4, $0x10;
	v12 =	vadd.f32 v45, v44;
	v48 =	vld [tilespmem:s24+$0xB6D0];
	[tilespmem:s23+$0xCF40] =	vst v10  }
0x1c4: {  	v4 =	vadd.f32 v5, v4;
	v49 =	vshll.u32 v38, $0x10;
	v51 =	vld [tilespmem:s24+$0xA2D0];
	v13 =	vadd.f32 v38, v13;
	[tilespmem:s23+$0xCB40] =	vst v11  }
0x1c5: {  	v16 =	vadd.f32 v46, v40;
	v52 =	vadd.f32 v49, v12;
	v55 =	vld [tilespmem:s24+$0x8F50]  }
0x1c6: {  	v56 =	vld [tilespmem:s24+$0xB750];
	[tilespmem:s23+$0xCFC0] =	vst v13;
	v53 =	vshll.u32 v39, $0x10;
	v54 =	vshll.u32 v41, $0x10;
	v58 =	vadd.f32 v41, v39  }
0x1c7: {  	v46 =	vshll.u32 v1, $0x10;
	v1 =	vadd.f32 v2, v1;
	v59 =	vld [tilespmem:s24+$0xA350];
	[tilespmem:s23+$0xCBC0] =	vst v52;
	v11 =	vadd.f32 v54, v53  }
0x1c8: {  	v57 =	vshll.u32 v43, $0x10;
	v62 =	vld [tilespmem:s24+$0x8FD0];
	v60 =	vshll.u32 v47, $0x10;
	v10 =	vadd.f32 v43, v58  }
0x1c9: {  	v63 =	vld [tilespmem:s24+$0xB7D0];
	v61 =	vshll.u32 v48, $0x10;
	v14 =	vadd.f32 v48, v47;
	v7 =	vadd.f32 v57, v11  }
0x1ca: {  	v36 =	vshll.u32 v3, $0x10;
	v3 =	vadd.f32 v3, v4;
	v28 =	vld [tilespmem:s24+$0xA3D0];
	v11 =	vadd.f32 v61, v60;
	[tilespmem:s23+$0xCE50] =	vst v10  }
0x1cb: {  	v54 =	vld [tilespmem:s24+$0xB5F0];
	v25 =	vshll.u32 v51, $0x10;
	v26 =	vshll.u32 v55, $0x10;
	v8 =	vadd.f32 v51, v14;
	[tilespmem:s23+$0xCA50] =	vst v7  }
0x1cc: {  	v27 =	vshll.u32 v56, $0x10;
	v12 =	vadd.f32 v56, v55;
	v7 =	vadd.f32 v25, v11;
	v30 =	vld [tilespmem:s24+$0x8E60]  }
0x1cd: {  	v32 =	vshll.u32 v59, $0x10;
	v10 =	vadd.f32 v27, v26;
	v31 =	vld [tilespmem:s24+$0xB660];
	[tilespmem:s23+$0xCED0] =	vst v8;
	v34 =	vshll.u32 v62, $0x10  }
0x1ce: {  	v33 =	vld [tilespmem:s24+$0xA260];
	v35 =	vshll.u32 v63, $0x10;
	v12 =	vadd.f32 v59, v12;
	v13 =	vadd.f32 v63, v62;
	[tilespmem:s23+$0xCAD0] =	vst v7  }
0x1cf: {  	v29 =	vshll.u32 v5, $0x10;
	v7 =	vadd.f32 v32, v10;
	v8 =	vadd.f32 v35, v34;
	v37 =	vld [tilespmem:s24+$0x8EE0]  }
0x1d0: {  	v15 =	vadd.f32 v50, v16;
	v14 =	vadd.f32 v29, v24;
	v39 =	vshll.u32 v28, $0x10;
	v38 =	vld [tilespmem:s24+$0xB6E0];
	[tilespmem:s23+$0xCF50] =	vst v12  }
0x1d1: {  	v40 =	vld [tilespmem:s24+$0xA2E0];
	v13 =	vadd.f32 v28, v13;
	[tilespmem:s23+$0xCB50] =	vst v7;
	v7 =	vadd.f32 v39, v8  }
0x1d2: {  	v43 =	vld [tilespmem:s24+$0x8F60];
	v41 =	vshll.u32 v30, $0x10;
	v42 =	vshll.u32 v31, $0x10;
	v11 =	vadd.f32 v31, v30  }
0x1d3: {  	v14 =	vadd.f32 v36, v14;
	v45 =	vld [tilespmem:s24+$0xB760];
	[tilespmem:s23+$0xCFD0] =	vst v13;
	v44 =	vadd.f32 v42, v41  }
0x1d4: {  	v48 =	vld [tilespmem:s24+$0xA360];
	[tilespmem:s23+$0xCBD0] =	vst v7;
	v47 =	vshll.u32 v33, $0x10;
	v49 =	vshll.u32 v37, $0x10;
	v11 =	vadd.f32 v33, v11  }
0x1d5: {  	[tilespmem:s23+$0xCC70] =	vst v6;
	v51 =	vld [tilespmem:s24+$0x8FE0];
	v50 =	vshll.u32 v38, $0x10;
	v10 =	vadd.f32 v38, v37;
	v4 =	vadd.f32 v47, v44  }
0x1d6: {  	v59 =	vshll.u32 v0, $0x10;
	v29 =	vshll.u32 v54, $0x10;
	v53 =	vld [tilespmem:s24+$0xB7E0];
	v12 =	vadd.f32 v50, v49;
	[tilespmem:s23+$0xCE60] =	vst v11  }
0x1d7: {  	v58 =	vld [tilespmem:s24+$0xA3E0];
	v55 =	vshll.u32 v40, $0x10;
	v56 =	vshll.u32 v43, $0x10;
	v5 =	vadd.f32 v40, v10;
	[tilespmem:s23+$0xCA60] =	vst v4  }
0x1d8: {  	[tilespmem:s23+$0xCCF0] =	vst v3;
	v57 =	vshll.u32 v45, $0x10;
	v8 =	vadd.f32 v45, v43;
	v4 =	vadd.f32 v55, v12;
	v60 =	vld [tilespmem:s24+$0x8E70]  }
0x1d9: {  	v0 =	vadd.f32 v0, v1;
	v28 =	vshll.u32 v9, $0x10;
	v11 =	vadd.f32 v57, v56;
	v61 =	vld [tilespmem:s24+$0xA270];
	[tilespmem:s23+$0xCEE0] =	vst v5  }
0x1da: {  	v62 =	vshll.u32 v48, $0x10;
	v63 =	vld [tilespmem:s24+$0xB670];
	v18 =	vshll.u32 v51, $0x10;
	v23 =	vadd.f32 v48, v8;
	[tilespmem:s23+$0xCAE0] =	vst v4  }
0x1db: {  	[tilespmem:s23+$0xC870] =	vst v15;
	v22 =	vshll.u32 v53, $0x10;
	v27 =	vadd.f32 v53, v51;
	v4 =	vadd.f32 v62, v11;
	v24 =	vld [tilespmem:s24+$0x8EF0]  }
0x1dc: {  	v52 =	vshll.u32 v2, $0x10;
	v6 =	vadd.f32 v29, v28;
	v5 =	vadd.f32 v22, v18;
	v25 =	vld [tilespmem:s24+$0xA2F0];
	[tilespmem:s23+$0xCF60] =	vst v23  }
0x1dd: {  	v7 =	vadd.f32 v52, v46;
	v26 =	vshll.u32 v58, $0x10;
	v30 =	vld [tilespmem:s24+$0xB6F0];
	v11 =	vadd.f32 v58, v27;
	[tilespmem:s23+$0xCB60] =	vst v4  }
0x1de: {  	v32 =	vshll.u32 v21, $0x10;
	[tilespmem:s23+$0xC8F0] =	vst v14;
	v9 =	vadd.f32 v54, v9;
	v4 =	vadd.f32 v26, v5;
	v31 =	vld [tilespmem:s24+$0x8F70]  }
0x1df: {  	v1 =	vadd.f32 v32, v6;
	v7 =	vadd.f32 v59, v7;
	[tilespmem:s23+$0xCFE0] =	vst v11;
	v36 =	vld [tilespmem:s24+$0xB770]  }
0x1e0: {  	v33 =	vld [tilespmem:s24+$0xA370];
	[tilespmem:s23+$0xCBE0] =	vst v4;
	v34 =	vshll.u32 v60, $0x10;
	v35 =	vshll.u32 v63, $0x10;
	v40 =	vadd.f32 v63, v60  }
0x1e1: {  	[tilespmem:s23+$0xCD70] =	vst v0;
	v37 =	vadd.f32 v21, v9;
	v38 =	vshll.u32 v61, $0x10;
	v4 =	vadd.f32 v35, v34;
	v39 =	vld [tilespmem:s24+$0x8FF0]  }
0x1e2: {  	[tilespmem:s23+$0xC9F0] =	vst v1;
	v43 =	vld [tilespmem:s24+$0xB7F0];
	v41 =	vshll.u32 v24, $0x10;
	v42 =	vshll.u32 v30, $0x10;
	v46 =	vadd.f32 v61, v40  }
0x1e3: {  	[tilespmem:s23+$0xC970] =	vst v7;
	v47 =	vshll.u32 v25, $0x10;
	v5 =	vadd.f32 v30, v24;
	v44 =	vadd.f32 v38, v4  }
0x1e4: {  	[tilespmem:s23+$0xCDF0] =	vst v37;
	v48 =	vld [tilespmem:s24+$0xA3F0];
	v45 =	vadd.f32 v42, v41;
	v50 =	vshll.u32 v31, $0x10;
	v51 =	vshll.u32 v36, $0x10  }
0x1e5: {  	v52 =	vadd.f32 v25, v5;
	v54 =	vshll.u32 v33, $0x10;
	[tilespmem:s23+$0xCE70] =	vst v46;
	v55 =	vadd.f32 v36, v31  }
0x1e6: {  	v49 =	vadd.f32 v47, v45;
	[tilespmem:s23+$0xCA70] =	vst v44;
	v53 =	vadd.f32 v51, v50;
	v56 =	vshll.u32 v39, $0x10  }
0x1e7: {  	p0 =	slt.u32 s22, $0x20;
	v57 =	vshll.u32 v43, $0x10;
	[tilespmem:s23+$0xCEF0] =	vst v52;
	v59 =	vadd.f32 v33, v55;
	v60 =	vadd.f32 v43, v39  }
.Ltmp1:
0x1e8: {  	[tilespmem:s23+$0xCAF0] =	vst v49;
	v2 =	vadd.f32 v54, v53;
	v58 =	vadd.f32 v57, v56;
	(pc) =	sbr.rel @p0 .LBB2_5-.Ltmp1, $4  }
0x1e9: {  	v61 =	vshll.u32 v48, $0x10;
	[tilespmem:s23+$0xCF70] =	vst v59;
	v63 =	vadd.f32 v48, v60  }
0x1ea: {  	[tilespmem:s23+$0xCB70] =	vst v2;
	v62 =	vadd.f32 v61, v58  }
0x1eb: {  	s16 =	sadd.s32 $0x8, s22;
	[tilespmem:s23+$0xCFF0] =	vst v63  }
0x1ec: {  	s22 =	smov.u32 s16;
	[tilespmem:s23+$0xCBF0] =	vst v62  }
0x1ed: {  	p0 =	seq.s32 s1, $0x3D  }
0x1ee: {  	s22 =	sadd.s32 @!p0 $0x78, s21;
	s23 =	simm.s32 @!p0 $0x28;
	s24 =	simm.s32 @!p0 $0x8C00  }
0x1ef: {  	[tilespmem:s24], [sflag:$0x3] =	stream.indirect.gather @!p0 [hbm4b:s4+s23], $0x80, s22, s23, $0xb8;
	[tilespmem:$0xF000] =	vst v63  }
0x1f0: {  	s16 =	simm.s32 @!p0 $0xA000;
	s24 =	sadd.s32 @!p0 $0x1478, s21  }
0x1f1: {  	[tilespmem:s16], [sflag:$0x3] =	stream.indirect.gather @!p0 [hbm4b:s5+s23], $0x80, s24, s23, $0xb8;
	[tilespmem:$0xF000] =	vst v63  }
0x1f2: {  	s16 =	sadd.s32 @!p0 s6, s22  }
0x1f3: {  	s1 =	sadd.s32 $0x1, s1;
	s16 =	sshll.u32 @!p0 s16, $0x4  }
0x1f4: {  	s22 =	simm.s32 @!p0 $0x0;
	s23 =	simm.s32 @!p0 $0xB400;
	s16 =	sadd.s32 @!p0 s7, s16  }
0x1f5: {  	[tilespmem:s23], [sflag:$0x3] =	stream.linear.gather @!p0 [hbm4b:s16+s22], $0x1400, $0x38;
	[tilespmem:$0xF000] =	vst v63  }
0x1f6: {  	p0 =	sne.s32 s1, $0x3E  }
.Ltmp2:
0x1f7: {  	_ = 	snop;
	(pc) =	sbr.rel @p0 .LBB2_2-.Ltmp2, $4  }
0x1f8: {  	s24 =	sadd.s32 s21, s12  }
0x1f9: {  	s16 =	sshll.u32 s24, $0x5  }
0x1fa: {  	s16 =	sadd.s32 s2, s16  }
0x1fb: {  	[hbm4b:s16+s3] =	stream.linear.scatter [tilespmem:s29], [sflag:$0x4], $0x2800, $0x38;
	[tilespmem:$0xF000] =	vst v63  }
0x1fc: {  	_ =	swait.ge [sflag:s25], $0x1400  }
0x1fd: {  	[sflag:s25] =	ssyncset.done $0x0  }
0x1fe: {  	[sflag:s25] =	ssyncadd.s32 $0xFFFFEC00  }
0x1ff: {  	_ =	swait.ge [sflag:s25], $0x1400  }
0x200: {  	[sflag:s25] =	ssyncset.done $0x0  }
0x201: {  	[sflag:s25] =	ssyncadd.s32 $0xFFFFEC00  }
0x202: {  	_ =	swait.ge [sflag:s25], $0x1400  }
0x203: {  	[sflag:s25] =	ssyncset.done $0x0  }
0x204: {  	[sflag:s25] =	ssyncadd.s32 $0xFFFFEC00  }
0x205: {  	_ =	swait.ge [sflag:s30], $0x2800  }
0x206: {  	[sflag:s30] =	ssyncset.done $0x0  }
0x207: {  	s1 =	simm.s32 $0x0;
	[sflag:s30] =	ssyncadd.s32 $0xFFFFD800  }
.LBB2_8:
0x208: {  	s22 =	sshll.u32 s1, $0x7  }
0x209: {  	v0 =	vld [tilespmem:s22+$0x2800]  }
0x20a: {  	v1 =	vld [tilespmem:s22+$0x5000]  }
0x20b: {  	v2 =	vld [tilespmem:s22+$0x3C00]  }
0x20c: {  	v3 =	vld [tilespmem:s22+$0x2880]  }
0x20d: {  	v4 =	vld [tilespmem:s22+$0x5080]  }
0x20e: {  	v5 =	vld [tilespmem:s22+$0x3C80]  }
0x20f: {  	v8 =	vld [tilespmem:s22+$0x2900];
	v6 =	vshll.u32 v0, $0x10;
	v7 =	vshll.u32 v1, $0x10;
	v0 =	vadd.f32 v1, v0  }
0x210: {  	v38 =	vld [tilespmem:s22+$0x5100];
	v6 =	vadd.f32 v7, v6  }
0x211: {  	s16 =	sshll.u32 s1, $0x8;
	v9 =	vshll.u32 v2, $0x10;
	v40 =	vshll.u32 v3, $0x10;
	v0 =	vadd.f32 v2, v0  }
0x212: {  	v10 =	vld [tilespmem:s22+$0x3D00];
	s21 =	sand.u32 $0x3FFFFF00, s16;
	v41 =	vshll.u32 v4, $0x10;
	v3 =	vadd.f32 v4, v3;
	v39 =	vadd.f32 v9, v6  }
0x213: {  	v42 =	vadd.f32 v41, v40;
	[tilespmem:s21+$0x6800] =	vst v0  }
0x214: {  	v43 =	vshll.u32 v5, $0x10;
	v45 =	vshll.u32 v8, $0x10;
	v3 =	vadd.f32 v5, v3;
	[tilespmem:s21+$0x6400] =	vst v39  }
0x215: {  	v46 =	vshll.u32 v38, $0x10;
	v50 =	vadd.f32 v38, v8;
	v44 =	vadd.f32 v43, v42;
	v47 =	vld [tilespmem:s22+$0x2810]  }
0x216: {  	v1 =	vadd.f32 v46, v45;
	[tilespmem:s21+$0x6880] =	vst v3;
	v48 =	vld [tilespmem:s22+$0x5010]  }
0x217: {  	v49 =	vshll.u32 v10, $0x10;
	v53 =	vadd.f32 v10, v50;
	[tilespmem:s21+$0x6480] =	vst v44;
	v51 =	vld [tilespmem:s22+$0x3C10]  }
0x218: {  	v0 =	vadd.f32 v49, v1;
	v52 =	vld [tilespmem:s22+$0x2890]  }
0x219: {  	[tilespmem:s21+$0x6900] =	vst v53;
	v54 =	vld [tilespmem:s22+$0x5090]  }
0x21a: {  	[tilespmem:s21+$0x6500] =	vst v0;
	v55 =	vld [tilespmem:s22+$0x3C90]  }
0x21b: {  	v58 =	vld [tilespmem:s22+$0x2910];
	v56 =	vshll.u32 v47, $0x10;
	v57 =	vshll.u32 v48, $0x10;
	v2 =	vadd.f32 v48, v47  }
0x21c: {  	v59 =	vld [tilespmem:s22+$0x5110];
	v3 =	vadd.f32 v57, v56  }
0x21d: {  	v60 =	vshll.u32 v51, $0x10;
	v61 =	vshll.u32 v52, $0x10;
	v2 =	vadd.f32 v51, v2  }
0x21e: {  	v63 =	vld [tilespmem:s22+$0x3D10];
	v62 =	vshll.u32 v54, $0x10;
	v1 =	vadd.f32 v54, v52;
	v3 =	vadd.f32 v60, v3  }
0x21f: {  	v4 =	vadd.f32 v62, v61;
	[tilespmem:s21+$0x6810] =	vst v2  }
0x220: {  	v12 =	vshll.u32 v55, $0x10;
	v14 =	vshll.u32 v58, $0x10;
	v0 =	vadd.f32 v55, v1;
	[tilespmem:s21+$0x6410] =	vst v3  }
0x221: {  	v15 =	vshll.u32 v59, $0x10;
	v20 =	vadd.f32 v59, v58;
	v13 =	vadd.f32 v12, v4;
	v16 =	vld [tilespmem:s22+$0x2820]  }
0x222: {  	v17 =	vadd.f32 v15, v14;
	[tilespmem:s21+$0x6890] =	vst v0;
	v18 =	vld [tilespmem:s22+$0x5020]  }
0x223: {  	v19 =	vshll.u32 v63, $0x10;
	v24 =	vadd.f32 v63, v20;
	[tilespmem:s21+$0x6490] =	vst v13;
	v21 =	vld [tilespmem:s22+$0x3C20]  }
0x224: {  	v22 =	vadd.f32 v19, v17;
	v23 =	vld [tilespmem:s22+$0x28A0]  }
0x225: {  	[tilespmem:s21+$0x6910] =	vst v24;
	v25 =	vld [tilespmem:s22+$0x50A0]  }
0x226: {  	[tilespmem:s21+$0x6510] =	vst v22;
	v26 =	vld [tilespmem:s22+$0x3CA0]  }
0x227: {  	v29 =	vld [tilespmem:s22+$0x2920]  }
0x228: {  	v30 =	vld [tilespmem:s22+$0x5120];
	v27 =	vshll.u32 v16, $0x10;
	v28 =	vshll.u32 v18, $0x10;
	v3 =	vadd.f32 v18, v16  }
0x229: {  	v11 =	vld [tilespmem:s22+$0x2980];
	v2 =	vadd.f32 v28, v27  }
0x22a: {  	v32 =	vld [tilespmem:s22+$0x3D20];
	v31 =	vshll.u32 v21, $0x10;
	v33 =	vshll.u32 v23, $0x10;
	v3 =	vadd.f32 v21, v3  }
0x22b: {  	v36 =	vld [tilespmem:s22+$0x5180];
	v34 =	vshll.u32 v25, $0x10;
	v1 =	vadd.f32 v25, v23;
	v2 =	vadd.f32 v31, v2  }
0x22c: {  	v37 =	vshll.u32 v26, $0x10;
	v35 =	vadd.f32 v34, v33;
	v38 =	vshll.u32 v29, $0x10;
	[tilespmem:s21+$0x6820] =	vst v3  }
0x22d: {  	v40 =	vld [tilespmem:s22+$0x3D80];
	v39 =	vshll.u32 v30, $0x10;
	v45 =	vadd.f32 v30, v29;
	v0 =	vadd.f32 v26, v1;
	[tilespmem:s21+$0x6420] =	vst v2  }
0x22e: {  	v42 =	vadd.f32 v39, v38;
	v2 =	vadd.f32 v37, v35;
	v41 =	vld [tilespmem:s22+$0x2830]  }
0x22f: {  	v44 =	vshll.u32 v32, $0x10;
	v4 =	vadd.f32 v32, v45;
	[tilespmem:s21+$0x68A0] =	vst v0;
	v43 =	vld [tilespmem:s22+$0x5030]  }
0x230: {  	v49 =	vshll.u32 v36, $0x10;
	v48 =	vshll.u32 v11, $0x10;
	v47 =	vadd.f32 v44, v42;
	v46 =	vld [tilespmem:s22+$0x3C30];
	[tilespmem:s21+$0x64A0] =	vst v2  }
0x231: {  	v53 =	vadd.f32 v36, v11;
	v1 =	vadd.f32 v49, v48;
	[tilespmem:s21+$0x6920] =	vst v4;
	v50 =	vld [tilespmem:s22+$0x28B0]  }
0x232: {  	v52 =	vshll.u32 v40, $0x10;
	[tilespmem:s21+$0x6520] =	vst v47;
	v51 =	vld [tilespmem:s22+$0x50B0]  }
0x233: {  	v5 =	vadd.f32 v40, v53;
	v0 =	vadd.f32 v52, v1;
	v57 =	vld [tilespmem:s22+$0x2930]  }
0x234: {  	v54 =	vld [tilespmem:s22+$0x3CB0];
	v55 =	vshll.u32 v41, $0x10;
	v56 =	vshll.u32 v43, $0x10;
	v3 =	vadd.f32 v43, v41  }
0x235: {  	[tilespmem:s21+$0x6980] =	vst v5;
	v58 =	vld [tilespmem:s22+$0x5130];
	v1 =	vadd.f32 v56, v55  }
0x236: {  	[tilespmem:s21+$0x6580] =	vst v0;
	v60 =	vld [tilespmem:s22+$0x3D30];
	v59 =	vshll.u32 v46, $0x10;
	v61 =	vshll.u32 v50, $0x10;
	v3 =	vadd.f32 v46, v3  }
0x237: {  	v63 =	vld [tilespmem:s22+$0x2990];
	v62 =	vshll.u32 v51, $0x10;
	v2 =	vadd.f32 v51, v50;
	v0 =	vadd.f32 v59, v1  }
0x238: {  	v12 =	vld [tilespmem:s22+$0x5190];
	v1 =	vadd.f32 v62, v61;
	[tilespmem:s21+$0x6830] =	vst v3  }
0x239: {  	v16 =	vld [tilespmem:s22+$0x3D90];
	v14 =	vshll.u32 v57, $0x10;
	v13 =	vshll.u32 v54, $0x10;
	v2 =	vadd.f32 v54, v2;
	[tilespmem:s21+$0x6430] =	vst v0  }
0x23a: {  	v15 =	vshll.u32 v58, $0x10;
	v4 =	vadd.f32 v58, v57;
	v0 =	vadd.f32 v13, v1;
	v17 =	vld [tilespmem:s22+$0x2840]  }
0x23b: {  	v1 =	vadd.f32 v15, v14;
	v18 =	vld [tilespmem:s22+$0x5040];
	[tilespmem:s21+$0x68B0] =	vst v2  }
0x23c: {  	v19 =	vshll.u32 v60, $0x10;
	v21 =	vshll.u32 v63, $0x10;
	v4 =	vadd.f32 v60, v4;
	v20 =	vld [tilespmem:s22+$0x3C40];
	[tilespmem:s21+$0x64B0] =	vst v0  }
0x23d: {  	v22 =	vshll.u32 v12, $0x10;
	v5 =	vadd.f32 v12, v63;
	v0 =	vadd.f32 v19, v1;
	v23 =	vld [tilespmem:s22+$0x28C0]  }
0x23e: {  	[tilespmem:s21+$0x6930] =	vst v4;
	v1 =	vadd.f32 v22, v21;
	v24 =	vld [tilespmem:s22+$0x50C0]  }
0x23f: {  	v25 =	vshll.u32 v16, $0x10;
	v5 =	vadd.f32 v16, v5;
	v26 =	vld [tilespmem:s22+$0x3CC0];
	[tilespmem:s21+$0x6530] =	vst v0  }
0x240: {  	v0 =	vadd.f32 v25, v1;
	v29 =	vld [tilespmem:s22+$0x2940]  }
0x241: {  	[tilespmem:s21+$0x6990] =	vst v5;
	v30 =	vld [tilespmem:s22+$0x5140];
	v27 =	vshll.u32 v17, $0x10;
	v28 =	vshll.u32 v18, $0x10;
	v3 =	vadd.f32 v18, v17  }
0x242: {  	v32 =	vld [tilespmem:s22+$0x3D40];
	[tilespmem:s21+$0x6590] =	vst v0;
	v1 =	vadd.f32 v28, v27  }
0x243: {  	v31 =	vshll.u32 v20, $0x10;
	v35 =	vld [tilespmem:s22+$0x29A0];
	v3 =	vadd.f32 v20, v3  }
0x244: {  	v36 =	vld [tilespmem:s22+$0x51A0];
	v0 =	vadd.f32 v31, v1  }
0x245: {  	v33 =	vshll.u32 v23, $0x10;
	v34 =	vshll.u32 v24, $0x10;
	v2 =	vadd.f32 v24, v23;
	[tilespmem:s21+$0x6840] =	vst v3  }
0x246: {  	v40 =	vld [tilespmem:s22+$0x3DA0];
	v37 =	vshll.u32 v26, $0x10;
	v1 =	vadd.f32 v34, v33;
	[tilespmem:s21+$0x6440] =	vst v0  }
0x247: {  	v38 =	vshll.u32 v29, $0x10;
	v39 =	vshll.u32 v30, $0x10;
	v2 =	vadd.f32 v26, v2;
	v41 =	vld [tilespmem:s22+$0x2850]  }
0x248: {  	v43 =	vshll.u32 v32, $0x10;
	v0 =	vadd.f32 v37, v1;
	v1 =	vadd.f32 v39, v38;
	v42 =	vld [tilespmem:s22+$0x5050]  }
0x249: {  	v4 =	vadd.f32 v30, v29;
	v44 =	vld [tilespmem:s22+$0x3C50];
	v45 =	vshll.u32 v35, $0x10;
	v46 =	vshll.u32 v36, $0x10  }
0x24a: {  	[tilespmem:s21+$0x64C0] =	vst v0;
	v0 =	vadd.f32 v43, v1;
	v1 =	vadd.f32 v46, v45;
	v45 =	vld [tilespmem:s22+$0x5200]  }
0x24b: {  	[tilespmem:s21+$0x68C0] =	vst v2;
	v4 =	vadd.f32 v32, v4;
	v46 =	vld [tilespmem:s22+$0x3E00]  }
0x24c: {  	v5 =	vadd.f32 v36, v35;
	v47 =	vld [tilespmem:s22+$0x28D0]  }
0x24d: {  	v48 =	vld [tilespmem:s22+$0x50D0];
	[tilespmem:s21+$0x6940] =	vst v4  }
0x24e: {  	v49 =	vshll.u32 v40, $0x10;
	v50 =	vld [tilespmem:s22+$0x3CD0];
	v5 =	vadd.f32 v40, v5;
	[tilespmem:s21+$0x6540] =	vst v0  }
0x24f: {  	v0 =	vadd.f32 v49, v1;
	v53 =	vld [tilespmem:s22+$0x2950]  }
0x250: {  	v54 =	vld [tilespmem:s22+$0x5150];
	[tilespmem:s21+$0x69A0] =	vst v5  }
0x251: {  	v56 =	vld [tilespmem:s22+$0x3D50];
	[tilespmem:s21+$0x65A0] =	vst v0  }
0x252: {  	v59 =	vld [tilespmem:s22+$0x29B0]  }
0x253: {  	v60 =	vld [tilespmem:s22+$0x51B0]  }
0x254: {  	v51 =	vshll.u32 v41, $0x10;
	v52 =	vshll.u32 v42, $0x10;
	v3 =	vadd.f32 v42, v41;
	v12 =	vld [tilespmem:s22+$0x3DB0]  }
0x255: {  	v1 =	vadd.f32 v52, v51;
	v51 =	vld [tilespmem:s22+$0x5380]  }
0x256: {  	v55 =	vshll.u32 v44, $0x10;
	v3 =	vadd.f32 v44, v3;
	v44 =	vld [tilespmem:s22+$0x2A00]  }
0x257: {  	v57 =	vshll.u32 v47, $0x10;
	v2 =	vadd.f32 v48, v47;
	v47 =	vld [tilespmem:s22+$0x5300];
	v0 =	vadd.f32 v55, v1  }
0x258: {  	v58 =	vshll.u32 v48, $0x10;
	v48 =	vld [tilespmem:s22+$0x3F00];
	[tilespmem:s21+$0x6850] =	vst v3  }
0x259: {  	v61 =	vshll.u32 v50, $0x10;
	v1 =	vadd.f32 v58, v57;
	v57 =	vld [tilespmem:s22+$0x3F80];
	v62 =	vshll.u32 v53, $0x10;
	[tilespmem:s21+$0x6450] =	vst v0  }
0x25a: {  	v63 =	vshll.u32 v54, $0x10;
	v2 =	vadd.f32 v50, v2;
	v4 =	vadd.f32 v54, v53;
	v13 =	vld [tilespmem:s22+$0x2860]  }
0x25b: {  	v0 =	vadd.f32 v61, v1;
	v1 =	vadd.f32 v63, v62;
	v14 =	vld [tilespmem:s22+$0x5060]  }
0x25c: {  	v15 =	vshll.u32 v56, $0x10;
	v16 =	vld [tilespmem:s22+$0x3C60];
	[tilespmem:s21+$0x68D0] =	vst v2  }
0x25d: {  	v4 =	vadd.f32 v56, v4;
	[tilespmem:s21+$0x64D0] =	vst v0;
	v0 =	vadd.f32 v15, v1;
	v15 =	vld [tilespmem:s22+$0x5280]  }
0x25e: {  	v19 =	vld [tilespmem:s22+$0x28E0]  }
0x25f: {  	v17 =	vshll.u32 v59, $0x10;
	v18 =	vshll.u32 v60, $0x10;
	v5 =	vadd.f32 v60, v59;
	v20 =	vld [tilespmem:s22+$0x50E0];
	[tilespmem:s21+$0x6950] =	vst v4  }
0x260: {  	v1 =	vadd.f32 v18, v17;
	v22 =	vld [tilespmem:s22+$0x3CE0];
	[tilespmem:s21+$0x6550] =	vst v0  }
0x261: {  	v21 =	vshll.u32 v12, $0x10;
	v5 =	vadd.f32 v12, v5;
	v25 =	vld [tilespmem:s22+$0x2960]  }
0x262: {  	v0 =	vadd.f32 v21, v1;
	v26 =	vld [tilespmem:s22+$0x5160]  }
0x263: {  	v28 =	vld [tilespmem:s22+$0x3D60];
	[tilespmem:s21+$0x69B0] =	vst v5  }
0x264: {  	v24 =	vshll.u32 v14, $0x10;
	[tilespmem:s21+$0x65B0] =	vst v0;
	v3 =	vadd.f32 v14, v13;
	v14 =	vld [tilespmem:s22+$0x2A80]  }
0x265: {  	v17 =	vshll.u32 v44, $0x10;
	v23 =	vshll.u32 v13, $0x10;
	v12 =	vld [tilespmem:s22+$0x29C0]  }
0x266: {  	v18 =	vshll.u32 v45, $0x10;
	v11 =	vadd.f32 v45, v44;
	v1 =	vadd.f32 v24, v23;
	v31 =	vld [tilespmem:s22+$0x51C0]  }
0x267: {  	v17 =	vadd.f32 v18, v17;
	v27 =	vshll.u32 v16, $0x10;
	v13 =	vld [tilespmem:s22+$0x3DC0];
	v3 =	vadd.f32 v16, v3  }
0x268: {  	v2 =	vadd.f32 v20, v19;
	v16 =	vld [tilespmem:s22+$0x3E80];
	v0 =	vadd.f32 v27, v1  }
0x269: {  	v11 =	vadd.f32 v46, v11;
	v29 =	vshll.u32 v19, $0x10;
	v30 =	vshll.u32 v20, $0x10;
	v19 =	vld [tilespmem:s22+$0x2B00];
	[tilespmem:s21+$0x6860] =	vst v3  }
0x26a: {  	v32 =	vshll.u32 v22, $0x10;
	v20 =	vshll.u32 v46, $0x10;
	v2 =	vadd.f32 v22, v2;
	v22 =	vld [tilespmem:s22+$0x2B80];
	[tilespmem:s21+$0x6460] =	vst v0  }
0x26b: {  	v17 =	vadd.f32 v20, v17;
	v7 =	vld [tilespmem:s22+$0x2870]  }
0x26c: {  	[tilespmem:s21+$0x6A00] =	vst v11;
	v1 =	vadd.f32 v30, v29;
	v6 =	vld [tilespmem:s22+$0x3C70]  }
0x26d: {  	v21 =	vshll.u32 v15, $0x10;
	v33 =	vshll.u32 v25, $0x10;
	v34 =	vshll.u32 v26, $0x10;
	[tilespmem:s21+$0x6600] =	vst v17;
	v8 =	vld [tilespmem:s22+$0x5070]  }
0x26e: {  	v35 =	vshll.u32 v28, $0x10;
	v36 =	vadd.f32 v26, v25;
	v0 =	vadd.f32 v32, v1;
	v23 =	vld [tilespmem:s22+$0x2A10]  }
0x26f: {  	v1 =	vadd.f32 v34, v33;
	v49 =	vshll.u32 v14, $0x10;
	v14 =	vadd.f32 v15, v14;
	[tilespmem:s21+$0x68E0] =	vst v2;
	v59 =	vld [tilespmem:s22+$0x5210]  }
0x270: {  	v37 =	vshll.u32 v12, $0x10;
	v39 =	vadd.f32 v28, v36;
	v41 =	vadd.f32 v31, v12;
	v61 =	vld [tilespmem:s22+$0x3E10];
	[tilespmem:s21+$0x64E0] =	vst v0  }
0x271: {  	v38 =	vshll.u32 v31, $0x10;
	v50 =	vadd.f32 v21, v49;
	v0 =	vadd.f32 v35, v1;
	v4 =	vld [tilespmem:s22+$0x28F0]  }
0x272: {  	v1 =	vadd.f32 v38, v37;
	v14 =	vadd.f32 v16, v14;
	v3 =	vld [tilespmem:s22+$0x3CF0];
	[tilespmem:s21+$0x6960] =	vst v39  }
0x273: {  	v40 =	vshll.u32 v13, $0x10;
	v53 =	vshll.u32 v16, $0x10;
	v5 =	vld [tilespmem:s22+$0x50F0];
	v43 =	vadd.f32 v13, v41;
	[tilespmem:s21+$0x6560] =	vst v0  }
0x274: {  	v54 =	vadd.f32 v53, v50;
	v42 =	vadd.f32 v40, v1;
	[tilespmem:s21+$0x6A80] =	vst v14;
	v1 =	vld [tilespmem:s22+$0x2970]  }
0x275: {  	v0 =	vld [tilespmem:s22+$0x3D70];
	[tilespmem:s21+$0x69C0] =	vst v43  }
0x276: {  	v2 =	vld [tilespmem:s22+$0x5170];
	[tilespmem:s21+$0x6680] =	vst v54  }
0x277: {  	v56 =	vshll.u32 v47, $0x10;
	v55 =	vshll.u32 v19, $0x10;
	v18 =	vadd.f32 v47, v19;
	[tilespmem:s21+$0x65C0] =	vst v42;
	v25 =	vld [tilespmem:s22+$0x2A90]  }
0x278: {  	v13 =	vadd.f32 v56, v55;
	v9 =	vld [tilespmem:s22+$0x29D0]  }
0x279: {  	v63 =	vshll.u32 v51, $0x10;
	v60 =	vshll.u32 v48, $0x10;
	v12 =	vadd.f32 v48, v18;
	v52 =	vld [tilespmem:s22+$0x51D0]  }
0x27a: {  	v62 =	vshll.u32 v22, $0x10;
	v20 =	vadd.f32 v51, v22;
	v11 =	vadd.f32 v60, v13;
	v26 =	vld [tilespmem:s22+$0x5290]  }
0x27b: {  	v13 =	vadd.f32 v63, v62;
	[tilespmem:s21+$0x6B00] =	vst v12;
	v10 =	vld [tilespmem:s22+$0x3DD0]  }
0x27c: {  	v27 =	vshll.u32 v57, $0x10;
	v29 =	vld [tilespmem:s22+$0x3E90];
	v30 =	vshll.u32 v23, $0x10;
	v17 =	vadd.f32 v57, v20;
	[tilespmem:s21+$0x6700] =	vst v11  }
0x27d: {  	v31 =	vshll.u32 v59, $0x10;
	v35 =	vadd.f32 v59, v23;
	v11 =	vadd.f32 v27, v13;
	v32 =	vld [tilespmem:s22+$0x2B10]  }
0x27e: {  	v12 =	vadd.f32 v31, v30;
	v33 =	vld [tilespmem:s22+$0x5310];
	[tilespmem:s21+$0x6B80] =	vst v17;
	v58 =	vshll.u32 v9, $0x10;
	v9 =	vadd.f32 v52, v9  }
0x27f: {  	v34 =	vshll.u32 v61, $0x10;
	v36 =	vld [tilespmem:s22+$0x3F10];
	[tilespmem:s21+$0x6780] =	vst v11;
	v11 =	vadd.f32 v61, v35;
	v24 =	vshll.u32 v52, $0x10  }
0x280: {  	v17 =	vld [tilespmem:s22+$0x2B90];
	v28 =	vshll.u32 v10, $0x10;
	v9 =	vadd.f32 v10, v9;
	v10 =	vadd.f32 v34, v12  }
0x281: {  	v39 =	vld [tilespmem:s22+$0x5390];
	[tilespmem:s21+$0x6A10] =	vst v11;
	v15 =	vadd.f32 v24, v58  }
0x282: {  	v43 =	vld [tilespmem:s22+$0x3F90];
	v37 =	vshll.u32 v25, $0x10;
	v38 =	vshll.u32 v26, $0x10;
	v14 =	vadd.f32 v26, v25;
	[tilespmem:s21+$0x6610] =	vst v10  }
0x283: {  	v12 =	vadd.f32 v38, v37;
	v15 =	vadd.f32 v28, v15;
	v44 =	vld [tilespmem:s22+$0x2A20]  }
0x284: {  	v40 =	vshll.u32 v29, $0x10;
	v41 =	vshll.u32 v32, $0x10;
	v14 =	vadd.f32 v29, v14;
	[tilespmem:s21+$0x69D0] =	vst v9;
	v45 =	vld [tilespmem:s22+$0x5220]  }
0x285: {  	v42 =	vshll.u32 v33, $0x10;
	v13 =	vadd.f32 v33, v32;
	v10 =	vadd.f32 v40, v12;
	[tilespmem:s21+$0x65D0] =	vst v15;
	v47 =	vld [tilespmem:s22+$0x3E20]  }
0x286: {  	v11 =	vadd.f32 v42, v41;
	[tilespmem:s21+$0x6A90] =	vst v14;
	v9 =	vld [tilespmem:s22+$0x29E0]  }
0x287: {  	v46 =	vshll.u32 v36, $0x10;
	v48 =	vshll.u32 v17, $0x10;
	v13 =	vadd.f32 v36, v13;
	[tilespmem:s21+$0x6690] =	vst v10;
	v20 =	vld [tilespmem:s22+$0x3DE0]  }
0x288: {  	v49 =	vshll.u32 v39, $0x10;
	v15 =	vadd.f32 v39, v17;
	v10 =	vadd.f32 v46, v11;
	v50 =	vld [tilespmem:s22+$0x2AA0]  }
0x289: {  	[tilespmem:s21+$0x6B10] =	vst v13;
	v11 =	vadd.f32 v49, v48;
	v51 =	vld [tilespmem:s22+$0x52A0]  }
0x28a: {  	v52 =	vshll.u32 v43, $0x10;
	v53 =	vld [tilespmem:s22+$0x3EA0];
	v15 =	vadd.f32 v43, v15;
	[tilespmem:s21+$0x6710] =	vst v10  }
0x28b: {  	v10 =	vadd.f32 v52, v11;
	v56 =	vld [tilespmem:s22+$0x2B20]  }
0x28c: {  	v57 =	vld [tilespmem:s22+$0x5320];
	[tilespmem:s21+$0x6B90] =	vst v15;
	v54 =	vshll.u32 v44, $0x10;
	v55 =	vshll.u32 v45, $0x10;
	v12 =	vadd.f32 v45, v44  }
0x28d: {  	v59 =	vld [tilespmem:s22+$0x3F20];
	[tilespmem:s21+$0x6790] =	vst v10;
	v11 =	vadd.f32 v55, v54  }
0x28e: {  	v58 =	vshll.u32 v47, $0x10;
	v62 =	vld [tilespmem:s22+$0x2BA0];
	v60 =	vshll.u32 v50, $0x10;
	v12 =	vadd.f32 v47, v12  }
0x28f: {  	v63 =	vld [tilespmem:s22+$0x53A0];
	v61 =	vshll.u32 v51, $0x10;
	v14 =	vadd.f32 v51, v50;
	v10 =	vadd.f32 v58, v11  }
0x290: {  	v48 =	vld [tilespmem:s22+$0x51E0];
	v11 =	vadd.f32 v61, v60;
	[tilespmem:s21+$0x6A20] =	vst v12  }
0x291: {  	v27 =	vld [tilespmem:s22+$0x3FA0];
	v24 =	vshll.u32 v53, $0x10;
	v25 =	vshll.u32 v56, $0x10;
	v14 =	vadd.f32 v53, v14;
	[tilespmem:s21+$0x6620] =	vst v10  }
0x292: {  	v26 =	vshll.u32 v57, $0x10;
	v13 =	vadd.f32 v57, v56;
	v10 =	vadd.f32 v24, v11;
	v28 =	vld [tilespmem:s22+$0x2A30]  }
0x293: {  	v30 =	vshll.u32 v59, $0x10;
	v11 =	vadd.f32 v26, v25;
	v29 =	vld [tilespmem:s22+$0x5230];
	[tilespmem:s21+$0x6AA0] =	vst v14;
	v32 =	vshll.u32 v62, $0x10  }
0x294: {  	v31 =	vld [tilespmem:s22+$0x3E30];
	v33 =	vshll.u32 v63, $0x10;
	v13 =	vadd.f32 v59, v13;
	v15 =	vadd.f32 v63, v62;
	[tilespmem:s21+$0x66A0] =	vst v10  }
0x295: {  	v10 =	vadd.f32 v30, v11;
	v11 =	vadd.f32 v33, v32;
	v34 =	vld [tilespmem:s22+$0x2AB0]  }
0x296: {  	v36 =	vshll.u32 v27, $0x10;
	v35 =	vld [tilespmem:s22+$0x52B0];
	[tilespmem:s21+$0x6B20] =	vst v13  }
0x297: {  	v37 =	vld [tilespmem:s22+$0x3EB0];
	v15 =	vadd.f32 v27, v15;
	[tilespmem:s21+$0x6720] =	vst v10;
	v10 =	vadd.f32 v36, v11  }
0x298: {  	v40 =	vld [tilespmem:s22+$0x2B30];
	v38 =	vshll.u32 v28, $0x10;
	v39 =	vshll.u32 v29, $0x10;
	v12 =	vadd.f32 v29, v28  }
0x299: {  	v41 =	vld [tilespmem:s22+$0x5330];
	[tilespmem:s21+$0x6BA0] =	vst v15;
	v11 =	vadd.f32 v39, v38  }
0x29a: {  	v43 =	vld [tilespmem:s22+$0x3F30];
	[tilespmem:s21+$0x67A0] =	vst v10;
	v42 =	vshll.u32 v31, $0x10;
	v44 =	vshll.u32 v34, $0x10;
	v12 =	vadd.f32 v31, v12  }
0x29b: {  	v46 =	vld [tilespmem:s22+$0x2BB0];
	v45 =	vshll.u32 v35, $0x10;
	v14 =	vadd.f32 v35, v34;
	v10 =	vadd.f32 v42, v11  }
0x29c: {  	v54 =	vshll.u32 v9, $0x10;
	v9 =	vadd.f32 v48, v9;
	v47 =	vld [tilespmem:s22+$0x53B0];
	v11 =	vadd.f32 v45, v44;
	[tilespmem:s21+$0x6A30] =	vst v12  }
0x29d: {  	v52 =	vld [tilespmem:s22+$0x3FB0];
	v49 =	vshll.u32 v37, $0x10;
	v14 =	vadd.f32 v37, v14;
	[tilespmem:s21+$0x6630] =	vst v10  }
0x29e: {  	v60 =	vshll.u32 v48, $0x10;
	v9 =	vadd.f32 v20, v9;
	v10 =	vadd.f32 v49, v11;
	v53 =	vld [tilespmem:s22+$0x2A40]  }
0x29f: {  	v24 =	vshll.u32 v20, $0x10;
	v50 =	vshll.u32 v40, $0x10;
	v12 =	vadd.f32 v60, v54;
	v55 =	vld [tilespmem:s22+$0x5240];
	[tilespmem:s21+$0x6AB0] =	vst v14  }
0x2a0: {  	v51 =	vshll.u32 v41, $0x10;
	v56 =	vshll.u32 v43, $0x10;
	v13 =	vadd.f32 v41, v40;
	v57 =	vld [tilespmem:s22+$0x3E40];
	[tilespmem:s21+$0x66B0] =	vst v10  }
0x2a1: {  	v11 =	vadd.f32 v51, v50;
	v58 =	vshll.u32 v46, $0x10;
	v12 =	vadd.f32 v24, v12;
	v61 =	vld [tilespmem:s22+$0x2AC0]  }
0x2a2: {  	[tilespmem:s21+$0x69E0] =	vst v9;
	v59 =	vshll.u32 v47, $0x10;
	v13 =	vadd.f32 v43, v13;
	v15 =	vadd.f32 v47, v46;
	v62 =	vld [tilespmem:s22+$0x52C0]  }
0x2a3: {  	v10 =	vadd.f32 v56, v11;
	v11 =	vadd.f32 v59, v58;
	v25 =	vld [tilespmem:s22+$0x3EC0];
	[tilespmem:s21+$0x65E0] =	vst v12  }
0x2a4: {  	v63 =	vshll.u32 v52, $0x10;
	[tilespmem:s21+$0x6B30] =	vst v13;
	v9 =	vld [tilespmem:s22+$0x29F0]  }
0x2a5: {  	v15 =	vadd.f32 v52, v15;
	[tilespmem:s21+$0x6730] =	vst v10;
	v10 =	vadd.f32 v63, v11;
	v21 =	vld [tilespmem:s22+$0x3DF0]  }
0x2a6: {  	v28 =	vld [tilespmem:s22+$0x2B40];
	v26 =	vshll.u32 v53, $0x10;
	v27 =	vshll.u32 v55, $0x10;
	v18 =	vadd.f32 v55, v53  }
0x2a7: {  	v29 =	vld [tilespmem:s22+$0x5340];
	[tilespmem:s21+$0x6BB0] =	vst v15;
	v11 =	vadd.f32 v27, v26  }
0x2a8: {  	v31 =	vld [tilespmem:s22+$0x3F40];
	[tilespmem:s21+$0x67B0] =	vst v10;
	v30 =	vshll.u32 v57, $0x10;
	v32 =	vshll.u32 v61, $0x10;
	v18 =	vadd.f32 v57, v18  }
0x2a9: {  	v15 =	vld [tilespmem:s22+$0x2BC0];
	v33 =	vshll.u32 v62, $0x10;
	v14 =	vadd.f32 v62, v61;
	v11 =	vadd.f32 v30, v11  }
0x2aa: {  	v40 =	vshll.u32 v7, $0x10;
	v7 =	vadd.f32 v8, v7;
	v34 =	vld [tilespmem:s22+$0x53C0];
	v12 =	vadd.f32 v33, v32;
	[tilespmem:s21+$0x6A40] =	vst v18  }
0x2ab: {  	v38 =	vld [tilespmem:s22+$0x3FC0];
	v35 =	vshll.u32 v25, $0x10;
	v36 =	vshll.u32 v28, $0x10;
	v14 =	vadd.f32 v25, v14;
	[tilespmem:s21+$0x6640] =	vst v11  }
0x2ac: {  	v37 =	vshll.u32 v29, $0x10;
	v10 =	vadd.f32 v29, v28;
	v11 =	vadd.f32 v35, v12;
	v39 =	vld [tilespmem:s22+$0x2A50]  }
0x2ad: {  	v50 =	vshll.u32 v6, $0x10;
	v46 =	vshll.u32 v8, $0x10;
	v12 =	vadd.f32 v37, v36;
	v41 =	vld [tilespmem:s22+$0x5250];
	[tilespmem:s21+$0x6AC0] =	vst v14  }
0x2ae: {  	v42 =	vshll.u32 v31, $0x10;
	v43 =	vld [tilespmem:s22+$0x3E50];
	v44 =	vshll.u32 v15, $0x10;
	v10 =	vadd.f32 v31, v10;
	[tilespmem:s21+$0x66C0] =	vst v11  }
0x2af: {  	v45 =	vshll.u32 v34, $0x10;
	v13 =	vadd.f32 v34, v15;
	v11 =	vadd.f32 v42, v12;
	v47 =	vld [tilespmem:s22+$0x2AD0]  }
0x2b0: {  	v6 =	vadd.f32 v6, v7;
	v24 =	vshll.u32 v4, $0x10;
	v12 =	vadd.f32 v45, v44;
	v48 =	vld [tilespmem:s22+$0x52D0];
	[tilespmem:s21+$0x6B40] =	vst v10  }
0x2b1: {  	v4 =	vadd.f32 v5, v4;
	v49 =	vshll.u32 v38, $0x10;
	v51 =	vld [tilespmem:s22+$0x3ED0];
	v13 =	vadd.f32 v38, v13;
	[tilespmem:s21+$0x6740] =	vst v11  }
0x2b2: {  	v16 =	vadd.f32 v46, v40;
	v52 =	vadd.f32 v49, v12;
	v55 =	vld [tilespmem:s22+$0x2B50]  }
0x2b3: {  	v56 =	vld [tilespmem:s22+$0x5350];
	[tilespmem:s21+$0x6BC0] =	vst v13;
	v53 =	vshll.u32 v39, $0x10;
	v54 =	vshll.u32 v41, $0x10;
	v58 =	vadd.f32 v41, v39  }
0x2b4: {  	v46 =	vshll.u32 v1, $0x10;
	v1 =	vadd.f32 v2, v1;
	v59 =	vld [tilespmem:s22+$0x3F50];
	[tilespmem:s21+$0x67C0] =	vst v52;
	v11 =	vadd.f32 v54, v53  }
0x2b5: {  	v57 =	vshll.u32 v43, $0x10;
	v62 =	vld [tilespmem:s22+$0x2BD0];
	v60 =	vshll.u32 v47, $0x10;
	v10 =	vadd.f32 v43, v58  }
0x2b6: {  	v63 =	vld [tilespmem:s22+$0x53D0];
	v61 =	vshll.u32 v48, $0x10;
	v14 =	vadd.f32 v48, v47;
	v7 =	vadd.f32 v57, v11  }
0x2b7: {  	v36 =	vshll.u32 v3, $0x10;
	v3 =	vadd.f32 v3, v4;
	v28 =	vld [tilespmem:s22+$0x3FD0];
	v11 =	vadd.f32 v61, v60;
	[tilespmem:s21+$0x6A50] =	vst v10  }
0x2b8: {  	v54 =	vld [tilespmem:s22+$0x51F0];
	v25 =	vshll.u32 v51, $0x10;
	v26 =	vshll.u32 v55, $0x10;
	v8 =	vadd.f32 v51, v14;
	[tilespmem:s21+$0x6650] =	vst v7  }
0x2b9: {  	v27 =	vshll.u32 v56, $0x10;
	v12 =	vadd.f32 v56, v55;
	v7 =	vadd.f32 v25, v11;
	v30 =	vld [tilespmem:s22+$0x2A60]  }
0x2ba: {  	v32 =	vshll.u32 v59, $0x10;
	v10 =	vadd.f32 v27, v26;
	v31 =	vld [tilespmem:s22+$0x5260];
	[tilespmem:s21+$0x6AD0] =	vst v8;
	v34 =	vshll.u32 v62, $0x10  }
0x2bb: {  	v33 =	vld [tilespmem:s22+$0x3E60];
	v35 =	vshll.u32 v63, $0x10;
	v12 =	vadd.f32 v59, v12;
	v13 =	vadd.f32 v63, v62;
	[tilespmem:s21+$0x66D0] =	vst v7  }
0x2bc: {  	v29 =	vshll.u32 v5, $0x10;
	v7 =	vadd.f32 v32, v10;
	v8 =	vadd.f32 v35, v34;
	v37 =	vld [tilespmem:s22+$0x2AE0]  }
0x2bd: {  	v15 =	vadd.f32 v50, v16;
	v14 =	vadd.f32 v29, v24;
	v39 =	vshll.u32 v28, $0x10;
	v38 =	vld [tilespmem:s22+$0x52E0];
	[tilespmem:s21+$0x6B50] =	vst v12  }
0x2be: {  	v40 =	vld [tilespmem:s22+$0x3EE0];
	v13 =	vadd.f32 v28, v13;
	[tilespmem:s21+$0x6750] =	vst v7;
	v7 =	vadd.f32 v39, v8  }
0x2bf: {  	v43 =	vld [tilespmem:s22+$0x2B60];
	v41 =	vshll.u32 v30, $0x10;
	v42 =	vshll.u32 v31, $0x10;
	v11 =	vadd.f32 v31, v30  }
0x2c0: {  	v14 =	vadd.f32 v36, v14;
	v45 =	vld [tilespmem:s22+$0x5360];
	[tilespmem:s21+$0x6BD0] =	vst v13;
	v44 =	vadd.f32 v42, v41  }
0x2c1: {  	v48 =	vld [tilespmem:s22+$0x3F60];
	[tilespmem:s21+$0x67D0] =	vst v7;
	v47 =	vshll.u32 v33, $0x10;
	v49 =	vshll.u32 v37, $0x10;
	v11 =	vadd.f32 v33, v11  }
0x2c2: {  	[tilespmem:s21+$0x6870] =	vst v6;
	v51 =	vld [tilespmem:s22+$0x2BE0];
	v50 =	vshll.u32 v38, $0x10;
	v10 =	vadd.f32 v38, v37;
	v4 =	vadd.f32 v47, v44  }
0x2c3: {  	v59 =	vshll.u32 v0, $0x10;
	v29 =	vshll.u32 v54, $0x10;
	v53 =	vld [tilespmem:s22+$0x53E0];
	v12 =	vadd.f32 v50, v49;
	[tilespmem:s21+$0x6A60] =	vst v11  }
0x2c4: {  	v58 =	vld [tilespmem:s22+$0x3FE0];
	v55 =	vshll.u32 v40, $0x10;
	v56 =	vshll.u32 v43, $0x10;
	v5 =	vadd.f32 v40, v10;
	[tilespmem:s21+$0x6660] =	vst v4  }
0x2c5: {  	[tilespmem:s21+$0x68F0] =	vst v3;
	v57 =	vshll.u32 v45, $0x10;
	v8 =	vadd.f32 v45, v43;
	v4 =	vadd.f32 v55, v12;
	v60 =	vld [tilespmem:s22+$0x2A70]  }
0x2c6: {  	v0 =	vadd.f32 v0, v1;
	v28 =	vshll.u32 v9, $0x10;
	v11 =	vadd.f32 v57, v56;
	v61 =	vld [tilespmem:s22+$0x3E70];
	[tilespmem:s21+$0x6AE0] =	vst v5  }
0x2c7: {  	v62 =	vshll.u32 v48, $0x10;
	v63 =	vld [tilespmem:s22+$0x5270];
	v18 =	vshll.u32 v51, $0x10;
	v23 =	vadd.f32 v48, v8;
	[tilespmem:s21+$0x66E0] =	vst v4  }
0x2c8: {  	[tilespmem:s21+$0x6470] =	vst v15;
	v22 =	vshll.u32 v53, $0x10;
	v27 =	vadd.f32 v53, v51;
	v4 =	vadd.f32 v62, v11;
	v24 =	vld [tilespmem:s22+$0x2AF0]  }
0x2c9: {  	v52 =	vshll.u32 v2, $0x10;
	v6 =	vadd.f32 v29, v28;
	v5 =	vadd.f32 v22, v18;
	v25 =	vld [tilespmem:s22+$0x3EF0];
	[tilespmem:s21+$0x6B60] =	vst v23  }
0x2ca: {  	v7 =	vadd.f32 v52, v46;
	v26 =	vshll.u32 v58, $0x10;
	v30 =	vld [tilespmem:s22+$0x52F0];
	v11 =	vadd.f32 v58, v27;
	[tilespmem:s21+$0x6760] =	vst v4  }
0x2cb: {  	v32 =	vshll.u32 v21, $0x10;
	[tilespmem:s21+$0x64F0] =	vst v14;
	v9 =	vadd.f32 v54, v9;
	v4 =	vadd.f32 v26, v5;
	v31 =	vld [tilespmem:s22+$0x2B70]  }
0x2cc: {  	v1 =	vadd.f32 v32, v6;
	v7 =	vadd.f32 v59, v7;
	[tilespmem:s21+$0x6BE0] =	vst v11;
	v36 =	vld [tilespmem:s22+$0x5370]  }
0x2cd: {  	v33 =	vld [tilespmem:s22+$0x3F70];
	[tilespmem:s21+$0x67E0] =	vst v4;
	v34 =	vshll.u32 v60, $0x10;
	v35 =	vshll.u32 v63, $0x10;
	v40 =	vadd.f32 v63, v60  }
0x2ce: {  	[tilespmem:s21+$0x6970] =	vst v0;
	v37 =	vadd.f32 v21, v9;
	v38 =	vshll.u32 v61, $0x10;
	v4 =	vadd.f32 v35, v34;
	v39 =	vld [tilespmem:s22+$0x2BF0]  }
0x2cf: {  	[tilespmem:s21+$0x65F0] =	vst v1;
	v43 =	vld [tilespmem:s22+$0x53F0];
	v41 =	vshll.u32 v24, $0x10;
	v42 =	vshll.u32 v30, $0x10;
	v46 =	vadd.f32 v61, v40  }
0x2d0: {  	[tilespmem:s21+$0x6570] =	vst v7;
	v47 =	vshll.u32 v25, $0x10;
	v5 =	vadd.f32 v30, v24;
	v44 =	vadd.f32 v38, v4  }
0x2d1: {  	[tilespmem:s21+$0x69F0] =	vst v37;
	v48 =	vld [tilespmem:s22+$0x3FF0];
	v45 =	vadd.f32 v42, v41;
	v50 =	vshll.u32 v31, $0x10;
	v51 =	vshll.u32 v36, $0x10  }
0x2d2: {  	v52 =	vadd.f32 v25, v5;
	v54 =	vshll.u32 v33, $0x10;
	[tilespmem:s21+$0x6A70] =	vst v46;
	v55 =	vadd.f32 v36, v31  }
0x2d3: {  	v49 =	vadd.f32 v47, v45;
	[tilespmem:s21+$0x6670] =	vst v44;
	v53 =	vadd.f32 v51, v50;
	v56 =	vshll.u32 v39, $0x10  }
0x2d4: {  	p0 =	slt.u32 s1, $0x20;
	v57 =	vshll.u32 v43, $0x10;
	[tilespmem:s21+$0x6AF0] =	vst v52;
	v59 =	vadd.f32 v33, v55;
	v60 =	vadd.f32 v43, v39  }
.Ltmp3:
0x2d5: {  	[tilespmem:s21+$0x66F0] =	vst v49;
	v2 =	vadd.f32 v54, v53;
	v58 =	vadd.f32 v57, v56;
	(pc) =	sbr.rel @p0 .LBB2_8-.Ltmp3, $4  }
0x2d6: {  	v61 =	vshll.u32 v48, $0x10;
	[tilespmem:s21+$0x6B70] =	vst v59;
	v63 =	vadd.f32 v48, v60  }
0x2d7: {  	[tilespmem:s21+$0x6770] =	vst v2;
	v62 =	vadd.f32 v61, v58  }
0x2d8: {  	s24 =	sadd.s32 $0x8, s1;
	[tilespmem:s21+$0x6BF0] =	vst v63  }
0x2d9: {  	s1 =	smov.u32 s24;
	[tilespmem:s21+$0x67F0] =	vst v62  }
0x2da: {  	[hbm4b:s13+s3] =	stream.linear.scatter [tilespmem:s26], [sflag:$0x2], $0x2800, $0x38;
	[tilespmem:$0xF000] =	vst v63  }
0x2db: {  	s0 =	sadd.s32 $0x1, s0  }
0x2dc: {  	_ =	swait.ge [sflag:s30], $0x2800;
	p0 =	sne.s32 s0, s14  }
.Ltmp4:
0x2dd: {  	[sflag:s30] =	ssyncset.done $0x0;
	(pc) =	sbr.rel @p0 .LBB2_1-.Ltmp4, $4  }
0x2de: {  	[sflag:s30] =	ssyncadd.s32 $0xFFFFD800  }
0x2df: {  	_ =	swait.ge [sflag:s31], $0x2800  }
0x2e0: {  	[sflag:s31] =	ssyncset.done $0x0  }
0x2e1: {  	[sflag:s31] =	ssyncadd.s32 $0xFFFFD800  }
0x2e2: {  	_ =	sfence.sel $0x180000  }
0x2e3: {  	[bflag:$0x0] =	sbarrier.arrive $0xFFFF  }
0x2e4: {  	_ =	strace $0x90000047  }
0x2e5: {  	s0 =	stileid.u32;
	[bflag:$0x2] =	sbarrier.arrive $0xFFFF  }
0x2e6: {  	p0 =	sne.s32 s0, $0x0;
	s0 =	rddreg [dreg:$0x4]  }
0x2e7: {  	s0 =	sadd.s32 @!p0 $0x100000, s0  }
0x2e8: {  	[sflag:s0] =	ssyncadd.tile.s32 @!p0 $0x1;
	_ =	shalt  }
.Lfunc_end2:
_tile_overlayer_lowered:
.L_overlay_start_2:
0x2e9: {  	(tag) =	ssettag $0x2  }
0x2ea: {  	s0 =	rddreg [dreg:$0x0];
	s2 =	stileid.u32  }
0x2eb: {  	s1 =	rddreg [dreg:$0x1];
	p0 =	sne.s32 s2, $0x0  }
0x2ec: {  	s3 =	rddreg [dreg:$0x2];
	[bflag:$0x3] =	sbarrier.arrive $0xFFFF;
	s2 =	simm.s32 @!p0 $0x1C05  }
0x2ed: {  	[timem:s3], [sflag:s2] =	dma.local @!p0 [hbm:s0], s1  }
0x2ee: {  	s0 =	simm.s32 @!p0 $0x5  }
0x2ef: {  	_ =	swait.ge @!p0 [sflag:s0], s1  }
0x2f0: {  	s1 =	ssub.s32 @!p0 $0x0, s1;
	[sflag:s0] =	ssyncset.done @!p0 $0x0  }
0x2f1: {  	[sflag:s0] =	ssyncadd.s32 @!p0 s1  }
0x2f2: {  	[bflag:$0x3] =	sbarrier.arrive $0xFFFF  }
0x2f3: {  	_ =	shalt  }

</sc_bundles>
